<compile_context>
chip_gen: v7x
topology: tpu7x:2x2x1
jax: 0.10.2.dev20260603
libtpu: 0.0.44.dev20260713+nightly
codegen_flags: <defaults>
</compile_context>

<pallas_src>
import functools

import jax
import jax.numpy as jnp
from jax import lax
from jax.experimental import pallas as pl
from jax.experimental.pallas import tpu as pltpu
from jax.experimental.pallas import tpu_sc as plsc

_INFO = plsc.get_sparse_core_info()
_NC = _INFO.num_cores
_NS = _INFO.num_subcores
_NW = _NC * _NS
_BW = 1024
_CH = 768


@functools.partial(jax.jit, static_argnames=("vocab", "dim"))
def _sc_detile(tab_t, tail, vocab, dim):
    vmain = (vocab // 128) * 128
    nchunks = vmain // _CH
    npairs = -(-nchunks // (2 * _NW))
    ntail = (vocab - vmain) * dim
    mesh = plsc.VectorSubcoreMesh(core_axis_name="c", subcore_axis_name="s")

    @functools.partial(
        pl.kernel,
        mesh=mesh,
        compiler_params=pltpu.CompilerParams(needs_layout_passes=False),
        out_type=jax.ShapeDtypeStruct((vocab * dim,), jnp.float32),
        scratch_types=[
            pltpu.VMEM((dim, _CH), jnp.float32),
            pltpu.VMEM((dim, _CH), jnp.float32),
            pltpu.VMEM((_CH * dim,), jnp.float32),
            pltpu.VMEM((_CH * dim,), jnp.float32),
            pltpu.SemaphoreType.DMA,
            pltpu.SemaphoreType.DMA,
            pltpu.SemaphoreType.DMA,
            pltpu.SemaphoreType.DMA,
        ],
    )
    def k(tab_hbm, tail_hbm, rm_hbm, t0, t1, o0, o1, gs0, gs1, ss0, ss1):
        wid = lax.axis_index("s") * _NC + lax.axis_index("c")
        lanes = lax.iota(jnp.int32, 16)
        tb = (t0, t1)
        ob = (o0, o1)
        gsem = (gs0, gs1)
        ssem = (ss0, ss1)

        def start_gather(t, buf):
            @pl.when(t < nchunks)
            def _():
                off = pl.multiple_of(t * _CH, _CH)
                pltpu.async_copy(
                    tab_hbm.at[:, pl.ds(off, _CH)], tb[buf], gsem[buf])

        def do_chunk(t, buf, drain_prev):
            @pl.when(t < nchunks)
            def _():
                pltpu.make_async_copy(
                    tab_hbm.at[:, pl.ds(0, _CH)], tb[buf], gsem[buf]).wait()

                @pl.when(drain_prev)
                def _():
                    pltpu.make_async_copy(
                        ob[buf], rm_hbm.at[pl.ds(0, _CH * dim)],
                        ssem[buf]).wait()

                src = tb[buf]
                dst = ob[buf]

                @plsc.parallel_loop(0, _CH // 16, 1, unroll=2)
                def _tr(g):
                    pre = g * 16 + lanes
                    rowbase = pre * dim
                    for d in range(dim):
                        val = src[d, pl.ds(g * 16, 16)]
                        rot = (pre + d) & (dim - 1)
                        plsc.store_scatter(dst, [rowbase + rot], val)

                roff = pl.multiple_of(t * _CH * dim, _CH * dim)
                pltpu.async_copy(
                    dst, rm_hbm.at[pl.ds(roff, _CH * dim)], ssem[buf])

        start_gather(wid, 0)

        @pl.loop(0, npairs)
        def _pair(p):
            t_a = wid + (2 * p) * _NW
            t_b = wid + (2 * p + 1) * _NW
            start_gather(t_b, 1)
            do_chunk(t_a, 0, p > 0)
            start_gather(t_b + _NW, 0)
            do_chunk(t_b, 1, p > 0)

        for buf in range(2):
            pltpu.make_async_copy(
                ob[buf], rm_hbm.at[pl.ds(0, _CH * dim)], ssem[buf]).wait()

        @pl.when(wid == 0)
        def _tail():
            pltpu.sync_copy(tail_hbm, o0.at[pl.ds(0, ntail)])
            pltpu.sync_copy(o0.at[pl.ds(0, ntail)],
                            rm_hbm.at[pl.ds(vmain * dim, ntail)])

    return k(tab_t, tail.reshape(-1))


@functools.partial(jax.jit, static_argnames=("hist", "batch", "dim"))
def _sc_embed(xt, rm, hist, batch, dim):
    nq = batch // _BW
    nblocks = hist * nq
    reps = -(-nblocks // _NW)
    mesh = plsc.VectorSubcoreMesh(core_axis_name="c", subcore_axis_name="s")

    @functools.partial(
        pl.kernel,
        mesh=mesh,
        compiler_params=pltpu.CompilerParams(
            use_tc_tiling_on_sc=False, needs_layout_passes=False),
        out_type=jax.ShapeDtypeStruct((hist, dim, batch), jnp.float32),
        scratch_types=[
            pltpu.VMEM((_BW,), jnp.int32),
            pltpu.VMEM((_BW,), jnp.int32),
            pltpu.VMEM((_BW, dim), jnp.float32),
            pltpu.VMEM((_BW, dim), jnp.float32),
            pltpu.VMEM((dim, _BW + 1), jnp.float32),
            pltpu.SemaphoreType.DMA,
            pltpu.SemaphoreType.DMA,
        ],
    )
    def k(rm_hbm, xt_hbm, out_hbm, i0v, i1v, g0, g1, ob, gs0, gs1):
        wid = lax.axis_index("s") * _NC + lax.axis_index("c")
        lanes = lax.iota(jnp.int32, 16)
        iv = (i0v, i1v)
        gb = (g0, g1)
        gsem = (gs0, gs1)
        gather = [None, None]

        def block_start(rep, buf):
            t = wid + rep * _NW

            @pl.when(t < nblocks)
            def _():
                h = t // nq
                b0 = pl.multiple_of((t % nq) * _BW, _BW)
                pltpu.sync_copy(xt_hbm.at[h, pl.ds(b0, _BW)], iv[buf])
                gather[buf] = pltpu.async_copy(
                    rm_hbm.at[iv[buf]], gb[buf], gsem[buf])

        block_start(0, 0)
        for rep in range(reps):
            cur = rep % 2
            nxt = (rep + 1) % 2
            t = wid + rep * _NW
            if rep + 1 < reps:
                block_start(rep + 1, nxt)

            @pl.when(t < nblocks)
            def _work():
                h = t // nq
                b0 = pl.multiple_of((t % nq) * _BW, _BW)
                gather[cur].wait()
                src = gb[cur]
                myidx = iv[cur]

                @plsc.parallel_loop(0, _BW // 16, 1, unroll=2)
                def _tr(g):
                    i0 = g * 16
                    vv = myidx[pl.ds(i0, 16)]
                    for r in range(16):
                        i = i0 + r
                        v = vv[r]
                        colv = jnp.full((16,), i, jnp.int32)
                        dlo = (lanes - v) & (dim - 1)
                        dhi = (lanes + 16 - v) & (dim - 1)
                        lo = src[i, pl.ds(0, 16)]
                        hi = src[i, pl.ds(16, 16)]
                        plsc.store_scatter(ob, [dlo, colv], lo)
                        plsc.store_scatter(ob, [dhi, colv], hi)

                pltpu.sync_copy(ob.at[:, pl.ds(0, _BW)],
                                out_hbm.at[h, :, pl.ds(b0, _BW)])

    return k(rm, xt)


def kernel(x, table):
    batch, hist = x.shape
    vocab, dim = table.shape
    xt = x.T.astype(jnp.int32)
    tab_t = table.T
    vmain = (vocab // 128) * 128
    tail = table[vmain:]
    j = jnp.arange(vocab - vmain)[:, None]
    p = jnp.arange(dim)[None, :]
    tail_rot = jnp.take_along_axis(tail, (p - j) % dim, axis=1)
    rm = _sc_detile(tab_t, tail_rot, vocab, dim).reshape(vocab, dim)
    out_phys = _sc_embed(xt, rm, hist, batch, dim)
    return out_phys.transpose(2, 0, 1)

# --- scband reference (transcript-rebuilt; emitter-appended) ---
"""Pipeline reference for scband-embedding-layer-71365176590944 (READ-ONLY COPY).

The authoritative reference and input builder live on the scoring server;
editing this copy changes nothing except your own understanding.
"""

import jax, jax.numpy as jnp
import numpy as np

VOCAB = 1000000
DIM = 32
BATCH = 4096
HIST = 50

def setup_inputs(seed: int = 0) -> dict:
    key = jax.random.key(seed)
    k_idx, k_tab = jax.random.split(key)
    x = jax.random.randint(k_idx, (BATCH, HIST), 0, VOCAB, dtype=jnp.int64 if jax.config.jax_enable_x64 else jnp.int32)
    # xavier_uniform for Embedding weight [VOCAB, DIM]: bound = sqrt(6/(fan_in+fan_out))
    bound = float(np.sqrt(6.0 / (VOCAB + DIM)))
    table = jax.random.uniform(k_tab, (VOCAB, DIM), minval=-bound, maxval=bound, dtype=jnp.float32)
    return {"x": x, "table": table}

def reference(x, table):
    # Embedding lookup: gather rows of table by x
    return jnp.take(table, x, axis=0)

if __name__ == "__main__":
    import jax
    _d = setup_inputs()
    print(jax.jit(kernel)(*tuple(_d.values())))

</pallas_src>

<mosaic_0001>
#map = affine_map<(d0, d1) -> (0, 0)>
#map1 = affine_map<(d0, d1) -> (0)>
module attributes {stable_mosaic.version = 14 : i64} {
  func.func @k(%arg0: i32, %arg1: i32, %arg2: memref<32x1000000xf32, #tpu.memory_space<hbm>>, %arg3: memref<2048xf32, #tpu.memory_space<hbm>>, %arg4: memref<32000000xf32, #tpu.memory_space<hbm>>, %arg5: memref<32x768xf32, #tpu.memory_space<vmem>>, %arg6: memref<32x768xf32, #tpu.memory_space<vmem>>, %arg7: memref<24576xf32, #tpu.memory_space<vmem>>, %arg8: memref<24576xf32, #tpu.memory_space<vmem>>, %arg9: memref<!tpu.dma_semaphore, #tpu.memory_space<semaphore_mem>>, %arg10: memref<!tpu.dma_semaphore, #tpu.memory_space<semaphore_mem>>, %arg11: memref<!tpu.dma_semaphore, #tpu.memory_space<semaphore_mem>>, %arg12: memref<!tpu.dma_semaphore, #tpu.memory_space<semaphore_mem>>) attributes {dimension_semantics = [#tpu.dimension_semantics<core_parallel>, #tpu.dimension_semantics<subcore_parallel>], iteration_bounds = array<i64: 2, 16>, scalar_prefetch = 0 : i64, scratch_operands = 8 : i64, tpu.core_type = #tpu.core_type<sc_vector_subcore>, window_params = [{transform_indices = #map}, {transform_indices = #map1}, {transform_indices = #map1}]} {
    %mul3A = arith.constant 2 : i32
    %mul3A_0 = arith.muli %arg1, %mul3A : i32
    %add3A = arith.addi %mul3A_0, %arg0 : i32
    %iota3A = tpu.iota {dimensions = array<i32: 0>} : vector<16xi32>
    %lt3A = arith.constant 1302 : i32
    %lt3A_1 = arith.cmpi slt, %add3A, %lt3A : i32
    %convert_element_type3A = arith.extui %lt3A_1 : i1 to i32
    %cond3A = arith.constant 0 : i32
    %cond3A_2 = arith.cmpi ne, %convert_element_type3A, %cond3A : i32
    scf.if %cond3A_2 {
      %mul3A_18 = arith.constant 768 : i32
      %mul3A_19 = arith.muli %add3A, %mul3A_18 : i32
      %multiple_of3A = tpu.assume_multiple %mul3A_19, 768 : i32
      %dma_start3A = arith.constant 0 : i32
      %dma_start3A_20 = tpu.memref_slice %arg2[%dma_start3A, %multiple_of3A] : memref<32x1000000xf32, #tpu.memory_space<hbm>> -> memref<32x768xf32, #tpu.memory_space<hbm>>
      %dma_start3A_21 = arith.constant 0 : i32
      %dma_start3A_22 = tpu.memref_slice %arg2[%dma_start3A_21, %multiple_of3A] : memref<32x1000000xf32, #tpu.memory_space<hbm>> -> memref<32x768xf32, #tpu.memory_space<hbm>>
      tpu.enqueue_dma source(%dma_start3A_22 : memref<32x768xf32, #tpu.memory_space<hbm>>) target(%arg5 : memref<32x768xf32, #tpu.memory_space<vmem>>) target_semaphore(%arg9 : memref<!tpu.dma_semaphore, #tpu.memory_space<semaphore_mem>>)
    } else {
    }
    %scan3A = arith.constant 0 : i32
    %scan3A_3 = arith.constant 21 : i32
    %scan3A_4 = arith.addi %scan3A, %scan3A_3 : i32
    %scan3A_5 = arith.constant 1 : i32
    scf.for %scan3A_18 = %scan3A to %scan3A_4 step %scan3A_5  : i32 {
      %mul3A_19 = arith.constant 1 : i32
      %mul3A_20 = arith.muli %scan3A_18, %mul3A_19 : i32
      %add3A_21 = arith.constant 0 : i32
      %add3A_22 = arith.addi %add3A_21, %mul3A_20 : i32
      %mul3A_23 = arith.constant 2 : i32
      %mul3A_24 = arith.muli %mul3A_23, %add3A_22 : i32
      %mul3A_25 = arith.constant 32 : i32
      %mul3A_26 = arith.muli %mul3A_24, %mul3A_25 : i32
      %add3A_27 = arith.addi %add3A, %mul3A_26 : i32
      %mul3A_28 = arith.constant 2 : i32
      %mul3A_29 = arith.muli %mul3A_28, %add3A_22 : i32
      %add3A_30 = arith.constant 1 : i32
      %add3A_31 = arith.addi %mul3A_29, %add3A_30 : i32
      %mul3A_32 = arith.constant 32 : i32
      %mul3A_33 = arith.muli %add3A_31, %mul3A_32 : i32
      %add3A_34 = arith.addi %add3A, %mul3A_33 : i32
      %lt3A_35 = arith.constant 1302 : i32
      %lt3A_36 = arith.cmpi slt, %add3A_34, %lt3A_35 : i32
      %convert_element_type3A_37 = arith.extui %lt3A_36 : i1 to i32
      %cond3A_38 = arith.constant 0 : i32
      %cond3A_39 = arith.cmpi ne, %convert_element_type3A_37, %cond3A_38 : i32
      scf.if %cond3A_39 {
        %mul3A_60 = arith.constant 768 : i32
        %mul3A_61 = arith.muli %add3A_34, %mul3A_60 : i32
        %multiple_of3A = tpu.assume_multiple %mul3A_61, 768 : i32
        %dma_start3A = arith.constant 0 : i32
        %dma_start3A_62 = tpu.memref_slice %arg2[%dma_start3A, %multiple_of3A] : memref<32x1000000xf32, #tpu.memory_space<hbm>> -> memref<32x768xf32, #tpu.memory_space<hbm>>
        %dma_start3A_63 = arith.constant 0 : i32
        %dma_start3A_64 = tpu.memref_slice %arg2[%dma_start3A_63, %multiple_of3A] : memref<32x1000000xf32, #tpu.memory_space<hbm>> -> memref<32x768xf32, #tpu.memory_space<hbm>>
        tpu.enqueue_dma source(%dma_start3A_64 : memref<32x768xf32, #tpu.memory_space<hbm>>) target(%arg6 : memref<32x768xf32, #tpu.memory_space<vmem>>) target_semaphore(%arg10 : memref<!tpu.dma_semaphore, #tpu.memory_space<semaphore_mem>>)
      } else {
      }
      %gt3A = arith.constant 0 : i32
      %gt3A_40 = arith.cmpi sgt, %add3A_22, %gt3A : i32
      %lt3A_41 = arith.constant 1302 : i32
      %lt3A_42 = arith.cmpi slt, %add3A_27, %lt3A_41 : i32
      %convert_element_type3A_43 = arith.extui %lt3A_42 : i1 to i32
      %cond3A_44 = arith.constant 0 : i32
      %cond3A_45 = arith.cmpi ne, %convert_element_type3A_43, %cond3A_44 : i32
      scf.if %cond3A_45 {
        %dma_wait3A_60 = arith.constant 0 : i32
        %dma_wait3A_61 = arith.constant 0 : i32
        %dma_wait3A_62 = tpu.memref_slice %arg2[%dma_wait3A_60, %dma_wait3A_61] : memref<32x1000000xf32, #tpu.memory_space<hbm>> -> memref<32x768xf32, #tpu.memory_space<hbm>>
        %dma_wait3A_63 = arith.constant 0 : i32
        %dma_wait3A_64 = arith.constant 0 : i32
        %dma_wait3A_65 = tpu.memref_slice %arg2[%dma_wait3A_63, %dma_wait3A_64] : memref<32x1000000xf32, #tpu.memory_space<hbm>> -> memref<32x768xf32, #tpu.memory_space<hbm>>
        tpu.wait_dma2 semaphore(%arg9 : memref<!tpu.dma_semaphore, #tpu.memory_space<semaphore_mem>>) src(%dma_wait3A_65 : memref<32x768xf32, #tpu.memory_space<hbm>>) dst(%arg5 : memref<32x768xf32, #tpu.memory_space<vmem>>)
        %convert_element_type3A_66 = arith.extui %gt3A_40 : i1 to i32
        %cond3A_67 = arith.constant 0 : i32
        %cond3A_68 = arith.cmpi ne, %convert_element_type3A_66, %cond3A_67 : i32
        scf.if %cond3A_68 {
          %dma_wait3A_76 = arith.constant 0 : i32
          %dma_wait3A_77 = tpu.memref_slice %arg4[%dma_wait3A_76] : memref<32000000xf32, #tpu.memory_space<hbm>> -> memref<24576xf32, #tpu.memory_space<hbm>>
          %dma_wait3A_78 = arith.constant 0 : i32
          %dma_wait3A_79 = tpu.memref_slice %arg4[%dma_wait3A_78] : memref<32000000xf32, #tpu.memory_space<hbm>> -> memref<24576xf32, #tpu.memory_space<hbm>>
          tpu.wait_dma2 semaphore(%arg11 : memref<!tpu.dma_semaphore, #tpu.memory_space<semaphore_mem>>) src(%arg7 : memref<24576xf32, #tpu.memory_space<vmem>>) dst(%dma_wait3A_79 : memref<24576xf32, #tpu.memory_space<hbm>>)
        } else {
        }
        %parallel_loop3A = arith.constant 0 : i32
        %parallel_loop3A_69 = arith.constant 48 : i32
        %parallel_loop3A_70 = arith.constant 1 : i32
        scf.for %parallel_loop3A_76 = %parallel_loop3A to %parallel_loop3A_69 step %parallel_loop3A_70  : i32 {
          %parallel_loop3A_77 = arith.constant 16 : i32
          %parallel_loop3A_78 = arith.muli %parallel_loop3A_76, %parallel_loop3A_77 : i32
          %parallel_loop3A_79 = vector.broadcast %parallel_loop3A_78 : i32 to vector<16xi32>
          %parallel_loop3A_80 = arith.addi %parallel_loop3A_79, %iota3A : vector<16xi32>
          %parallel_loop3A_81 = arith.constant 32 : i32
          %parallel_loop3A_82 = vector.broadcast %parallel_loop3A_81 : i32 to vector<16xi32>
          %parallel_loop3A_83 = arith.muli %parallel_loop3A_80, %parallel_loop3A_82 : vector<16xi32>
          %parallel_loop3A_84 = arith.constant 16 : i32
          %parallel_loop3A_85 = arith.muli %parallel_loop3A_76, %parallel_loop3A_84 : i32
          %parallel_loop3A_86 = arith.constant 0 : i32
          %parallel_loop3A_87 = arith.index_cast %parallel_loop3A_86 : i32 to index
          %parallel_loop3A_88 = arith.index_cast %parallel_loop3A_85 : i32 to index
          %parallel_loop3A_89 = tpu.vector_load %arg5[%parallel_loop3A_87, %parallel_loop3A_88] {strides = array<i32>} : memref<32x768xf32, #tpu.memory_space<vmem>>, vector<16xf32>,
          %parallel_loop3A_90 = arith.constant 0 : i32
          %parallel_loop3A_91 = vector.broadcast %parallel_loop3A_90 : i32 to vector<16xi32>
          %parallel_loop3A_92 = arith.addi %parallel_loop3A_80, %parallel_loop3A_91 : vector<16xi32>
          %parallel_loop3A_93 = arith.constant 31 : i32
          %parallel_loop3A_94 = vector.broadcast %parallel_loop3A_93 : i32 to vector<16xi32>
          %parallel_loop3A_95 = arith.andi %parallel_loop3A_92, %parallel_loop3A_94 : vector<16xi32>
          %parallel_loop3A_96 = arith.addi %parallel_loop3A_83, %parallel_loop3A_95 : vector<16xi32>
          tpu.vector_store_idx %arg7[%parallel_loop3A_96], %parallel_loop3A_89 : memref<24576xf32, #tpu.memory_space<vmem>>[vector<16xi32>], vector<16xf32>,
          %parallel_loop3A_97 = arith.constant 16 : i32
          %parallel_loop3A_98 = arith.muli %parallel_loop3A_76, %parallel_loop3A_97 : i32
          %parallel_loop3A_99 = arith.constant 1 : i32
          %parallel_loop3A_100 = arith.index_cast %parallel_loop3A_99 : i32 to index
          %parallel_loop3A_101 = arith.index_cast %parallel_loop3A_98 : i32 to index
          %parallel_loop3A_102 = tpu.vector_load %arg5[%parallel_loop3A_100, %parallel_loop3A_101] {strides = array<i32>} : memref<32x768xf32, #tpu.memory_space<vmem>>, vector<16xf32>,
          %parallel_loop3A_103 = arith.constant 1 : i32
          %parallel_loop3A_104 = vector.broadcast %parallel_loop3A_103 : i32 to vector<16xi32>
          %parallel_loop3A_105 = arith.addi %parallel_loop3A_80, %parallel_loop3A_104 : vector<16xi32>
          %parallel_loop3A_106 = arith.constant 31 : i32
          %parallel_loop3A_107 = vector.broadcast %parallel_loop3A_106 : i32 to vector<16xi32>
          %parallel_loop3A_108 = arith.andi %parallel_loop3A_105, %parallel_loop3A_107 : vector<16xi32>
          %parallel_loop3A_109 = arith.addi %parallel_loop3A_83, %parallel_loop3A_108 : vector<16xi32>
          tpu.vector_store_idx %arg7[%parallel_loop3A_109], %parallel_loop3A_102 : memref<24576xf32, #tpu.memory_space<vmem>>[vector<16xi32>], vector<16xf32>,
          %parallel_loop3A_110 = arith.constant 16 : i32
          %parallel_loop3A_111 = arith.muli %parallel_loop3A_76, %parallel_loop3A_110 : i32
          %parallel_loop3A_112 = arith.constant 2 : i32
          %parallel_loop3A_113 = arith.index_cast %parallel_loop3A_112 : i32 to index
          %parallel_loop3A_114 = arith.index_cast %parallel_loop3A_111 : i32 to index
          %parallel_loop3A_115 = tpu.vector_load %arg5[%parallel_loop3A_113, %parallel_loop3A_114] {strides = array<i32>} : memref<32x768xf32, #tpu.memory_space<vmem>>, vector<16xf32>,
          %parallel_loop3A_116 = arith.constant 2 : i32
          %parallel_loop3A_117 = vector.broadcast %parallel_loop3A_116 : i32 to vector<16xi32>
          %parallel_loop3A_118 = arith.addi %parallel_loop3A_80, %parallel_loop3A_117 : vector<16xi32>
          %parallel_loop3A_119 = arith.constant 31 : i32
          %parallel_loop3A_120 = vector.broadcast %parallel_loop3A_119 : i32 to vector<16xi32>
          %parallel_loop3A_121 = arith.andi %parallel_loop3A_118, %parallel_loop3A_120 : vector<16xi32>
          %parallel_loop3A_122 = arith.addi %parallel_loop3A_83, %parallel_loop3A_121 : vector<16xi32>
          tpu.vector_store_idx %arg7[%parallel_loop3A_122], %parallel_loop3A_115 : memref<24576xf32, #tpu.memory_space<vmem>>[vector<16xi32>], vector<16xf32>,
          %parallel_loop3A_123 = arith.constant 16 : i32
          %parallel_loop3A_124 = arith.muli %parallel_loop3A_76, %parallel_loop3A_123 : i32
          %parallel_loop3A_125 = arith.constant 3 : i32
          %parallel_loop3A_126 = arith.index_cast %parallel_loop3A_125 : i32 to index
          %parallel_loop3A_127 = arith.index_cast %parallel_loop3A_124 : i32 to index
          %parallel_loop3A_128 = tpu.vector_load %arg5[%parallel_loop3A_126, %parallel_loop3A_127] {strides = array<i32>} : memref<32x768xf32, #tpu.memory_space<vmem>>, vector<16xf32>,
          %parallel_loop3A_129 = arith.constant 3 : i32
          %parallel_loop3A_130 = vector.broadcast %parallel_loop3A_129 : i32 to vector<16xi32>
          %parallel_loop3A_131 = arith.addi %parallel_loop3A_80, %parallel_loop3A_130 : vector<16xi32>
          %parallel_loop3A_132 = arith.constant 31 : i32
          %parallel_loop3A_133 = vector.broadcast %parallel_loop3A_132 : i32 to vector<16xi32>
          %parallel_loop3A_134 = arith.andi %parallel_loop3A_131, %parallel_loop3A_133 : vector<16xi32>
          %parallel_loop3A_135 = arith.addi %parallel_loop3A_83, %parallel_loop3A_134 : vector<16xi32>
          tpu.vector_store_idx %arg7[%parallel_loop3A_135], %parallel_loop3A_128 : memref<24576xf32, #tpu.memory_space<vmem>>[vector<16xi32>], vector<16xf32>,
          %parallel_loop3A_136 = arith.constant 16 : i32
          %parallel_loop3A_137 = arith.muli %parallel_loop3A_76, %parallel_loop3A_136 : i32
          %parallel_loop3A_138 = arith.constant 4 : i32
          %parallel_loop3A_139 = arith.index_cast %parallel_loop3A_138 : i32 to index
          %parallel_loop3A_140 = arith.index_cast %parallel_loop3A_137 : i32 to index
          %parallel_loop3A_141 = tpu.vector_load %arg5[%parallel_loop3A_139, %parallel_loop3A_140] {strides = array<i32>} : memref<32x768xf32, #tpu.memory_space<vmem>>, vector<16xf32>,
          %parallel_loop3A_142 = arith.constant 4 : i32
          %parallel_loop3A_143 = vector.broadcast %parallel_loop3A_142 : i32 to vector<16xi32>
          %parallel_loop3A_144 = arith.addi %parallel_loop3A_80, %parallel_loop3A_143 : vector<16xi32>
          %parallel_loop3A_145 = arith.constant 31 : i32
          %parallel_loop3A_146 = vector.broadcast %parallel_loop3A_145 : i32 to vector<16xi32>
          %parallel_loop3A_147 = arith.andi %parallel_loop3A_144, %parallel_loop3A_146 : vector<16xi32>
          %parallel_loop3A_148 = arith.addi %parallel_loop3A_83, %parallel_loop3A_147 : vector<16xi32>
          tpu.vector_store_idx %arg7[%parallel_loop3A_148], %parallel_loop3A_141 : memref<24576xf32, #tpu.memory_space<vmem>>[vector<16xi32>], vector<16xf32>,
          %parallel_loop3A_149 = arith.constant 16 : i32
          %parallel_loop3A_150 = arith.muli %parallel_loop3A_76, %parallel_loop3A_149 : i32
          %parallel_loop3A_151 = arith.constant 5 : i32
          %parallel_loop3A_152 = arith.index_cast %parallel_loop3A_151 : i32 to index
          %parallel_loop3A_153 = arith.index_cast %parallel_loop3A_150 : i32 to index
          %parallel_loop3A_154 = tpu.vector_load %arg5[%parallel_loop3A_152, %parallel_loop3A_153] {strides = array<i32>} : memref<32x768xf32, #tpu.memory_space<vmem>>, vector<16xf32>,
          %parallel_loop3A_155 = arith.constant 5 : i32
          %parallel_loop3A_156 = vector.broadcast %parallel_loop3A_155 : i32 to vector<16xi32>
          %parallel_loop3A_157 = arith.addi %parallel_loop3A_80, %parallel_loop3A_156 : vector<16xi32>
          %parallel_loop3A_158 = arith.constant 31 : i32
          %parallel_loop3A_159 = vector.broadcast %parallel_loop3A_158 : i32 to vector<16xi32>
          %parallel_loop3A_160 = arith.andi %parallel_loop3A_157, %parallel_loop3A_159 : vector<16xi32>
          %parallel_loop3A_161 = arith.addi %parallel_loop3A_83, %parallel_loop3A_160 : vector<16xi32>
          tpu.vector_store_idx %arg7[%parallel_loop3A_161], %parallel_loop3A_154 : memref<24576xf32, #tpu.memory_space<vmem>>[vector<16xi32>], vector<16xf32>,
          %parallel_loop3A_162 = arith.constant 16 : i32
          %parallel_loop3A_163 = arith.muli %parallel_loop3A_76, %parallel_loop3A_162 : i32
          %parallel_loop3A_164 = arith.constant 6 : i32
          %parallel_loop3A_165 = arith.index_cast %parallel_loop3A_164 : i32 to index
          %parallel_loop3A_166 = arith.index_cast %parallel_loop3A_163 : i32 to index
          %parallel_loop3A_167 = tpu.vector_load %arg5[%parallel_loop3A_165, %parallel_loop3A_166] {strides = array<i32>} : memref<32x768xf32, #tpu.memory_space<vmem>>, vector<16xf32>,
          %parallel_loop3A_168 = arith.constant 6 : i32
          %parallel_loop3A_169 = vector.broadcast %parallel_loop3A_168 : i32 to vector<16xi32>
          %parallel_loop3A_170 = arith.addi %parallel_loop3A_80, %parallel_loop3A_169 : vector<16xi32>
          %parallel_loop3A_171 = arith.constant 31 : i32
          %parallel_loop3A_172 = vector.broadcast %parallel_loop3A_171 : i32 to vector<16xi32>
          %parallel_loop3A_173 = arith.andi %parallel_loop3A_170, %parallel_loop3A_172 : vector<16xi32>
          %parallel_loop3A_174 = arith.addi %parallel_loop3A_83, %parallel_loop3A_173 : vector<16xi32>
          tpu.vector_store_idx %arg7[%parallel_loop3A_174], %parallel_loop3A_167 : memref<24576xf32, #tpu.memory_space<vmem>>[vector<16xi32>], vector<16xf32>,
          %parallel_loop3A_175 = arith.constant 16 : i32
          %parallel_loop3A_176 = arith.muli %parallel_loop3A_76, %parallel_loop3A_175 : i32
          %parallel_loop3A_177 = arith.constant 7 : i32
          %parallel_loop3A_178 = arith.index_cast %parallel_loop3A_177 : i32 to index
          %parallel_loop3A_179 = arith.index_cast %parallel_loop3A_176 : i32 to index
          %parallel_loop3A_180 = tpu.vector_load %arg5[%parallel_loop3A_178, %parallel_loop3A_179] {strides = array<i32>} : memref<32x768xf32, #tpu.memory_space<vmem>>, vector<16xf32>,
          %parallel_loop3A_181 = arith.constant 7 : i32
          %parallel_loop3A_182 = vector.broadcast %parallel_loop3A_181 : i32 to vector<16xi32>
          %parallel_loop3A_183 = arith.addi %parallel_loop3A_80, %parallel_loop3A_182 : vector<16xi32>
          %parallel_loop3A_184 = arith.constant 31 : i32
          %parallel_loop3A_185 = vector.broadcast %parallel_loop3A_184 : i32 to vector<16xi32>
          %parallel_loop3A_186 = arith.andi %parallel_loop3A_183, %parallel_loop3A_185 : vector<16xi32>
          %parallel_loop3A_187 = arith.addi %parallel_loop3A_83, %parallel_loop3A_186 : vector<16xi32>
          tpu.vector_store_idx %arg7[%parallel_loop3A_187], %parallel_loop3A_180 : memref<24576xf32, #tpu.memory_space<vmem>>[vector<16xi32>], vector<16xf32>,
          %parallel_loop3A_188 = arith.constant 16 : i32
          %parallel_loop3A_189 = arith.muli %parallel_loop3A_76, %parallel_loop3A_188 : i32
          %parallel_loop3A_190 = arith.constant 8 : i32
          %parallel_loop3A_191 = arith.index_cast %parallel_loop3A_190 : i32 to index
          %parallel_loop3A_192 = arith.index_cast %parallel_loop3A_189 : i32 to index
          %parallel_loop3A_193 = tpu.vector_load %arg5[%parallel_loop3A_191, %parallel_loop3A_192] {strides = array<i32>} : memref<32x768xf32, #tpu.memory_space<vmem>>, vector<16xf32>,
          %parallel_loop3A_194 = arith.constant 8 : i32
          %parallel_loop3A_195 = vector.broadcast %parallel_loop3A_194 : i32 to vector<16xi32>
          %parallel_loop3A_196 = arith.addi %parallel_loop3A_80, %parallel_loop3A_195 : vector<16xi32>
          %parallel_loop3A_197 = arith.constant 31 : i32
          %parallel_loop3A_198 = vector.broadcast %parallel_loop3A_197 : i32 to vector<16xi32>
          %parallel_loop3A_199 = arith.andi %parallel_loop3A_196, %parallel_loop3A_198 : vector<16xi32>
          %parallel_loop3A_200 = arith.addi %parallel_loop3A_83, %parallel_loop3A_199 : vector<16xi32>
          tpu.vector_store_idx %arg7[%parallel_loop3A_200], %parallel_loop3A_193 : memref<24576xf32, #tpu.memory_space<vmem>>[vector<16xi32>], vector<16xf32>,
          %parallel_loop3A_201 = arith.constant 16 : i32
          %parallel_loop3A_202 = arith.muli %parallel_loop3A_76, %parallel_loop3A_201 : i32
          %parallel_loop3A_203 = arith.constant 9 : i32
          %parallel_loop3A_204 = arith.index_cast %parallel_loop3A_203 : i32 to index
          %parallel_loop3A_205 = arith.index_cast %parallel_loop3A_202 : i32 to index
          %parallel_loop3A_206 = tpu.vector_load %arg5[%parallel_loop3A_204, %parallel_loop3A_205] {strides = array<i32>} : memref<32x768xf32, #tpu.memory_space<vmem>>, vector<16xf32>,
          %parallel_loop3A_207 = arith.constant 9 : i32
          %parallel_loop3A_208 = vector.broadcast %parallel_loop3A_207 : i32 to vector<16xi32>
          %parallel_loop3A_209 = arith.addi %parallel_loop3A_80, %parallel_loop3A_208 : vector<16xi32>
          %parallel_loop3A_210 = arith.constant 31 : i32
          %parallel_loop3A_211 = vector.broadcast %parallel_loop3A_210 : i32 to vector<16xi32>
          %parallel_loop3A_212 = arith.andi %parallel_loop3A_209, %parallel_loop3A_211 : vector<16xi32>
          %parallel_loop3A_213 = arith.addi %parallel_loop3A_83, %parallel_loop3A_212 : vector<16xi32>
          tpu.vector_store_idx %arg7[%parallel_loop3A_213], %parallel_loop3A_206 : memref<24576xf32, #tpu.memory_space<vmem>>[vector<16xi32>], vector<16xf32>,
          %parallel_loop3A_214 = arith.constant 16 : i32
          %parallel_loop3A_215 = arith.muli %parallel_loop3A_76, %parallel_loop3A_214 : i32
          %parallel_loop3A_216 = arith.constant 10 : i32
          %parallel_loop3A_217 = arith.index_cast %parallel_loop3A_216 : i32 to index
          %parallel_loop3A_218 = arith.index_cast %parallel_loop3A_215 : i32 to index
          %parallel_loop3A_219 = tpu.vector_load %arg5[%parallel_loop3A_217, %parallel_loop3A_218] {strides = array<i32>} : memref<32x768xf32, #tpu.memory_space<vmem>>, vector<16xf32>,
          %parallel_loop3A_220 = arith.constant 10 : i32
          %parallel_loop3A_221 = vector.broadcast %parallel_loop3A_220 : i32 to vector<16xi32>
          %parallel_loop3A_222 = arith.addi %parallel_loop3A_80, %parallel_loop3A_221 : vector<16xi32>
          %parallel_loop3A_223 = arith.constant 31 : i32
          %parallel_loop3A_224 = vector.broadcast %parallel_loop3A_223 : i32 to vector<16xi32>
          %parallel_loop3A_225 = arith.andi %parallel_loop3A_222, %parallel_loop3A_224 : vector<16xi32>
          %parallel_loop3A_226 = arith.addi %parallel_loop3A_83, %parallel_loop3A_225 : vector<16xi32>
          tpu.vector_store_idx %arg7[%parallel_loop3A_226], %parallel_loop3A_219 : memref<24576xf32, #tpu.memory_space<vmem>>[vector<16xi32>], vector<16xf32>,
          %parallel_loop3A_227 = arith.constant 16 : i32
          %parallel_loop3A_228 = arith.muli %parallel_loop3A_76, %parallel_loop3A_227 : i32
          %parallel_loop3A_229 = arith.constant 11 : i32
          %parallel_loop3A_230 = arith.index_cast %parallel_loop3A_229 : i32 to index
          %parallel_loop3A_231 = arith.index_cast %parallel_loop3A_228 : i32 to index
          %parallel_loop3A_232 = tpu.vector_load %arg5[%parallel_loop3A_230, %parallel_loop3A_231] {strides = array<i32>} : memref<32x768xf32, #tpu.memory_space<vmem>>, vector<16xf32>,
          %parallel_loop3A_233 = arith.constant 11 : i32
          %parallel_loop3A_234 = vector.broadcast %parallel_loop3A_233 : i32 to vector<16xi32>
          %parallel_loop3A_235 = arith.addi %parallel_loop3A_80, %parallel_loop3A_234 : vector<16xi32>
          %parallel_loop3A_236 = arith.constant 31 : i32
          %parallel_loop3A_237 = vector.broadcast %parallel_loop3A_236 : i32 to vector<16xi32>
          %parallel_loop3A_238 = arith.andi %parallel_loop3A_235, %parallel_loop3A_237 : vector<16xi32>
          %parallel_loop3A_239 = arith.addi %parallel_loop3A_83, %parallel_loop3A_238 : vector<16xi32>
          tpu.vector_store_idx %arg7[%parallel_loop3A_239], %parallel_loop3A_232 : memref<24576xf32, #tpu.memory_space<vmem>>[vector<16xi32>], vector<16xf32>,
          %parallel_loop3A_240 = arith.constant 16 : i32
          %parallel_loop3A_241 = arith.muli %parallel_loop3A_76, %parallel_loop3A_240 : i32
          %parallel_loop3A_242 = arith.constant 12 : i32
          %parallel_loop3A_243 = arith.index_cast %parallel_loop3A_242 : i32 to index
          %parallel_loop3A_244 = arith.index_cast %parallel_loop3A_241 : i32 to index
          %parallel_loop3A_245 = tpu.vector_load %arg5[%parallel_loop3A_243, %parallel_loop3A_244] {strides = array<i32>} : memref<32x768xf32, #tpu.memory_space<vmem>>, vector<16xf32>,
          %parallel_loop3A_246 = arith.constant 12 : i32
          %parallel_loop3A_247 = vector.broadcast %parallel_loop3A_246 : i32 to vector<16xi32>
          %parallel_loop3A_248 = arith.addi %parallel_loop3A_80, %parallel_loop3A_247 : vector<16xi32>
          %parallel_loop3A_249 = arith.constant 31 : i32
          %parallel_loop3A_250 = vector.broadcast %parallel_loop3A_249 : i32 to vector<16xi32>
          %parallel_loop3A_251 = arith.andi %parallel_loop3A_248, %parallel_loop3A_250 : vector<16xi32>
          %parallel_loop3A_252 = arith.addi %parallel_loop3A_83, %parallel_loop3A_251 : vector<16xi32>
          tpu.vector_store_idx %arg7[%parallel_loop3A_252], %parallel_loop3A_245 : memref<24576xf32, #tpu.memory_space<vmem>>[vector<16xi32>], vector<16xf32>,
          %parallel_loop3A_253 = arith.constant 16 : i32
          %parallel_loop3A_254 = arith.muli %parallel_loop3A_76, %parallel_loop3A_253 : i32
          %parallel_loop3A_255 = arith.constant 13 : i32
          %parallel_loop3A_256 = arith.index_cast %parallel_loop3A_255 : i32 to index
          %parallel_loop3A_257 = arith.index_cast %parallel_loop3A_254 : i32 to index
          %parallel_loop3A_258 = tpu.vector_load %arg5[%parallel_loop3A_256, %parallel_loop3A_257] {strides = array<i32>} : memref<32x768xf32, #tpu.memory_space<vmem>>, vector<16xf32>,
          %parallel_loop3A_259 = arith.constant 13 : i32
          %parallel_loop3A_260 = vector.broadcast %parallel_loop3A_259 : i32 to vector<16xi32>
          %parallel_loop3A_261 = arith.addi %parallel_loop3A_80, %parallel_loop3A_260 : vector<16xi32>
          %parallel_loop3A_262 = arith.constant 31 : i32
          %parallel_loop3A_263 = vector.broadcast %parallel_loop3A_262 : i32 to vector<16xi32>
          %parallel_loop3A_264 = arith.andi %parallel_loop3A_261, %parallel_loop3A_263 : vector<16xi32>
          %parallel_loop3A_265 = arith.addi %parallel_loop3A_83, %parallel_loop3A_264 : vector<16xi32>
          tpu.vector_store_idx %arg7[%parallel_loop3A_265], %parallel_loop3A_258 : memref<24576xf32, #tpu.memory_space<vmem>>[vector<16xi32>], vector<16xf32>,
          %parallel_loop3A_266 = arith.constant 16 : i32
          %parallel_loop3A_267 = arith.muli %parallel_loop3A_76, %parallel_loop3A_266 : i32
          %parallel_loop3A_268 = arith.constant 14 : i32
          %parallel_loop3A_269 = arith.index_cast %parallel_loop3A_268 : i32 to index
          %parallel_loop3A_270 = arith.index_cast %parallel_loop3A_267 : i32 to index
          %parallel_loop3A_271 = tpu.vector_load %arg5[%parallel_loop3A_269, %parallel_loop3A_270] {strides = array<i32>} : memref<32x768xf32, #tpu.memory_space<vmem>>, vector<16xf32>,
          %parallel_loop3A_272 = arith.constant 14 : i32
          %parallel_loop3A_273 = vector.broadcast %parallel_loop3A_272 : i32 to vector<16xi32>
          %parallel_loop3A_274 = arith.addi %parallel_loop3A_80, %parallel_loop3A_273 : vector<16xi32>
          %parallel_loop3A_275 = arith.constant 31 : i32
          %parallel_loop3A_276 = vector.broadcast %parallel_loop3A_275 : i32 to vector<16xi32>
          %parallel_loop3A_277 = arith.andi %parallel_loop3A_274, %parallel_loop3A_276 : vector<16xi32>
          %parallel_loop3A_278 = arith.addi %parallel_loop3A_83, %parallel_loop3A_277 : vector<16xi32>
          tpu.vector_store_idx %arg7[%parallel_loop3A_278], %parallel_loop3A_271 : memref<24576xf32, #tpu.memory_space<vmem>>[vector<16xi32>], vector<16xf32>,
          %parallel_loop3A_279 = arith.constant 16 : i32
          %parallel_loop3A_280 = arith.muli %parallel_loop3A_76, %parallel_loop3A_279 : i32
          %parallel_loop3A_281 = arith.constant 15 : i32
          %parallel_loop3A_282 = arith.index_cast %parallel_loop3A_281 : i32 to index
          %parallel_loop3A_283 = arith.index_cast %parallel_loop3A_280 : i32 to index
          %parallel_loop3A_284 = tpu.vector_load %arg5[%parallel_loop3A_282, %parallel_loop3A_283] {strides = array<i32>} : memref<32x768xf32, #tpu.memory_space<vmem>>, vector<16xf32>,
          %parallel_loop3A_285 = arith.constant 15 : i32
          %parallel_loop3A_286 = vector.broadcast %parallel_loop3A_285 : i32 to vector<16xi32>
          %parallel_loop3A_287 = arith.addi %parallel_loop3A_80, %parallel_loop3A_286 : vector<16xi32>
          %parallel_loop3A_288 = arith.constant 31 : i32
          %parallel_loop3A_289 = vector.broadcast %parallel_loop3A_288 : i32 to vector<16xi32>
          %parallel_loop3A_290 = arith.andi %parallel_loop3A_287, %parallel_loop3A_289 : vector<16xi32>
          %parallel_loop3A_291 = arith.addi %parallel_loop3A_83, %parallel_loop3A_290 : vector<16xi32>
          tpu.vector_store_idx %arg7[%parallel_loop3A_291], %parallel_loop3A_284 : memref<24576xf32, #tpu.memory_space<vmem>>[vector<16xi32>], vector<16xf32>,
          %parallel_loop3A_292 = arith.constant 16 : i32
          %parallel_loop3A_293 = arith.muli %parallel_loop3A_76, %parallel_loop3A_292 : i32
          %parallel_loop3A_294 = arith.constant 16 : i32
          %parallel_loop3A_295 = arith.index_cast %parallel_loop3A_294 : i32 to index
          %parallel_loop3A_296 = arith.index_cast %parallel_loop3A_293 : i32 to index
          %parallel_loop3A_297 = tpu.vector_load %arg5[%parallel_loop3A_295, %parallel_loop3A_296] {strides = array<i32>} : memref<32x768xf32, #tpu.memory_space<vmem>>, vector<16xf32>,
          %parallel_loop3A_298 = arith.constant 16 : i32
          %parallel_loop3A_299 = vector.broadcast %parallel_loop3A_298 : i32 to vector<16xi32>
          %parallel_loop3A_300 = arith.addi %parallel_loop3A_80, %parallel_loop3A_299 : vector<16xi32>
          %parallel_loop3A_301 = arith.constant 31 : i32
          %parallel_loop3A_302 = vector.broadcast %parallel_loop3A_301 : i32 to vector<16xi32>
          %parallel_loop3A_303 = arith.andi %parallel_loop3A_300, %parallel_loop3A_302 : vector<16xi32>
          %parallel_loop3A_304 = arith.addi %parallel_loop3A_83, %parallel_loop3A_303 : vector<16xi32>
          tpu.vector_store_idx %arg7[%parallel_loop3A_304], %parallel_loop3A_297 : memref<24576xf32, #tpu.memory_space<vmem>>[vector<16xi32>], vector<16xf32>,
          %parallel_loop3A_305 = arith.constant 16 : i32
          %parallel_loop3A_306 = arith.muli %parallel_loop3A_76, %parallel_loop3A_305 : i32
          %parallel_loop3A_307 = arith.constant 17 : i32
          %parallel_loop3A_308 = arith.index_cast %parallel_loop3A_307 : i32 to index
          %parallel_loop3A_309 = arith.index_cast %parallel_loop3A_306 : i32 to index
          %parallel_loop3A_310 = tpu.vector_load %arg5[%parallel_loop3A_308, %parallel_loop3A_309] {strides = array<i32>} : memref<32x768xf32, #tpu.memory_space<vmem>>, vector<16xf32>,
          %parallel_loop3A_311 = arith.constant 17 : i32
          %parallel_loop3A_312 = vector.broadcast %parallel_loop3A_311 : i32 to vector<16xi32>
          %parallel_loop3A_313 = arith.addi %parallel_loop3A_80, %parallel_loop3A_312 : vector<16xi32>
          %parallel_loop3A_314 = arith.constant 31 : i32
          %parallel_loop3A_315 = vector.broadcast %parallel_loop3A_314 : i32 to vector<16xi32>
          %parallel_loop3A_316 = arith.andi %parallel_loop3A_313, %parallel_loop3A_315 : vector<16xi32>
          %parallel_loop3A_317 = arith.addi %parallel_loop3A_83, %parallel_loop3A_316 : vector<16xi32>
          tpu.vector_store_idx %arg7[%parallel_loop3A_317], %parallel_loop3A_310 : memref<24576xf32, #tpu.memory_space<vmem>>[vector<16xi32>], vector<16xf32>,
          %parallel_loop3A_318 = arith.constant 16 : i32
          %parallel_loop3A_319 = arith.muli %parallel_loop3A_76, %parallel_loop3A_318 : i32
          %parallel_loop3A_320 = arith.constant 18 : i32
          %parallel_loop3A_321 = arith.index_cast %parallel_loop3A_320 : i32 to index
          %parallel_loop3A_322 = arith.index_cast %parallel_loop3A_319 : i32 to index
          %parallel_loop3A_323 = tpu.vector_load %arg5[%parallel_loop3A_321, %parallel_loop3A_322] {strides = array<i32>} : memref<32x768xf32, #tpu.memory_space<vmem>>, vector<16xf32>,
          %parallel_loop3A_324 = arith.constant 18 : i32
          %parallel_loop3A_325 = vector.broadcast %parallel_loop3A_324 : i32 to vector<16xi32>
          %parallel_loop3A_326 = arith.addi %parallel_loop3A_80, %parallel_loop3A_325 : vector<16xi32>
          %parallel_loop3A_327 = arith.constant 31 : i32
          %parallel_loop3A_328 = vector.broadcast %parallel_loop3A_327 : i32 to vector<16xi32>
          %parallel_loop3A_329 = arith.andi %parallel_loop3A_326, %parallel_loop3A_328 : vector<16xi32>
          %parallel_loop3A_330 = arith.addi %parallel_loop3A_83, %parallel_loop3A_329 : vector<16xi32>
          tpu.vector_store_idx %arg7[%parallel_loop3A_330], %parallel_loop3A_323 : memref<24576xf32, #tpu.memory_space<vmem>>[vector<16xi32>], vector<16xf32>,
          %parallel_loop3A_331 = arith.constant 16 : i32
          %parallel_loop3A_332 = arith.muli %parallel_loop3A_76, %parallel_loop3A_331 : i32
          %parallel_loop3A_333 = arith.constant 19 : i32
          %parallel_loop3A_334 = arith.index_cast %parallel_loop3A_333 : i32 to index
          %parallel_loop3A_335 = arith.index_cast %parallel_loop3A_332 : i32 to index
          %parallel_loop3A_336 = tpu.vector_load %arg5[%parallel_loop3A_334, %parallel_loop3A_335] {strides = array<i32>} : memref<32x768xf32, #tpu.memory_space<vmem>>, vector<16xf32>,
          %parallel_loop3A_337 = arith.constant 19 : i32
          %parallel_loop3A_338 = vector.broadcast %parallel_loop3A_337 : i32 to vector<16xi32>
          %parallel_loop3A_339 = arith.addi %parallel_loop3A_80, %parallel_loop3A_338 : vector<16xi32>
          %parallel_loop3A_340 = arith.constant 31 : i32
          %parallel_loop3A_341 = vector.broadcast %parallel_loop3A_340 : i32 to vector<16xi32>
          %parallel_loop3A_342 = arith.andi %parallel_loop3A_339, %parallel_loop3A_341 : vector<16xi32>
          %parallel_loop3A_343 = arith.addi %parallel_loop3A_83, %parallel_loop3A_342 : vector<16xi32>
          tpu.vector_store_idx %arg7[%parallel_loop3A_343], %parallel_loop3A_336 : memref<24576xf32, #tpu.memory_space<vmem>>[vector<16xi32>], vector<16xf32>,
          %parallel_loop3A_344 = arith.constant 16 : i32
          %parallel_loop3A_345 = arith.muli %parallel_loop3A_76, %parallel_loop3A_344 : i32
          %parallel_loop3A_346 = arith.constant 20 : i32
          %parallel_loop3A_347 = arith.index_cast %parallel_loop3A_346 : i32 to index
          %parallel_loop3A_348 = arith.index_cast %parallel_loop3A_345 : i32 to index
          %parallel_loop3A_349 = tpu.vector_load %arg5[%parallel_loop3A_347, %parallel_loop3A_348] {strides = array<i32>} : memref<32x768xf32, #tpu.memory_space<vmem>>, vector<16xf32>,
          %parallel_loop3A_350 = arith.constant 20 : i32
          %parallel_loop3A_351 = vector.broadcast %parallel_loop3A_350 : i32 to vector<16xi32>
          %parallel_loop3A_352 = arith.addi %parallel_loop3A_80, %parallel_loop3A_351 : vector<16xi32>
          %parallel_loop3A_353 = arith.constant 31 : i32
          %parallel_loop3A_354 = vector.broadcast %parallel_loop3A_353 : i32 to vector<16xi32>
          %parallel_loop3A_355 = arith.andi %parallel_loop3A_352, %parallel_loop3A_354 : vector<16xi32>
          %parallel_loop3A_356 = arith.addi %parallel_loop3A_83, %parallel_loop3A_355 : vector<16xi32>
          tpu.vector_store_idx %arg7[%parallel_loop3A_356], %parallel_loop3A_349 : memref<24576xf32, #tpu.memory_space<vmem>>[vector<16xi32>], vector<16xf32>,
          %parallel_loop3A_357 = arith.constant 16 : i32
          %parallel_loop3A_358 = arith.muli %parallel_loop3A_76, %parallel_loop3A_357 : i32
          %parallel_loop3A_359 = arith.constant 21 : i32
          %parallel_loop3A_360 = arith.index_cast %parallel_loop3A_359 : i32 to index
          %parallel_loop3A_361 = arith.index_cast %parallel_loop3A_358 : i32 to index
          %parallel_loop3A_362 = tpu.vector_load %arg5[%parallel_loop3A_360, %parallel_loop3A_361] {strides = array<i32>} : memref<32x768xf32, #tpu.memory_space<vmem>>, vector<16xf32>,
          %parallel_loop3A_363 = arith.constant 21 : i32
          %parallel_loop3A_364 = vector.broadcast %parallel_loop3A_363 : i32 to vector<16xi32>
          %parallel_loop3A_365 = arith.addi %parallel_loop3A_80, %parallel_loop3A_364 : vector<16xi32>
          %parallel_loop3A_366 = arith.constant 31 : i32
          %parallel_loop3A_367 = vector.broadcast %parallel_loop3A_366 : i32 to vector<16xi32>
          %parallel_loop3A_368 = arith.andi %parallel_loop3A_365, %parallel_loop3A_367 : vector<16xi32>
          %parallel_loop3A_369 = arith.addi %parallel_loop3A_83, %parallel_loop3A_368 : vector<16xi32>
          tpu.vector_store_idx %arg7[%parallel_loop3A_369], %parallel_loop3A_362 : memref<24576xf32, #tpu.memory_space<vmem>>[vector<16xi32>], vector<16xf32>,
          %parallel_loop3A_370 = arith.constant 16 : i32
          %parallel_loop3A_371 = arith.muli %parallel_loop3A_76, %parallel_loop3A_370 : i32
          %parallel_loop3A_372 = arith.constant 22 : i32
          %parallel_loop3A_373 = arith.index_cast %parallel_loop3A_372 : i32 to index
          %parallel_loop3A_374 = arith.index_cast %parallel_loop3A_371 : i32 to index
          %parallel_loop3A_375 = tpu.vector_load %arg5[%parallel_loop3A_373, %parallel_loop3A_374] {strides = array<i32>} : memref<32x768xf32, #tpu.memory_space<vmem>>, vector<16xf32>,
          %parallel_loop3A_376 = arith.constant 22 : i32
          %parallel_loop3A_377 = vector.broadcast %parallel_loop3A_376 : i32 to vector<16xi32>
          %parallel_loop3A_378 = arith.addi %parallel_loop3A_80, %parallel_loop3A_377 : vector<16xi32>
          %parallel_loop3A_379 = arith.constant 31 : i32
          %parallel_loop3A_380 = vector.broadcast %parallel_loop3A_379 : i32 to vector<16xi32>
          %parallel_loop3A_381 = arith.andi %parallel_loop3A_378, %parallel_loop3A_380 : vector<16xi32>
          %parallel_loop3A_382 = arith.addi %parallel_loop3A_83, %parallel_loop3A_381 : vector<16xi32>
          tpu.vector_store_idx %arg7[%parallel_loop3A_382], %parallel_loop3A_375 : memref<24576xf32, #tpu.memory_space<vmem>>[vector<16xi32>], vector<16xf32>,
          %parallel_loop3A_383 = arith.constant 16 : i32
          %parallel_loop3A_384 = arith.muli %parallel_loop3A_76, %parallel_loop3A_383 : i32
          %parallel_loop3A_385 = arith.constant 23 : i32
          %parallel_loop3A_386 = arith.index_cast %parallel_loop3A_385 : i32 to index
          %parallel_loop3A_387 = arith.index_cast %parallel_loop3A_384 : i32 to index
          %parallel_loop3A_388 = tpu.vector_load %arg5[%parallel_loop3A_386, %parallel_loop3A_387] {strides = array<i32>} : memref<32x768xf32, #tpu.memory_space<vmem>>, vector<16xf32>,
          %parallel_loop3A_389 = arith.constant 23 : i32
          %parallel_loop3A_390 = vector.broadcast %parallel_loop3A_389 : i32 to vector<16xi32>
          %parallel_loop3A_391 = arith.addi %parallel_loop3A_80, %parallel_loop3A_390 : vector<16xi32>
          %parallel_loop3A_392 = arith.constant 31 : i32
          %parallel_loop3A_393 = vector.broadcast %parallel_loop3A_392 : i32 to vector<16xi32>
          %parallel_loop3A_394 = arith.andi %parallel_loop3A_391, %parallel_loop3A_393 : vector<16xi32>
          %parallel_loop3A_395 = arith.addi %parallel_loop3A_83, %parallel_loop3A_394 : vector<16xi32>
          tpu.vector_store_idx %arg7[%parallel_loop3A_395], %parallel_loop3A_388 : memref<24576xf32, #tpu.memory_space<vmem>>[vector<16xi32>], vector<16xf32>,
          %parallel_loop3A_396 = arith.constant 16 : i32
          %parallel_loop3A_397 = arith.muli %parallel_loop3A_76, %parallel_loop3A_396 : i32
          %parallel_loop3A_398 = arith.constant 24 : i32
          %parallel_loop3A_399 = arith.index_cast %parallel_loop3A_398 : i32 to index
          %parallel_loop3A_400 = arith.index_cast %parallel_loop3A_397 : i32 to index
          %parallel_loop3A_401 = tpu.vector_load %arg5[%parallel_loop3A_399, %parallel_loop3A_400] {strides = array<i32>} : memref<32x768xf32, #tpu.memory_space<vmem>>, vector<16xf32>,
          %parallel_loop3A_402 = arith.constant 24 : i32
          %parallel_loop3A_403 = vector.broadcast %parallel_loop3A_402 : i32 to vector<16xi32>
          %parallel_loop3A_404 = arith.addi %parallel_loop3A_80, %parallel_loop3A_403 : vector<16xi32>
          %parallel_loop3A_405 = arith.constant 31 : i32
          %parallel_loop3A_406 = vector.broadcast %parallel_loop3A_405 : i32 to vector<16xi32>
          %parallel_loop3A_407 = arith.andi %parallel_loop3A_404, %parallel_loop3A_406 : vector<16xi32>
          %parallel_loop3A_408 = arith.addi %parallel_loop3A_83, %parallel_loop3A_407 : vector<16xi32>
          tpu.vector_store_idx %arg7[%parallel_loop3A_408], %parallel_loop3A_401 : memref<24576xf32, #tpu.memory_space<vmem>>[vector<16xi32>], vector<16xf32>,
          %parallel_loop3A_409 = arith.constant 16 : i32
          %parallel_loop3A_410 = arith.muli %parallel_loop3A_76, %parallel_loop3A_409 : i32
          %parallel_loop3A_411 = arith.constant 25 : i32
          %parallel_loop3A_412 = arith.index_cast %parallel_loop3A_411 : i32 to index
          %parallel_loop3A_413 = arith.index_cast %parallel_loop3A_410 : i32 to index
          %parallel_loop3A_414 = tpu.vector_load %arg5[%parallel_loop3A_412, %parallel_loop3A_413] {strides = array<i32>} : memref<32x768xf32, #tpu.memory_space<vmem>>, vector<16xf32>,
          %parallel_loop3A_415 = arith.constant 25 : i32
          %parallel_loop3A_416 = vector.broadcast %parallel_loop3A_415 : i32 to vector<16xi32>
          %parallel_loop3A_417 = arith.addi %parallel_loop3A_80, %parallel_loop3A_416 : vector<16xi32>
          %parallel_loop3A_418 = arith.constant 31 : i32
          %parallel_loop3A_419 = vector.broadcast %parallel_loop3A_418 : i32 to vector<16xi32>
          %parallel_loop3A_420 = arith.andi %parallel_loop3A_417, %parallel_loop3A_419 : vector<16xi32>
          %parallel_loop3A_421 = arith.addi %parallel_loop3A_83, %parallel_loop3A_420 : vector<16xi32>
          tpu.vector_store_idx %arg7[%parallel_loop3A_421], %parallel_loop3A_414 : memref<24576xf32, #tpu.memory_space<vmem>>[vector<16xi32>], vector<16xf32>,
          %parallel_loop3A_422 = arith.constant 16 : i32
          %parallel_loop3A_423 = arith.muli %parallel_loop3A_76, %parallel_loop3A_422 : i32
          %parallel_loop3A_424 = arith.constant 26 : i32
          %parallel_loop3A_425 = arith.index_cast %parallel_loop3A_424 : i32 to index
          %parallel_loop3A_426 = arith.index_cast %parallel_loop3A_423 : i32 to index
          %parallel_loop3A_427 = tpu.vector_load %arg5[%parallel_loop3A_425, %parallel_loop3A_426] {strides = array<i32>} : memref<32x768xf32, #tpu.memory_space<vmem>>, vector<16xf32>,
          %parallel_loop3A_428 = arith.constant 26 : i32
          %parallel_loop3A_429 = vector.broadcast %parallel_loop3A_428 : i32 to vector<16xi32>
          %parallel_loop3A_430 = arith.addi %parallel_loop3A_80, %parallel_loop3A_429 : vector<16xi32>
          %parallel_loop3A_431 = arith.constant 31 : i32
          %parallel_loop3A_432 = vector.broadcast %parallel_loop3A_431 : i32 to vector<16xi32>
          %parallel_loop3A_433 = arith.andi %parallel_loop3A_430, %parallel_loop3A_432 : vector<16xi32>
          %parallel_loop3A_434 = arith.addi %parallel_loop3A_83, %parallel_loop3A_433 : vector<16xi32>
          tpu.vector_store_idx %arg7[%parallel_loop3A_434], %parallel_loop3A_427 : memref<24576xf32, #tpu.memory_space<vmem>>[vector<16xi32>], vector<16xf32>,
          %parallel_loop3A_435 = arith.constant 16 : i32
          %parallel_loop3A_436 = arith.muli %parallel_loop3A_76, %parallel_loop3A_435 : i32
          %parallel_loop3A_437 = arith.constant 27 : i32
          %parallel_loop3A_438 = arith.index_cast %parallel_loop3A_437 : i32 to index
          %parallel_loop3A_439 = arith.index_cast %parallel_loop3A_436 : i32 to index
          %parallel_loop3A_440 = tpu.vector_load %arg5[%parallel_loop3A_438, %parallel_loop3A_439] {strides = array<i32>} : memref<32x768xf32, #tpu.memory_space<vmem>>, vector<16xf32>,
          %parallel_loop3A_441 = arith.constant 27 : i32
          %parallel_loop3A_442 = vector.broadcast %parallel_loop3A_441 : i32 to vector<16xi32>
          %parallel_loop3A_443 = arith.addi %parallel_loop3A_80, %parallel_loop3A_442 : vector<16xi32>
          %parallel_loop3A_444 = arith.constant 31 : i32
          %parallel_loop3A_445 = vector.broadcast %parallel_loop3A_444 : i32 to vector<16xi32>
          %parallel_loop3A_446 = arith.andi %parallel_loop3A_443, %parallel_loop3A_445 : vector<16xi32>
          %parallel_loop3A_447 = arith.addi %parallel_loop3A_83, %parallel_loop3A_446 : vector<16xi32>
          tpu.vector_store_idx %arg7[%parallel_loop3A_447], %parallel_loop3A_440 : memref<24576xf32, #tpu.memory_space<vmem>>[vector<16xi32>], vector<16xf32>,
          %parallel_loop3A_448 = arith.constant 16 : i32
          %parallel_loop3A_449 = arith.muli %parallel_loop3A_76, %parallel_loop3A_448 : i32
          %parallel_loop3A_450 = arith.constant 28 : i32
          %parallel_loop3A_451 = arith.index_cast %parallel_loop3A_450 : i32 to index
          %parallel_loop3A_452 = arith.index_cast %parallel_loop3A_449 : i32 to index
          %parallel_loop3A_453 = tpu.vector_load %arg5[%parallel_loop3A_451, %parallel_loop3A_452] {strides = array<i32>} : memref<32x768xf32, #tpu.memory_space<vmem>>, vector<16xf32>,
          %parallel_loop3A_454 = arith.constant 28 : i32
          %parallel_loop3A_455 = vector.broadcast %parallel_loop3A_454 : i32 to vector<16xi32>
          %parallel_loop3A_456 = arith.addi %parallel_loop3A_80, %parallel_loop3A_455 : vector<16xi32>
          %parallel_loop3A_457 = arith.constant 31 : i32
          %parallel_loop3A_458 = vector.broadcast %parallel_loop3A_457 : i32 to vector<16xi32>
          %parallel_loop3A_459 = arith.andi %parallel_loop3A_456, %parallel_loop3A_458 : vector<16xi32>
          %parallel_loop3A_460 = arith.addi %parallel_loop3A_83, %parallel_loop3A_459 : vector<16xi32>
          tpu.vector_store_idx %arg7[%parallel_loop3A_460], %parallel_loop3A_453 : memref<24576xf32, #tpu.memory_space<vmem>>[vector<16xi32>], vector<16xf32>,
          %parallel_loop3A_461 = arith.constant 16 : i32
          %parallel_loop3A_462 = arith.muli %parallel_loop3A_76, %parallel_loop3A_461 : i32
          %parallel_loop3A_463 = arith.constant 29 : i32
          %parallel_loop3A_464 = arith.index_cast %parallel_loop3A_463 : i32 to index
          %parallel_loop3A_465 = arith.index_cast %parallel_loop3A_462 : i32 to index
          %parallel_loop3A_466 = tpu.vector_load %arg5[%parallel_loop3A_464, %parallel_loop3A_465] {strides = array<i32>} : memref<32x768xf32, #tpu.memory_space<vmem>>, vector<16xf32>,
          %parallel_loop3A_467 = arith.constant 29 : i32
          %parallel_loop3A_468 = vector.broadcast %parallel_loop3A_467 : i32 to vector<16xi32>
          %parallel_loop3A_469 = arith.addi %parallel_loop3A_80, %parallel_loop3A_468 : vector<16xi32>
          %parallel_loop3A_470 = arith.constant 31 : i32
          %parallel_loop3A_471 = vector.broadcast %parallel_loop3A_470 : i32 to vector<16xi32>
          %parallel_loop3A_472 = arith.andi %parallel_loop3A_469, %parallel_loop3A_471 : vector<16xi32>
          %parallel_loop3A_473 = arith.addi %parallel_loop3A_83, %parallel_loop3A_472 : vector<16xi32>
          tpu.vector_store_idx %arg7[%parallel_loop3A_473], %parallel_loop3A_466 : memref<24576xf32, #tpu.memory_space<vmem>>[vector<16xi32>], vector<16xf32>,
          %parallel_loop3A_474 = arith.constant 16 : i32
          %parallel_loop3A_475 = arith.muli %parallel_loop3A_76, %parallel_loop3A_474 : i32
          %parallel_loop3A_476 = arith.constant 30 : i32
          %parallel_loop3A_477 = arith.index_cast %parallel_loop3A_476 : i32 to index
          %parallel_loop3A_478 = arith.index_cast %parallel_loop3A_475 : i32 to index
          %parallel_loop3A_479 = tpu.vector_load %arg5[%parallel_loop3A_477, %parallel_loop3A_478] {strides = array<i32>} : memref<32x768xf32, #tpu.memory_space<vmem>>, vector<16xf32>,
          %parallel_loop3A_480 = arith.constant 30 : i32
          %parallel_loop3A_481 = vector.broadcast %parallel_loop3A_480 : i32 to vector<16xi32>
          %parallel_loop3A_482 = arith.addi %parallel_loop3A_80, %parallel_loop3A_481 : vector<16xi32>
          %parallel_loop3A_483 = arith.constant 31 : i32
          %parallel_loop3A_484 = vector.broadcast %parallel_loop3A_483 : i32 to vector<16xi32>
          %parallel_loop3A_485 = arith.andi %parallel_loop3A_482, %parallel_loop3A_484 : vector<16xi32>
          %parallel_loop3A_486 = arith.addi %parallel_loop3A_83, %parallel_loop3A_485 : vector<16xi32>
          tpu.vector_store_idx %arg7[%parallel_loop3A_486], %parallel_loop3A_479 : memref<24576xf32, #tpu.memory_space<vmem>>[vector<16xi32>], vector<16xf32>,
          %parallel_loop3A_487 = arith.constant 16 : i32
          %parallel_loop3A_488 = arith.muli %parallel_loop3A_76, %parallel_loop3A_487 : i32
          %parallel_loop3A_489 = arith.constant 31 : i32
          %parallel_loop3A_490 = arith.index_cast %parallel_loop3A_489 : i32 to index
          %parallel_loop3A_491 = arith.index_cast %parallel_loop3A_488 : i32 to index
          %parallel_loop3A_492 = tpu.vector_load %arg5[%parallel_loop3A_490, %parallel_loop3A_491] {strides = array<i32>} : memref<32x768xf32, #tpu.memory_space<vmem>>, vector<16xf32>,
          %parallel_loop3A_493 = arith.constant 31 : i32
          %parallel_loop3A_494 = vector.broadcast %parallel_loop3A_493 : i32 to vector<16xi32>
          %parallel_loop3A_495 = arith.addi %parallel_loop3A_80, %parallel_loop3A_494 : vector<16xi32>
          %parallel_loop3A_496 = arith.constant 31 : i32
          %parallel_loop3A_497 = vector.broadcast %parallel_loop3A_496 : i32 to vector<16xi32>
          %parallel_loop3A_498 = arith.andi %parallel_loop3A_495, %parallel_loop3A_497 : vector<16xi32>
          %parallel_loop3A_499 = arith.addi %parallel_loop3A_83, %parallel_loop3A_498 : vector<16xi32>
          tpu.vector_store_idx %arg7[%parallel_loop3A_499], %parallel_loop3A_492 : memref<24576xf32, #tpu.memory_space<vmem>>[vector<16xi32>], vector<16xf32>,
        } {sc.loop_unroll_factor = 2 : i64, sc.parallel_access}
        %mul3A_71 = arith.constant 768 : i32
        %mul3A_72 = arith.muli %add3A_27, %mul3A_71 : i32
        %mul3A_73 = arith.constant 32 : i32
        %mul3A_74 = arith.muli %mul3A_72, %mul3A_73 : i32
        %multiple_of3A = tpu.assume_multiple %mul3A_74, 24576 : i32
        %dma_start3A = tpu.memref_slice %arg4[%multiple_of3A] : memref<32000000xf32, #tpu.memory_space<hbm>> -> memref<24576xf32, #tpu.memory_space<hbm>>
        %dma_start3A_75 = tpu.memref_slice %arg4[%multiple_of3A] : memref<32000000xf32, #tpu.memory_space<hbm>> -> memref<24576xf32, #tpu.memory_space<hbm>>
        tpu.enqueue_dma source(%arg7 : memref<24576xf32, #tpu.memory_space<vmem>>) target(%dma_start3A_75 : memref<24576xf32, #tpu.memory_space<hbm>>) target_semaphore(%arg11 : memref<!tpu.dma_semaphore, #tpu.memory_space<semaphore_mem>>)
      } else {
      }
      %add3A_46 = arith.constant 32 : i32
      %add3A_47 = arith.addi %add3A_34, %add3A_46 : i32
      %lt3A_48 = arith.constant 1302 : i32
      %lt3A_49 = arith.cmpi slt, %add3A_47, %lt3A_48 : i32
      %convert_element_type3A_50 = arith.extui %lt3A_49 : i1 to i32
      %cond3A_51 = arith.constant 0 : i32
      %cond3A_52 = arith.cmpi ne, %convert_element_type3A_50, %cond3A_51 : i32
      scf.if %cond3A_52 {
        %mul3A_60 = arith.constant 768 : i32
        %mul3A_61 = arith.muli %add3A_47, %mul3A_60 : i32
        %multiple_of3A = tpu.assume_multiple %mul3A_61, 768 : i32
        %dma_start3A = arith.constant 0 : i32
        %dma_start3A_62 = tpu.memref_slice %arg2[%dma_start3A, %multiple_of3A] : memref<32x1000000xf32, #tpu.memory_space<hbm>> -> memref<32x768xf32, #tpu.memory_space<hbm>>
        %dma_start3A_63 = arith.constant 0 : i32
        %dma_start3A_64 = tpu.memref_slice %arg2[%dma_start3A_63, %multiple_of3A] : memref<32x1000000xf32, #tpu.memory_space<hbm>> -> memref<32x768xf32, #tpu.memory_space<hbm>>
        tpu.enqueue_dma source(%dma_start3A_64 : memref<32x768xf32, #tpu.memory_space<hbm>>) target(%arg5 : memref<32x768xf32, #tpu.memory_space<vmem>>) target_semaphore(%arg9 : memref<!tpu.dma_semaphore, #tpu.memory_space<semaphore_mem>>)
      } else {
      }
      %gt3A_53 = arith.constant 0 : i32
      %gt3A_54 = arith.cmpi sgt, %add3A_22, %gt3A_53 : i32
      %lt3A_55 = arith.constant 1302 : i32
      %lt3A_56 = arith.cmpi slt, %add3A_34, %lt3A_55 : i32
      %convert_element_type3A_57 = arith.extui %lt3A_56 : i1 to i32
      %cond3A_58 = arith.constant 0 : i32
      %cond3A_59 = arith.cmpi ne, %convert_element_type3A_57, %cond3A_58 : i32
      scf.if %cond3A_59 {
        %dma_wait3A_60 = arith.constant 0 : i32
        %dma_wait3A_61 = arith.constant 0 : i32
        %dma_wait3A_62 = tpu.memref_slice %arg2[%dma_wait3A_60, %dma_wait3A_61] : memref<32x1000000xf32, #tpu.memory_space<hbm>> -> memref<32x768xf32, #tpu.memory_space<hbm>>
        %dma_wait3A_63 = arith.constant 0 : i32
        %dma_wait3A_64 = arith.constant 0 : i32
        %dma_wait3A_65 = tpu.memref_slice %arg2[%dma_wait3A_63, %dma_wait3A_64] : memref<32x1000000xf32, #tpu.memory_space<hbm>> -> memref<32x768xf32, #tpu.memory_space<hbm>>
        tpu.wait_dma2 semaphore(%arg10 : memref<!tpu.dma_semaphore, #tpu.memory_space<semaphore_mem>>) src(%dma_wait3A_65 : memref<32x768xf32, #tpu.memory_space<hbm>>) dst(%arg6 : memref<32x768xf32, #tpu.memory_space<vmem>>)
        %convert_element_type3A_66 = arith.extui %gt3A_54 : i1 to i32
        %cond3A_67 = arith.constant 0 : i32
        %cond3A_68 = arith.cmpi ne, %convert_element_type3A_66, %cond3A_67 : i32
        scf.if %cond3A_68 {
          %dma_wait3A_76 = arith.constant 0 : i32
          %dma_wait3A_77 = tpu.memref_slice %arg4[%dma_wait3A_76] : memref<32000000xf32, #tpu.memory_space<hbm>> -> memref<24576xf32, #tpu.memory_space<hbm>>
          %dma_wait3A_78 = arith.constant 0 : i32
          %dma_wait3A_79 = tpu.memref_slice %arg4[%dma_wait3A_78] : memref<32000000xf32, #tpu.memory_space<hbm>> -> memref<24576xf32, #tpu.memory_space<hbm>>
          tpu.wait_dma2 semaphore(%arg12 : memref<!tpu.dma_semaphore, #tpu.memory_space<semaphore_mem>>) src(%arg8 : memref<24576xf32, #tpu.memory_space<vmem>>) dst(%dma_wait3A_79 : memref<24576xf32, #tpu.memory_space<hbm>>)
        } else {
        }
        %parallel_loop3A = arith.constant 0 : i32
        %parallel_loop3A_69 = arith.constant 48 : i32
        %parallel_loop3A_70 = arith.constant 1 : i32
        scf.for %parallel_loop3A_76 = %parallel_loop3A to %parallel_loop3A_69 step %parallel_loop3A_70  : i32 {
          %parallel_loop3A_77 = arith.constant 16 : i32
          %parallel_loop3A_78 = arith.muli %parallel_loop3A_76, %parallel_loop3A_77 : i32
          %parallel_loop3A_79 = vector.broadcast %parallel_loop3A_78 : i32 to vector<16xi32>
          %parallel_loop3A_80 = arith.addi %parallel_loop3A_79, %iota3A : vector<16xi32>
          %parallel_loop3A_81 = arith.constant 32 : i32
          %parallel_loop3A_82 = vector.broadcast %parallel_loop3A_81 : i32 to vector<16xi32>
          %parallel_loop3A_83 = arith.muli %parallel_loop3A_80, %parallel_loop3A_82 : vector<16xi32>
          %parallel_loop3A_84 = arith.constant 16 : i32
          %parallel_loop3A_85 = arith.muli %parallel_loop3A_76, %parallel_loop3A_84 : i32
          %parallel_loop3A_86 = arith.constant 0 : i32
          %parallel_loop3A_87 = arith.index_cast %parallel_loop3A_86 : i32 to index
          %parallel_loop3A_88 = arith.index_cast %parallel_loop3A_85 : i32 to index
          %parallel_loop3A_89 = tpu.vector_load %arg6[%parallel_loop3A_87, %parallel_loop3A_88] {strides = array<i32>} : memref<32x768xf32, #tpu.memory_space<vmem>>, vector<16xf32>,
          %parallel_loop3A_90 = arith.constant 0 : i32
          %parallel_loop3A_91 = vector.broadcast %parallel_loop3A_90 : i32 to vector<16xi32>
          %parallel_loop3A_92 = arith.addi %parallel_loop3A_80, %parallel_loop3A_91 : vector<16xi32>
          %parallel_loop3A_93 = arith.constant 31 : i32
          %parallel_loop3A_94 = vector.broadcast %parallel_loop3A_93 : i32 to vector<16xi32>
          %parallel_loop3A_95 = arith.andi %parallel_loop3A_92, %parallel_loop3A_94 : vector<16xi32>
          %parallel_loop3A_96 = arith.addi %parallel_loop3A_83, %parallel_loop3A_95 : vector<16xi32>
          tpu.vector_store_idx %arg8[%parallel_loop3A_96], %parallel_loop3A_89 : memref<24576xf32, #tpu.memory_space<vmem>>[vector<16xi32>], vector<16xf32>,
          %parallel_loop3A_97 = arith.constant 16 : i32
          %parallel_loop3A_98 = arith.muli %parallel_loop3A_76, %parallel_loop3A_97 : i32
          %parallel_loop3A_99 = arith.constant 1 : i32
          %parallel_loop3A_100 = arith.index_cast %parallel_loop3A_99 : i32 to index
          %parallel_loop3A_101 = arith.index_cast %parallel_loop3A_98 : i32 to index
          %parallel_loop3A_102 = tpu.vector_load %arg6[%parallel_loop3A_100, %parallel_loop3A_101] {strides = array<i32>} : memref<32x768xf32, #tpu.memory_space<vmem>>, vector<16xf32>,
          %parallel_loop3A_103 = arith.constant 1 : i32
          %parallel_loop3A_104 = vector.broadcast %parallel_loop3A_103 : i32 to vector<16xi32>
          %parallel_loop3A_105 = arith.addi %parallel_loop3A_80, %parallel_loop3A_104 : vector<16xi32>
          %parallel_loop3A_106 = arith.constant 31 : i32
          %parallel_loop3A_107 = vector.broadcast %parallel_loop3A_106 : i32 to vector<16xi32>
          %parallel_loop3A_108 = arith.andi %parallel_loop3A_105, %parallel_loop3A_107 : vector<16xi32>
          %parallel_loop3A_109 = arith.addi %parallel_loop3A_83, %parallel_loop3A_108 : vector<16xi32>
          tpu.vector_store_idx %arg8[%parallel_loop3A_109], %parallel_loop3A_102 : memref<24576xf32, #tpu.memory_space<vmem>>[vector<16xi32>], vector<16xf32>,
          %parallel_loop3A_110 = arith.constant 16 : i32
          %parallel_loop3A_111 = arith.muli %parallel_loop3A_76, %parallel_loop3A_110 : i32
          %parallel_loop3A_112 = arith.constant 2 : i32
          %parallel_loop3A_113 = arith.index_cast %parallel_loop3A_112 : i32 to index
          %parallel_loop3A_114 = arith.index_cast %parallel_loop3A_111 : i32 to index
          %parallel_loop3A_115 = tpu.vector_load %arg6[%parallel_loop3A_113, %parallel_loop3A_114] {strides = array<i32>} : memref<32x768xf32, #tpu.memory_space<vmem>>, vector<16xf32>,
          %parallel_loop3A_116 = arith.constant 2 : i32
          %parallel_loop3A_117 = vector.broadcast %parallel_loop3A_116 : i32 to vector<16xi32>
          %parallel_loop3A_118 = arith.addi %parallel_loop3A_80, %parallel_loop3A_117 : vector<16xi32>
          %parallel_loop3A_119 = arith.constant 31 : i32
          %parallel_loop3A_120 = vector.broadcast %parallel_loop3A_119 : i32 to vector<16xi32>
          %parallel_loop3A_121 = arith.andi %parallel_loop3A_118, %parallel_loop3A_120 : vector<16xi32>
          %parallel_loop3A_122 = arith.addi %parallel_loop3A_83, %parallel_loop3A_121 : vector<16xi32>
          tpu.vector_store_idx %arg8[%parallel_loop3A_122], %parallel_loop3A_115 : memref<24576xf32, #tpu.memory_space<vmem>>[vector<16xi32>], vector<16xf32>,
          %parallel_loop3A_123 = arith.constant 16 : i32
          %parallel_loop3A_124 = arith.muli %parallel_loop3A_76, %parallel_loop3A_123 : i32
          %parallel_loop3A_125 = arith.constant 3 : i32
          %parallel_loop3A_126 = arith.index_cast %parallel_loop3A_125 : i32 to index
          %parallel_loop3A_127 = arith.index_cast %parallel_loop3A_124 : i32 to index
          %parallel_loop3A_128 = tpu.vector_load %arg6[%parallel_loop3A_126, %parallel_loop3A_127] {strides = array<i32>} : memref<32x768xf32, #tpu.memory_space<vmem>>, vector<16xf32>,
          %parallel_loop3A_129 = arith.constant 3 : i32
          %parallel_loop3A_130 = vector.broadcast %parallel_loop3A_129 : i32 to vector<16xi32>
          %parallel_loop3A_131 = arith.addi %parallel_loop3A_80, %parallel_loop3A_130 : vector<16xi32>
          %parallel_loop3A_132 = arith.constant 31 : i32
          %parallel_loop3A_133 = vector.broadcast %parallel_loop3A_132 : i32 to vector<16xi32>
          %parallel_loop3A_134 = arith.andi %parallel_loop3A_131, %parallel_loop3A_133 : vector<16xi32>
          %parallel_loop3A_135 = arith.addi %parallel_loop3A_83, %parallel_loop3A_134 : vector<16xi32>
          tpu.vector_store_idx %arg8[%parallel_loop3A_135], %parallel_loop3A_128 : memref<24576xf32, #tpu.memory_space<vmem>>[vector<16xi32>], vector<16xf32>,
          %parallel_loop3A_136 = arith.constant 16 : i32
          %parallel_loop3A_137 = arith.muli %parallel_loop3A_76, %parallel_loop3A_136 : i32
          %parallel_loop3A_138 = arith.constant 4 : i32
          %parallel_loop3A_139 = arith.index_cast %parallel_loop3A_138 : i32 to index
          %parallel_loop3A_140 = arith.index_cast %parallel_loop3A_137 : i32 to index
          %parallel_loop3A_141 = tpu.vector_load %arg6[%parallel_loop3A_139, %parallel_loop3A_140] {strides = array<i32>} : memref<32x768xf32, #tpu.memory_space<vmem>>, vector<16xf32>,
          %parallel_loop3A_142 = arith.constant 4 : i32
          %parallel_loop3A_143 = vector.broadcast %parallel_loop3A_142 : i32 to vector<16xi32>
          %parallel_loop3A_144 = arith.addi %parallel_loop3A_80, %parallel_loop3A_143 : vector<16xi32>
          %parallel_loop3A_145 = arith.constant 31 : i32
          %parallel_loop3A_146 = vector.broadcast %parallel_loop3A_145 : i32 to vector<16xi32>
          %parallel_loop3A_147 = arith.andi %parallel_loop3A_144, %parallel_loop3A_146 : vector<16xi32>
          %parallel_loop3A_148 = arith.addi %parallel_loop3A_83, %parallel_loop3A_147 : vector<16xi32>
          tpu.vector_store_idx %arg8[%parallel_loop3A_148], %parallel_loop3A_141 : memref<24576xf32, #tpu.memory_space<vmem>>[vector<16xi32>], vector<16xf32>,
          %parallel_loop3A_149 = arith.constant 16 : i32
          %parallel_loop3A_150 = arith.muli %parallel_loop3A_76, %parallel_loop3A_149 : i32
          %parallel_loop3A_151 = arith.constant 5 : i32
          %parallel_loop3A_152 = arith.index_cast %parallel_loop3A_151 : i32 to index
          %parallel_loop3A_153 = arith.index_cast %parallel_loop3A_150 : i32 to index
          %parallel_loop3A_154 = tpu.vector_load %arg6[%parallel_loop3A_152, %parallel_loop3A_153] {strides = array<i32>} : memref<32x768xf32, #tpu.memory_space<vmem>>, vector<16xf32>,
          %parallel_loop3A_155 = arith.constant 5 : i32
          %parallel_loop3A_156 = vector.broadcast %parallel_loop3A_155 : i32 to vector<16xi32>
          %parallel_loop3A_157 = arith.addi %parallel_loop3A_80, %parallel_loop3A_156 : vector<16xi32>
          %parallel_loop3A_158 = arith.constant 31 : i32
          %parallel_loop3A_159 = vector.broadcast %parallel_loop3A_158 : i32 to vector<16xi32>
          %parallel_loop3A_160 = arith.andi %parallel_loop3A_157, %parallel_loop3A_159 : vector<16xi32>
          %parallel_loop3A_161 = arith.addi %parallel_loop3A_83, %parallel_loop3A_160 : vector<16xi32>
          tpu.vector_store_idx %arg8[%parallel_loop3A_161], %parallel_loop3A_154 : memref<24576xf32, #tpu.memory_space<vmem>>[vector<16xi32>], vector<16xf32>,
          %parallel_loop3A_162 = arith.constant 16 : i32
          %parallel_loop3A_163 = arith.muli %parallel_loop3A_76, %parallel_loop3A_162 : i32
          %parallel_loop3A_164 = arith.constant 6 : i32
          %parallel_loop3A_165 = arith.index_cast %parallel_loop3A_164 : i32 to index
          %parallel_loop3A_166 = arith.index_cast %parallel_loop3A_163 : i32 to index
          %parallel_loop3A_167 = tpu.vector_load %arg6[%parallel_loop3A_165, %parallel_loop3A_166] {strides = array<i32>} : memref<32x768xf32, #tpu.memory_space<vmem>>, vector<16xf32>,
          %parallel_loop3A_168 = arith.constant 6 : i32
          %parallel_loop3A_169 = vector.broadcast %parallel_loop3A_168 : i32 to vector<16xi32>
          %parallel_loop3A_170 = arith.addi %parallel_loop3A_80, %parallel_loop3A_169 : vector<16xi32>
          %parallel_loop3A_171 = arith.constant 31 : i32
          %parallel_loop3A_172 = vector.broadcast %parallel_loop3A_171 : i32 to vector<16xi32>
          %parallel_loop3A_173 = arith.andi %parallel_loop3A_170, %parallel_loop3A_172 : vector<16xi32>
          %parallel_loop3A_174 = arith.addi %parallel_loop3A_83, %parallel_loop3A_173 : vector<16xi32>
          tpu.vector_store_idx %arg8[%parallel_loop3A_174], %parallel_loop3A_167 : memref<24576xf32, #tpu.memory_space<vmem>>[vector<16xi32>], vector<16xf32>,
          %parallel_loop3A_175 = arith.constant 16 : i32
          %parallel_loop3A_176 = arith.muli %parallel_loop3A_76, %parallel_loop3A_175 : i32
          %parallel_loop3A_177 = arith.constant 7 : i32
          %parallel_loop3A_178 = arith.index_cast %parallel_loop3A_177 : i32 to index
          %parallel_loop3A_179 = arith.index_cast %parallel_loop3A_176 : i32 to index
          %parallel_loop3A_180 = tpu.vector_load %arg6[%parallel_loop3A_178, %parallel_loop3A_179] {strides = array<i32>} : memref<32x768xf32, #tpu.memory_space<vmem>>, vector<16xf32>,
          %parallel_loop3A_181 = arith.constant 7 : i32
          %parallel_loop3A_182 = vector.broadcast %parallel_loop3A_181 : i32 to vector<16xi32>
          %parallel_loop3A_183 = arith.addi %parallel_loop3A_80, %parallel_loop3A_182 : vector<16xi32>
          %parallel_loop3A_184 = arith.constant 31 : i32
          %parallel_loop3A_185 = vector.broadcast %parallel_loop3A_184 : i32 to vector<16xi32>
          %parallel_loop3A_186 = arith.andi %parallel_loop3A_183, %parallel_loop3A_185 : vector<16xi32>
          %parallel_loop3A_187 = arith.addi %parallel_loop3A_83, %parallel_loop3A_186 : vector<16xi32>
          tpu.vector_store_idx %arg8[%parallel_loop3A_187], %parallel_loop3A_180 : memref<24576xf32, #tpu.memory_space<vmem>>[vector<16xi32>], vector<16xf32>,
          %parallel_loop3A_188 = arith.constant 16 : i32
          %parallel_loop3A_189 = arith.muli %parallel_loop3A_76, %parallel_loop3A_188 : i32
          %parallel_loop3A_190 = arith.constant 8 : i32
          %parallel_loop3A_191 = arith.index_cast %parallel_loop3A_190 : i32 to index
          %parallel_loop3A_192 = arith.index_cast %parallel_loop3A_189 : i32 to index
          %parallel_loop3A_193 = tpu.vector_load %arg6[%parallel_loop3A_191, %parallel_loop3A_192] {strides = array<i32>} : memref<32x768xf32, #tpu.memory_space<vmem>>, vector<16xf32>,
          %parallel_loop3A_194 = arith.constant 8 : i32
          %parallel_loop3A_195 = vector.broadcast %parallel_loop3A_194 : i32 to vector<16xi32>
          %parallel_loop3A_196 = arith.addi %parallel_loop3A_80, %parallel_loop3A_195 : vector<16xi32>
          %parallel_loop3A_197 = arith.constant 31 : i32
          %parallel_loop3A_198 = vector.broadcast %parallel_loop3A_197 : i32 to vector<16xi32>
          %parallel_loop3A_199 = arith.andi %parallel_loop3A_196, %parallel_loop3A_198 : vector<16xi32>
          %parallel_loop3A_200 = arith.addi %parallel_loop3A_83, %parallel_loop3A_199 : vector<16xi32>
          tpu.vector_store_idx %arg8[%parallel_loop3A_200], %parallel_loop3A_193 : memref<24576xf32, #tpu.memory_space<vmem>>[vector<16xi32>], vector<16xf32>,
          %parallel_loop3A_201 = arith.constant 16 : i32
          %parallel_loop3A_202 = arith.muli %parallel_loop3A_76, %parallel_loop3A_201 : i32
          %parallel_loop3A_203 = arith.constant 9 : i32
          %parallel_loop3A_204 = arith.index_cast %parallel_loop3A_203 : i32 to index
          %parallel_loop3A_205 = arith.index_cast %parallel_loop3A_202 : i32 to index
          %parallel_loop3A_206 = tpu.vector_load %arg6[%parallel_loop3A_204, %parallel_loop3A_205] {strides = array<i32>} : memref<32x768xf32, #tpu.memory_space<vmem>>, vector<16xf32>,
          %parallel_loop3A_207 = arith.constant 9 : i32
          %parallel_loop3A_208 = vector.broadcast %parallel_loop3A_207 : i32 to vector<16xi32>
          %parallel_loop3A_209 = arith.addi %parallel_loop3A_80, %parallel_loop3A_208 : vector<16xi32>
          %parallel_loop3A_210 = arith.constant 31 : i32
          %parallel_loop3A_211 = vector.broadcast %parallel_loop3A_210 : i32 to vector<16xi32>
          %parallel_loop3A_212 = arith.andi %parallel_loop3A_209, %parallel_loop3A_211 : vector<16xi32>
          %parallel_loop3A_213 = arith.addi %parallel_loop3A_83, %parallel_loop3A_212 : vector<16xi32>
          tpu.vector_store_idx %arg8[%parallel_loop3A_213], %parallel_loop3A_206 : memref<24576xf32, #tpu.memory_space<vmem>>[vector<16xi32>], vector<16xf32>,
          %parallel_loop3A_214 = arith.constant 16 : i32
          %parallel_loop3A_215 = arith.muli %parallel_loop3A_76, %parallel_loop3A_214 : i32
          %parallel_loop3A_216 = arith.constant 10 : i32
          %parallel_loop3A_217 = arith.index_cast %parallel_loop3A_216 : i32 to index
          %parallel_loop3A_218 = arith.index_cast %parallel_loop3A_215 : i32 to index
          %parallel_loop3A_219 = tpu.vector_load %arg6[%parallel_loop3A_217, %parallel_loop3A_218] {strides = array<i32>} : memref<32x768xf32, #tpu.memory_space<vmem>>, vector<16xf32>,
          %parallel_loop3A_220 = arith.constant 10 : i32
          %parallel_loop3A_221 = vector.broadcast %parallel_loop3A_220 : i32 to vector<16xi32>
          %parallel_loop3A_222 = arith.addi %parallel_loop3A_80, %parallel_loop3A_221 : vector<16xi32>
          %parallel_loop3A_223 = arith.constant 31 : i32
          %parallel_loop3A_224 = vector.broadcast %parallel_loop3A_223 : i32 to vector<16xi32>
          %parallel_loop3A_225 = arith.andi %parallel_loop3A_222, %parallel_loop3A_224 : vector<16xi32>
          %parallel_loop3A_226 = arith.addi %parallel_loop3A_83, %parallel_loop3A_225 : vector<16xi32>
          tpu.vector_store_idx %arg8[%parallel_loop3A_226], %parallel_loop3A_219 : memref<24576xf32, #tpu.memory_space<vmem>>[vector<16xi32>], vector<16xf32>,
          %parallel_loop3A_227 = arith.constant 16 : i32
          %parallel_loop3A_228 = arith.muli %parallel_loop3A_76, %parallel_loop3A_227 : i32
          %parallel_loop3A_229 = arith.constant 11 : i32
          %parallel_loop3A_230 = arith.index_cast %parallel_loop3A_229 : i32 to index
          %parallel_loop3A_231 = arith.index_cast %parallel_loop3A_228 : i32 to index
          %parallel_loop3A_232 = tpu.vector_load %arg6[%parallel_loop3A_230, %parallel_loop3A_231] {strides = array<i32>} : memref<32x768xf32, #tpu.memory_space<vmem>>, vector<16xf32>,
          %parallel_loop3A_233 = arith.constant 11 : i32
          %parallel_loop3A_234 = vector.broadcast %parallel_loop3A_233 : i32 to vector<16xi32>
          %parallel_loop3A_235 = arith.addi %parallel_loop3A_80, %parallel_loop3A_234 : vector<16xi32>
          %parallel_loop3A_236 = arith.constant 31 : i32
          %parallel_loop3A_237 = vector.broadcast %parallel_loop3A_236 : i32 to vector<16xi32>
          %parallel_loop3A_238 = arith.andi %parallel_loop3A_235, %parallel_loop3A_237 : vector<16xi32>
          %parallel_loop3A_239 = arith.addi %parallel_loop3A_83, %parallel_loop3A_238 : vector<16xi32>
          tpu.vector_store_idx %arg8[%parallel_loop3A_239], %parallel_loop3A_232 : memref<24576xf32, #tpu.memory_space<vmem>>[vector<16xi32>], vector<16xf32>,
          %parallel_loop3A_240 = arith.constant 16 : i32
          %parallel_loop3A_241 = arith.muli %parallel_loop3A_76, %parallel_loop3A_240 : i32
          %parallel_loop3A_242 = arith.constant 12 : i32
          %parallel_loop3A_243 = arith.index_cast %parallel_loop3A_242 : i32 to index
          %parallel_loop3A_244 = arith.index_cast %parallel_loop3A_241 : i32 to index
          %parallel_loop3A_245 = tpu.vector_load %arg6[%parallel_loop3A_243, %parallel_loop3A_244] {strides = array<i32>} : memref<32x768xf32, #tpu.memory_space<vmem>>, vector<16xf32>,
          %parallel_loop3A_246 = arith.constant 12 : i32
          %parallel_loop3A_247 = vector.broadcast %parallel_loop3A_246 : i32 to vector<16xi32>
          %parallel_loop3A_248 = arith.addi %parallel_loop3A_80, %parallel_loop3A_247 : vector<16xi32>
          %parallel_loop3A_249 = arith.constant 31 : i32
          %parallel_loop3A_250 = vector.broadcast %parallel_loop3A_249 : i32 to vector<16xi32>
          %parallel_loop3A_251 = arith.andi %parallel_loop3A_248, %parallel_loop3A_250 : vector<16xi32>
          %parallel_loop3A_252 = arith.addi %parallel_loop3A_83, %parallel_loop3A_251 : vector<16xi32>
          tpu.vector_store_idx %arg8[%parallel_loop3A_252], %parallel_loop3A_245 : memref<24576xf32, #tpu.memory_space<vmem>>[vector<16xi32>], vector<16xf32>,
          %parallel_loop3A_253 = arith.constant 16 : i32
          %parallel_loop3A_254 = arith.muli %parallel_loop3A_76, %parallel_loop3A_253 : i32
          %parallel_loop3A_255 = arith.constant 13 : i32
          %parallel_loop3A_256 = arith.index_cast %parallel_loop3A_255 : i32 to index
          %parallel_loop3A_257 = arith.index_cast %parallel_loop3A_254 : i32 to index
          %parallel_loop3A_258 = tpu.vector_load %arg6[%parallel_loop3A_256, %parallel_loop3A_257] {strides = array<i32>} : memref<32x768xf32, #tpu.memory_space<vmem>>, vector<16xf32>,
          %parallel_loop3A_259 = arith.constant 13 : i32
          %parallel_loop3A_260 = vector.broadcast %parallel_loop3A_259 : i32 to vector<16xi32>
          %parallel_loop3A_261 = arith.addi %parallel_loop3A_80, %parallel_loop3A_260 : vector<16xi32>
          %parallel_loop3A_262 = arith.constant 31 : i32
          %parallel_loop3A_263 = vector.broadcast %parallel_loop3A_262 : i32 to vector<16xi32>
          %parallel_loop3A_264 = arith.andi %parallel_loop3A_261, %parallel_loop3A_263 : vector<16xi32>
          %parallel_loop3A_265 = arith.addi %parallel_loop3A_83, %parallel_loop3A_264 : vector<16xi32>
          tpu.vector_store_idx %arg8[%parallel_loop3A_265], %parallel_loop3A_258 : memref<24576xf32, #tpu.memory_space<vmem>>[vector<16xi32>], vector<16xf32>,
          %parallel_loop3A_266 = arith.constant 16 : i32
          %parallel_loop3A_267 = arith.muli %parallel_loop3A_76, %parallel_loop3A_266 : i32
          %parallel_loop3A_268 = arith.constant 14 : i32
          %parallel_loop3A_269 = arith.index_cast %parallel_loop3A_268 : i32 to index
          %parallel_loop3A_270 = arith.index_cast %parallel_loop3A_267 : i32 to index
          %parallel_loop3A_271 = tpu.vector_load %arg6[%parallel_loop3A_269, %parallel_loop3A_270] {strides = array<i32>} : memref<32x768xf32, #tpu.memory_space<vmem>>, vector<16xf32>,
          %parallel_loop3A_272 = arith.constant 14 : i32
          %parallel_loop3A_273 = vector.broadcast %parallel_loop3A_272 : i32 to vector<16xi32>
          %parallel_loop3A_274 = arith.addi %parallel_loop3A_80, %parallel_loop3A_273 : vector<16xi32>
          %parallel_loop3A_275 = arith.constant 31 : i32
          %parallel_loop3A_276 = vector.broadcast %parallel_loop3A_275 : i32 to vector<16xi32>
          %parallel_loop3A_277 = arith.andi %parallel_loop3A_274, %parallel_loop3A_276 : vector<16xi32>
          %parallel_loop3A_278 = arith.addi %parallel_loop3A_83, %parallel_loop3A_277 : vector<16xi32>
          tpu.vector_store_idx %arg8[%parallel_loop3A_278], %parallel_loop3A_271 : memref<24576xf32, #tpu.memory_space<vmem>>[vector<16xi32>], vector<16xf32>,
          %parallel_loop3A_279 = arith.constant 16 : i32
          %parallel_loop3A_280 = arith.muli %parallel_loop3A_76, %parallel_loop3A_279 : i32
          %parallel_loop3A_281 = arith.constant 15 : i32
          %parallel_loop3A_282 = arith.index_cast %parallel_loop3A_281 : i32 to index
          %parallel_loop3A_283 = arith.index_cast %parallel_loop3A_280 : i32 to index
          %parallel_loop3A_284 = tpu.vector_load %arg6[%parallel_loop3A_282, %parallel_loop3A_283] {strides = array<i32>} : memref<32x768xf32, #tpu.memory_space<vmem>>, vector<16xf32>,
          %parallel_loop3A_285 = arith.constant 15 : i32
          %parallel_loop3A_286 = vector.broadcast %parallel_loop3A_285 : i32 to vector<16xi32>
          %parallel_loop3A_287 = arith.addi %parallel_loop3A_80, %parallel_loop3A_286 : vector<16xi32>
          %parallel_loop3A_288 = arith.constant 31 : i32
          %parallel_loop3A_289 = vector.broadcast %parallel_loop3A_288 : i32 to vector<16xi32>
          %parallel_loop3A_290 = arith.andi %parallel_loop3A_287, %parallel_loop3A_289 : vector<16xi32>
          %parallel_loop3A_291 = arith.addi %parallel_loop3A_83, %parallel_loop3A_290 : vector<16xi32>
          tpu.vector_store_idx %arg8[%parallel_loop3A_291], %parallel_loop3A_284 : memref<24576xf32, #tpu.memory_space<vmem>>[vector<16xi32>], vector<16xf32>,
          %parallel_loop3A_292 = arith.constant 16 : i32
          %parallel_loop3A_293 = arith.muli %parallel_loop3A_76, %parallel_loop3A_292 : i32
          %parallel_loop3A_294 = arith.constant 16 : i32
          %parallel_loop3A_295 = arith.index_cast %parallel_loop3A_294 : i32 to index
          %parallel_loop3A_296 = arith.index_cast %parallel_loop3A_293 : i32 to index
          %parallel_loop3A_297 = tpu.vector_load %arg6[%parallel_loop3A_295, %parallel_loop3A_296] {strides = array<i32>} : memref<32x768xf32, #tpu.memory_space<vmem>>, vector<16xf32>,
          %parallel_loop3A_298 = arith.constant 16 : i32
          %parallel_loop3A_299 = vector.broadcast %parallel_loop3A_298 : i32 to vector<16xi32>
          %parallel_loop3A_300 = arith.addi %parallel_loop3A_80, %parallel_loop3A_299 : vector<16xi32>
          %parallel_loop3A_301 = arith.constant 31 : i32
          %parallel_loop3A_302 = vector.broadcast %parallel_loop3A_301 : i32 to vector<16xi32>
          %parallel_loop3A_303 = arith.andi %parallel_loop3A_300, %parallel_loop3A_302 : vector<16xi32>
          %parallel_loop3A_304 = arith.addi %parallel_loop3A_83, %parallel_loop3A_303 : vector<16xi32>
          tpu.vector_store_idx %arg8[%parallel_loop3A_304], %parallel_loop3A_297 : memref<24576xf32, #tpu.memory_space<vmem>>[vector<16xi32>], vector<16xf32>,
          %parallel_loop3A_305 = arith.constant 16 : i32
          %parallel_loop3A_306 = arith.muli %parallel_loop3A_76, %parallel_loop3A_305 : i32
          %parallel_loop3A_307 = arith.constant 17 : i32
          %parallel_loop3A_308 = arith.index_cast %parallel_loop3A_307 : i32 to index
          %parallel_loop3A_309 = arith.index_cast %parallel_loop3A_306 : i32 to index
          %parallel_loop3A_310 = tpu.vector_load %arg6[%parallel_loop3A_308, %parallel_loop3A_309] {strides = array<i32>} : memref<32x768xf32, #tpu.memory_space<vmem>>, vector<16xf32>,
          %parallel_loop3A_311 = arith.constant 17 : i32
          %parallel_loop3A_312 = vector.broadcast %parallel_loop3A_311 : i32 to vector<16xi32>
          %parallel_loop3A_313 = arith.addi %parallel_loop3A_80, %parallel_loop3A_312 : vector<16xi32>
          %parallel_loop3A_314 = arith.constant 31 : i32
          %parallel_loop3A_315 = vector.broadcast %parallel_loop3A_314 : i32 to vector<16xi32>
          %parallel_loop3A_316 = arith.andi %parallel_loop3A_313, %parallel_loop3A_315 : vector<16xi32>
          %parallel_loop3A_317 = arith.addi %parallel_loop3A_83, %parallel_loop3A_316 : vector<16xi32>
          tpu.vector_store_idx %arg8[%parallel_loop3A_317], %parallel_loop3A_310 : memref<24576xf32, #tpu.memory_space<vmem>>[vector<16xi32>], vector<16xf32>,
          %parallel_loop3A_318 = arith.constant 16 : i32
          %parallel_loop3A_319 = arith.muli %parallel_loop3A_76, %parallel_loop3A_318 : i32
          %parallel_loop3A_320 = arith.constant 18 : i32
          %parallel_loop3A_321 = arith.index_cast %parallel_loop3A_320 : i32 to index
          %parallel_loop3A_322 = arith.index_cast %parallel_loop3A_319 : i32 to index
          %parallel_loop3A_323 = tpu.vector_load %arg6[%parallel_loop3A_321, %parallel_loop3A_322] {strides = array<i32>} : memref<32x768xf32, #tpu.memory_space<vmem>>, vector<16xf32>,
          %parallel_loop3A_324 = arith.constant 18 : i32
          %parallel_loop3A_325 = vector.broadcast %parallel_loop3A_324 : i32 to vector<16xi32>
          %parallel_loop3A_326 = arith.addi %parallel_loop3A_80, %parallel_loop3A_325 : vector<16xi32>
          %parallel_loop3A_327 = arith.constant 31 : i32
          %parallel_loop3A_328 = vector.broadcast %parallel_loop3A_327 : i32 to vector<16xi32>
          %parallel_loop3A_329 = arith.andi %parallel_loop3A_326, %parallel_loop3A_328 : vector<16xi32>
          %parallel_loop3A_330 = arith.addi %parallel_loop3A_83, %parallel_loop3A_329 : vector<16xi32>
          tpu.vector_store_idx %arg8[%parallel_loop3A_330], %parallel_loop3A_323 : memref<24576xf32, #tpu.memory_space<vmem>>[vector<16xi32>], vector<16xf32>,
          %parallel_loop3A_331 = arith.constant 16 : i32
          %parallel_loop3A_332 = arith.muli %parallel_loop3A_76, %parallel_loop3A_331 : i32
          %parallel_loop3A_333 = arith.constant 19 : i32
          %parallel_loop3A_334 = arith.index_cast %parallel_loop3A_333 : i32 to index
          %parallel_loop3A_335 = arith.index_cast %parallel_loop3A_332 : i32 to index
          %parallel_loop3A_336 = tpu.vector_load %arg6[%parallel_loop3A_334, %parallel_loop3A_335] {strides = array<i32>} : memref<32x768xf32, #tpu.memory_space<vmem>>, vector<16xf32>,
          %parallel_loop3A_337 = arith.constant 19 : i32
          %parallel_loop3A_338 = vector.broadcast %parallel_loop3A_337 : i32 to vector<16xi32>
          %parallel_loop3A_339 = arith.addi %parallel_loop3A_80, %parallel_loop3A_338 : vector<16xi32>
          %parallel_loop3A_340 = arith.constant 31 : i32
          %parallel_loop3A_341 = vector.broadcast %parallel_loop3A_340 : i32 to vector<16xi32>
          %parallel_loop3A_342 = arith.andi %parallel_loop3A_339, %parallel_loop3A_341 : vector<16xi32>
          %parallel_loop3A_343 = arith.addi %parallel_loop3A_83, %parallel_loop3A_342 : vector<16xi32>
          tpu.vector_store_idx %arg8[%parallel_loop3A_343], %parallel_loop3A_336 : memref<24576xf32, #tpu.memory_space<vmem>>[vector<16xi32>], vector<16xf32>,
          %parallel_loop3A_344 = arith.constant 16 : i32
          %parallel_loop3A_345 = arith.muli %parallel_loop3A_76, %parallel_loop3A_344 : i32
          %parallel_loop3A_346 = arith.constant 20 : i32
          %parallel_loop3A_347 = arith.index_cast %parallel_loop3A_346 : i32 to index
          %parallel_loop3A_348 = arith.index_cast %parallel_loop3A_345 : i32 to index
          %parallel_loop3A_349 = tpu.vector_load %arg6[%parallel_loop3A_347, %parallel_loop3A_348] {strides = array<i32>} : memref<32x768xf32, #tpu.memory_space<vmem>>, vector<16xf32>,
          %parallel_loop3A_350 = arith.constant 20 : i32
          %parallel_loop3A_351 = vector.broadcast %parallel_loop3A_350 : i32 to vector<16xi32>
          %parallel_loop3A_352 = arith.addi %parallel_loop3A_80, %parallel_loop3A_351 : vector<16xi32>
          %parallel_loop3A_353 = arith.constant 31 : i32
          %parallel_loop3A_354 = vector.broadcast %parallel_loop3A_353 : i32 to vector<16xi32>
          %parallel_loop3A_355 = arith.andi %parallel_loop3A_352, %parallel_loop3A_354 : vector<16xi32>
          %parallel_loop3A_356 = arith.addi %parallel_loop3A_83, %parallel_loop3A_355 : vector<16xi32>
          tpu.vector_store_idx %arg8[%parallel_loop3A_356], %parallel_loop3A_349 : memref<24576xf32, #tpu.memory_space<vmem>>[vector<16xi32>], vector<16xf32>,
          %parallel_loop3A_357 = arith.constant 16 : i32
          %parallel_loop3A_358 = arith.muli %parallel_loop3A_76, %parallel_loop3A_357 : i32
          %parallel_loop3A_359 = arith.constant 21 : i32
          %parallel_loop3A_360 = arith.index_cast %parallel_loop3A_359 : i32 to index
          %parallel_loop3A_361 = arith.index_cast %parallel_loop3A_358 : i32 to index
          %parallel_loop3A_362 = tpu.vector_load %arg6[%parallel_loop3A_360, %parallel_loop3A_361] {strides = array<i32>} : memref<32x768xf32, #tpu.memory_space<vmem>>, vector<16xf32>,
          %parallel_loop3A_363 = arith.constant 21 : i32
          %parallel_loop3A_364 = vector.broadcast %parallel_loop3A_363 : i32 to vector<16xi32>
          %parallel_loop3A_365 = arith.addi %parallel_loop3A_80, %parallel_loop3A_364 : vector<16xi32>
          %parallel_loop3A_366 = arith.constant 31 : i32
          %parallel_loop3A_367 = vector.broadcast %parallel_loop3A_366 : i32 to vector<16xi32>
          %parallel_loop3A_368 = arith.andi %parallel_loop3A_365, %parallel_loop3A_367 : vector<16xi32>
          %parallel_loop3A_369 = arith.addi %parallel_loop3A_83, %parallel_loop3A_368 : vector<16xi32>
          tpu.vector_store_idx %arg8[%parallel_loop3A_369], %parallel_loop3A_362 : memref<24576xf32, #tpu.memory_space<vmem>>[vector<16xi32>], vector<16xf32>,
          %parallel_loop3A_370 = arith.constant 16 : i32
          %parallel_loop3A_371 = arith.muli %parallel_loop3A_76, %parallel_loop3A_370 : i32
          %parallel_loop3A_372 = arith.constant 22 : i32
          %parallel_loop3A_373 = arith.index_cast %parallel_loop3A_372 : i32 to index
          %parallel_loop3A_374 = arith.index_cast %parallel_loop3A_371 : i32 to index
          %parallel_loop3A_375 = tpu.vector_load %arg6[%parallel_loop3A_373, %parallel_loop3A_374] {strides = array<i32>} : memref<32x768xf32, #tpu.memory_space<vmem>>, vector<16xf32>,
          %parallel_loop3A_376 = arith.constant 22 : i32
          %parallel_loop3A_377 = vector.broadcast %parallel_loop3A_376 : i32 to vector<16xi32>
          %parallel_loop3A_378 = arith.addi %parallel_loop3A_80, %parallel_loop3A_377 : vector<16xi32>
          %parallel_loop3A_379 = arith.constant 31 : i32
          %parallel_loop3A_380 = vector.broadcast %parallel_loop3A_379 : i32 to vector<16xi32>
          %parallel_loop3A_381 = arith.andi %parallel_loop3A_378, %parallel_loop3A_380 : vector<16xi32>
          %parallel_loop3A_382 = arith.addi %parallel_loop3A_83, %parallel_loop3A_381 : vector<16xi32>
          tpu.vector_store_idx %arg8[%parallel_loop3A_382], %parallel_loop3A_375 : memref<24576xf32, #tpu.memory_space<vmem>>[vector<16xi32>], vector<16xf32>,
          %parallel_loop3A_383 = arith.constant 16 : i32
          %parallel_loop3A_384 = arith.muli %parallel_loop3A_76, %parallel_loop3A_383 : i32
          %parallel_loop3A_385 = arith.constant 23 : i32
          %parallel_loop3A_386 = arith.index_cast %parallel_loop3A_385 : i32 to index
          %parallel_loop3A_387 = arith.index_cast %parallel_loop3A_384 : i32 to index
          %parallel_loop3A_388 = tpu.vector_load %arg6[%parallel_loop3A_386, %parallel_loop3A_387] {strides = array<i32>} : memref<32x768xf32, #tpu.memory_space<vmem>>, vector<16xf32>,
          %parallel_loop3A_389 = arith.constant 23 : i32
          %parallel_loop3A_390 = vector.broadcast %parallel_loop3A_389 : i32 to vector<16xi32>
          %parallel_loop3A_391 = arith.addi %parallel_loop3A_80, %parallel_loop3A_390 : vector<16xi32>
          %parallel_loop3A_392 = arith.constant 31 : i32
          %parallel_loop3A_393 = vector.broadcast %parallel_loop3A_392 : i32 to vector<16xi32>
          %parallel_loop3A_394 = arith.andi %parallel_loop3A_391, %parallel_loop3A_393 : vector<16xi32>
          %parallel_loop3A_395 = arith.addi %parallel_loop3A_83, %parallel_loop3A_394 : vector<16xi32>
          tpu.vector_store_idx %arg8[%parallel_loop3A_395], %parallel_loop3A_388 : memref<24576xf32, #tpu.memory_space<vmem>>[vector<16xi32>], vector<16xf32>,
          %parallel_loop3A_396 = arith.constant 16 : i32
          %parallel_loop3A_397 = arith.muli %parallel_loop3A_76, %parallel_loop3A_396 : i32
          %parallel_loop3A_398 = arith.constant 24 : i32
          %parallel_loop3A_399 = arith.index_cast %parallel_loop3A_398 : i32 to index
          %parallel_loop3A_400 = arith.index_cast %parallel_loop3A_397 : i32 to index
          %parallel_loop3A_401 = tpu.vector_load %arg6[%parallel_loop3A_399, %parallel_loop3A_400] {strides = array<i32>} : memref<32x768xf32, #tpu.memory_space<vmem>>, vector<16xf32>,
          %parallel_loop3A_402 = arith.constant 24 : i32
          %parallel_loop3A_403 = vector.broadcast %parallel_loop3A_402 : i32 to vector<16xi32>
          %parallel_loop3A_404 = arith.addi %parallel_loop3A_80, %parallel_loop3A_403 : vector<16xi32>
          %parallel_loop3A_405 = arith.constant 31 : i32
          %parallel_loop3A_406 = vector.broadcast %parallel_loop3A_405 : i32 to vector<16xi32>
          %parallel_loop3A_407 = arith.andi %parallel_loop3A_404, %parallel_loop3A_406 : vector<16xi32>
          %parallel_loop3A_408 = arith.addi %parallel_loop3A_83, %parallel_loop3A_407 : vector<16xi32>
          tpu.vector_store_idx %arg8[%parallel_loop3A_408], %parallel_loop3A_401 : memref<24576xf32, #tpu.memory_space<vmem>>[vector<16xi32>], vector<16xf32>,
          %parallel_loop3A_409 = arith.constant 16 : i32
          %parallel_loop3A_410 = arith.muli %parallel_loop3A_76, %parallel_loop3A_409 : i32
          %parallel_loop3A_411 = arith.constant 25 : i32
          %parallel_loop3A_412 = arith.index_cast %parallel_loop3A_411 : i32 to index
          %parallel_loop3A_413 = arith.index_cast %parallel_loop3A_410 : i32 to index
          %parallel_loop3A_414 = tpu.vector_load %arg6[%parallel_loop3A_412, %parallel_loop3A_413] {strides = array<i32>} : memref<32x768xf32, #tpu.memory_space<vmem>>, vector<16xf32>,
          %parallel_loop3A_415 = arith.constant 25 : i32
          %parallel_loop3A_416 = vector.broadcast %parallel_loop3A_415 : i32 to vector<16xi32>
          %parallel_loop3A_417 = arith.addi %parallel_loop3A_80, %parallel_loop3A_416 : vector<16xi32>
          %parallel_loop3A_418 = arith.constant 31 : i32
          %parallel_loop3A_419 = vector.broadcast %parallel_loop3A_418 : i32 to vector<16xi32>
          %parallel_loop3A_420 = arith.andi %parallel_loop3A_417, %parallel_loop3A_419 : vector<16xi32>
          %parallel_loop3A_421 = arith.addi %parallel_loop3A_83, %parallel_loop3A_420 : vector<16xi32>
          tpu.vector_store_idx %arg8[%parallel_loop3A_421], %parallel_loop3A_414 : memref<24576xf32, #tpu.memory_space<vmem>>[vector<16xi32>], vector<16xf32>,
          %parallel_loop3A_422 = arith.constant 16 : i32
          %parallel_loop3A_423 = arith.muli %parallel_loop3A_76, %parallel_loop3A_422 : i32
          %parallel_loop3A_424 = arith.constant 26 : i32
          %parallel_loop3A_425 = arith.index_cast %parallel_loop3A_424 : i32 to index
          %parallel_loop3A_426 = arith.index_cast %parallel_loop3A_423 : i32 to index
          %parallel_loop3A_427 = tpu.vector_load %arg6[%parallel_loop3A_425, %parallel_loop3A_426] {strides = array<i32>} : memref<32x768xf32, #tpu.memory_space<vmem>>, vector<16xf32>,
          %parallel_loop3A_428 = arith.constant 26 : i32
          %parallel_loop3A_429 = vector.broadcast %parallel_loop3A_428 : i32 to vector<16xi32>
          %parallel_loop3A_430 = arith.addi %parallel_loop3A_80, %parallel_loop3A_429 : vector<16xi32>
          %parallel_loop3A_431 = arith.constant 31 : i32
          %parallel_loop3A_432 = vector.broadcast %parallel_loop3A_431 : i32 to vector<16xi32>
          %parallel_loop3A_433 = arith.andi %parallel_loop3A_430, %parallel_loop3A_432 : vector<16xi32>
          %parallel_loop3A_434 = arith.addi %parallel_loop3A_83, %parallel_loop3A_433 : vector<16xi32>
          tpu.vector_store_idx %arg8[%parallel_loop3A_434], %parallel_loop3A_427 : memref<24576xf32, #tpu.memory_space<vmem>>[vector<16xi32>], vector<16xf32>,
          %parallel_loop3A_435 = arith.constant 16 : i32
          %parallel_loop3A_436 = arith.muli %parallel_loop3A_76, %parallel_loop3A_435 : i32
          %parallel_loop3A_437 = arith.constant 27 : i32
          %parallel_loop3A_438 = arith.index_cast %parallel_loop3A_437 : i32 to index
          %parallel_loop3A_439 = arith.index_cast %parallel_loop3A_436 : i32 to index
          %parallel_loop3A_440 = tpu.vector_load %arg6[%parallel_loop3A_438, %parallel_loop3A_439] {strides = array<i32>} : memref<32x768xf32, #tpu.memory_space<vmem>>, vector<16xf32>,
          %parallel_loop3A_441 = arith.constant 27 : i32
          %parallel_loop3A_442 = vector.broadcast %parallel_loop3A_441 : i32 to vector<16xi32>
          %parallel_loop3A_443 = arith.addi %parallel_loop3A_80, %parallel_loop3A_442 : vector<16xi32>
          %parallel_loop3A_444 = arith.constant 31 : i32
          %parallel_loop3A_445 = vector.broadcast %parallel_loop3A_444 : i32 to vector<16xi32>
          %parallel_loop3A_446 = arith.andi %parallel_loop3A_443, %parallel_loop3A_445 : vector<16xi32>
          %parallel_loop3A_447 = arith.addi %parallel_loop3A_83, %parallel_loop3A_446 : vector<16xi32>
          tpu.vector_store_idx %arg8[%parallel_loop3A_447], %parallel_loop3A_440 : memref<24576xf32, #tpu.memory_space<vmem>>[vector<16xi32>], vector<16xf32>,
          %parallel_loop3A_448 = arith.constant 16 : i32
          %parallel_loop3A_449 = arith.muli %parallel_loop3A_76, %parallel_loop3A_448 : i32
          %parallel_loop3A_450 = arith.constant 28 : i32
          %parallel_loop3A_451 = arith.index_cast %parallel_loop3A_450 : i32 to index
          %parallel_loop3A_452 = arith.index_cast %parallel_loop3A_449 : i32 to index
          %parallel_loop3A_453 = tpu.vector_load %arg6[%parallel_loop3A_451, %parallel_loop3A_452] {strides = array<i32>} : memref<32x768xf32, #tpu.memory_space<vmem>>, vector<16xf32>,
          %parallel_loop3A_454 = arith.constant 28 : i32
          %parallel_loop3A_455 = vector.broadcast %parallel_loop3A_454 : i32 to vector<16xi32>
          %parallel_loop3A_456 = arith.addi %parallel_loop3A_80, %parallel_loop3A_455 : vector<16xi32>
          %parallel_loop3A_457 = arith.constant 31 : i32
          %parallel_loop3A_458 = vector.broadcast %parallel_loop3A_457 : i32 to vector<16xi32>
          %parallel_loop3A_459 = arith.andi %parallel_loop3A_456, %parallel_loop3A_458 : vector<16xi32>
          %parallel_loop3A_460 = arith.addi %parallel_loop3A_83, %parallel_loop3A_459 : vector<16xi32>
          tpu.vector_store_idx %arg8[%parallel_loop3A_460], %parallel_loop3A_453 : memref<24576xf32, #tpu.memory_space<vmem>>[vector<16xi32>], vector<16xf32>,
          %parallel_loop3A_461 = arith.constant 16 : i32
          %parallel_loop3A_462 = arith.muli %parallel_loop3A_76, %parallel_loop3A_461 : i32
          %parallel_loop3A_463 = arith.constant 29 : i32
          %parallel_loop3A_464 = arith.index_cast %parallel_loop3A_463 : i32 to index
          %parallel_loop3A_465 = arith.index_cast %parallel_loop3A_462 : i32 to index
          %parallel_loop3A_466 = tpu.vector_load %arg6[%parallel_loop3A_464, %parallel_loop3A_465] {strides = array<i32>} : memref<32x768xf32, #tpu.memory_space<vmem>>, vector<16xf32>,
          %parallel_loop3A_467 = arith.constant 29 : i32
          %parallel_loop3A_468 = vector.broadcast %parallel_loop3A_467 : i32 to vector<16xi32>
          %parallel_loop3A_469 = arith.addi %parallel_loop3A_80, %parallel_loop3A_468 : vector<16xi32>
          %parallel_loop3A_470 = arith.constant 31 : i32
          %parallel_loop3A_471 = vector.broadcast %parallel_loop3A_470 : i32 to vector<16xi32>
          %parallel_loop3A_472 = arith.andi %parallel_loop3A_469, %parallel_loop3A_471 : vector<16xi32>
          %parallel_loop3A_473 = arith.addi %parallel_loop3A_83, %parallel_loop3A_472 : vector<16xi32>
          tpu.vector_store_idx %arg8[%parallel_loop3A_473], %parallel_loop3A_466 : memref<24576xf32, #tpu.memory_space<vmem>>[vector<16xi32>], vector<16xf32>,
          %parallel_loop3A_474 = arith.constant 16 : i32
          %parallel_loop3A_475 = arith.muli %parallel_loop3A_76, %parallel_loop3A_474 : i32
          %parallel_loop3A_476 = arith.constant 30 : i32
          %parallel_loop3A_477 = arith.index_cast %parallel_loop3A_476 : i32 to index
          %parallel_loop3A_478 = arith.index_cast %parallel_loop3A_475 : i32 to index
          %parallel_loop3A_479 = tpu.vector_load %arg6[%parallel_loop3A_477, %parallel_loop3A_478] {strides = array<i32>} : memref<32x768xf32, #tpu.memory_space<vmem>>, vector<16xf32>,
          %parallel_loop3A_480 = arith.constant 30 : i32
          %parallel_loop3A_481 = vector.broadcast %parallel_loop3A_480 : i32 to vector<16xi32>
          %parallel_loop3A_482 = arith.addi %parallel_loop3A_80, %parallel_loop3A_481 : vector<16xi32>
          %parallel_loop3A_483 = arith.constant 31 : i32
          %parallel_loop3A_484 = vector.broadcast %parallel_loop3A_483 : i32 to vector<16xi32>
          %parallel_loop3A_485 = arith.andi %parallel_loop3A_482, %parallel_loop3A_484 : vector<16xi32>
          %parallel_loop3A_486 = arith.addi %parallel_loop3A_83, %parallel_loop3A_485 : vector<16xi32>
          tpu.vector_store_idx %arg8[%parallel_loop3A_486], %parallel_loop3A_479 : memref<24576xf32, #tpu.memory_space<vmem>>[vector<16xi32>], vector<16xf32>,
          %parallel_loop3A_487 = arith.constant 16 : i32
          %parallel_loop3A_488 = arith.muli %parallel_loop3A_76, %parallel_loop3A_487 : i32
          %parallel_loop3A_489 = arith.constant 31 : i32
          %parallel_loop3A_490 = arith.index_cast %parallel_loop3A_489 : i32 to index
          %parallel_loop3A_491 = arith.index_cast %parallel_loop3A_488 : i32 to index
          %parallel_loop3A_492 = tpu.vector_load %arg6[%parallel_loop3A_490, %parallel_loop3A_491] {strides = array<i32>} : memref<32x768xf32, #tpu.memory_space<vmem>>, vector<16xf32>,
          %parallel_loop3A_493 = arith.constant 31 : i32
          %parallel_loop3A_494 = vector.broadcast %parallel_loop3A_493 : i32 to vector<16xi32>
          %parallel_loop3A_495 = arith.addi %parallel_loop3A_80, %parallel_loop3A_494 : vector<16xi32>
          %parallel_loop3A_496 = arith.constant 31 : i32
          %parallel_loop3A_497 = vector.broadcast %parallel_loop3A_496 : i32 to vector<16xi32>
          %parallel_loop3A_498 = arith.andi %parallel_loop3A_495, %parallel_loop3A_497 : vector<16xi32>
          %parallel_loop3A_499 = arith.addi %parallel_loop3A_83, %parallel_loop3A_498 : vector<16xi32>
          tpu.vector_store_idx %arg8[%parallel_loop3A_499], %parallel_loop3A_492 : memref<24576xf32, #tpu.memory_space<vmem>>[vector<16xi32>], vector<16xf32>,
        } {sc.loop_unroll_factor = 2 : i64, sc.parallel_access}
        %mul3A_71 = arith.constant 768 : i32
        %mul3A_72 = arith.muli %add3A_34, %mul3A_71 : i32
        %mul3A_73 = arith.constant 32 : i32
        %mul3A_74 = arith.muli %mul3A_72, %mul3A_73 : i32
        %multiple_of3A = tpu.assume_multiple %mul3A_74, 24576 : i32
        %dma_start3A = tpu.memref_slice %arg4[%multiple_of3A] : memref<32000000xf32, #tpu.memory_space<hbm>> -> memref<24576xf32, #tpu.memory_space<hbm>>
        %dma_start3A_75 = tpu.memref_slice %arg4[%multiple_of3A] : memref<32000000xf32, #tpu.memory_space<hbm>> -> memref<24576xf32, #tpu.memory_space<hbm>>
        tpu.enqueue_dma source(%arg8 : memref<24576xf32, #tpu.memory_space<vmem>>) target(%dma_start3A_75 : memref<24576xf32, #tpu.memory_space<hbm>>) target_semaphore(%arg12 : memref<!tpu.dma_semaphore, #tpu.memory_space<semaphore_mem>>)
      } else {
      }
    }
    %scan3A_6 = arith.constant 21 : i32
    %dma_wait3A = arith.constant 0 : i32
    %dma_wait3A_7 = tpu.memref_slice %arg4[%dma_wait3A] : memref<32000000xf32, #tpu.memory_space<hbm>> -> memref<24576xf32, #tpu.memory_space<hbm>>
    %dma_wait3A_8 = arith.constant 0 : i32
    %dma_wait3A_9 = tpu.memref_slice %arg4[%dma_wait3A_8] : memref<32000000xf32, #tpu.memory_space<hbm>> -> memref<24576xf32, #tpu.memory_space<hbm>>
    tpu.wait_dma2 semaphore(%arg11 : memref<!tpu.dma_semaphore, #tpu.memory_space<semaphore_mem>>) src(%arg7 : memref<24576xf32, #tpu.memory_space<vmem>>) dst(%dma_wait3A_9 : memref<24576xf32, #tpu.memory_space<hbm>>)
    %dma_wait3A_10 = arith.constant 0 : i32
    %dma_wait3A_11 = tpu.memref_slice %arg4[%dma_wait3A_10] : memref<32000000xf32, #tpu.memory_space<hbm>> -> memref<24576xf32, #tpu.memory_space<hbm>>
    %dma_wait3A_12 = arith.constant 0 : i32
    %dma_wait3A_13 = tpu.memref_slice %arg4[%dma_wait3A_12] : memref<32000000xf32, #tpu.memory_space<hbm>> -> memref<24576xf32, #tpu.memory_space<hbm>>
    tpu.wait_dma2 semaphore(%arg12 : memref<!tpu.dma_semaphore, #tpu.memory_space<semaphore_mem>>) src(%arg8 : memref<24576xf32, #tpu.memory_space<vmem>>) dst(%dma_wait3A_13 : memref<24576xf32, #tpu.memory_space<hbm>>)
    %eq3A = arith.constant 0 : i32
    %eq3A_14 = arith.cmpi eq, %add3A, %eq3A : i32
    %convert_element_type3A_15 = arith.extui %eq3A_14 : i1 to i32
    %cond3A_16 = arith.constant 0 : i32
    %cond3A_17 = arith.cmpi ne, %convert_element_type3A_15, %cond3A_16 : i32
    scf.if %cond3A_17 {
      "tpu.region"() ({
        %run_scoped3A = tpu.sem_alloc : memref<!tpu.dma_semaphore, #tpu.memory_space<semaphore_mem>>
        %dma_start3A = arith.constant 0 : i32
        %dma_start3A_18 = tpu.memref_slice %arg7[%dma_start3A] : memref<24576xf32, #tpu.memory_space<vmem>> -> memref<2048xf32, #tpu.memory_space<vmem>>
        %dma_start3A_19 = arith.constant 0 : i32
        %dma_start3A_20 = tpu.memref_slice %arg7[%dma_start3A_19] : memref<24576xf32, #tpu.memory_space<vmem>> -> memref<2048xf32, #tpu.memory_space<vmem>>
        tpu.enqueue_dma source(%arg3 : memref<2048xf32, #tpu.memory_space<hbm>>) target(%dma_start3A_20 : memref<2048xf32, #tpu.memory_space<vmem>>) target_semaphore(%run_scoped3A : memref<!tpu.dma_semaphore, #tpu.memory_space<semaphore_mem>>)
        %dma_wait3A_21 = arith.constant 0 : i32
        %dma_wait3A_22 = tpu.memref_slice %arg7[%dma_wait3A_21] : memref<24576xf32, #tpu.memory_space<vmem>> -> memref<2048xf32, #tpu.memory_space<vmem>>
        %dma_wait3A_23 = arith.constant 0 : i32
        %dma_wait3A_24 = tpu.memref_slice %arg7[%dma_wait3A_23] : memref<24576xf32, #tpu.memory_space<vmem>> -> memref<2048xf32, #tpu.memory_space<vmem>>
        tpu.wait_dma2 semaphore(%run_scoped3A : memref<!tpu.dma_semaphore, #tpu.memory_space<semaphore_mem>>) src(%arg3 : memref<2048xf32, #tpu.memory_space<hbm>>) dst(%dma_wait3A_24 : memref<2048xf32, #tpu.memory_space<vmem>>)
        tpu.yield
      }) : () -> ()
      "tpu.region"() ({
        %run_scoped3A = tpu.sem_alloc : memref<!tpu.dma_semaphore, #tpu.memory_space<semaphore_mem>>
        %dma_start3A = arith.constant 0 : i32
        %dma_start3A_18 = tpu.memref_slice %arg7[%dma_start3A] : memref<24576xf32, #tpu.memory_space<vmem>> -> memref<2048xf32, #tpu.memory_space<vmem>>
        %dma_start3A_19 = arith.constant 31997952 : i32
        %dma_start3A_20 = tpu.memref_slice %arg4[%dma_start3A_19] : memref<32000000xf32, #tpu.memory_space<hbm>> -> memref<2048xf32, #tpu.memory_space<hbm>>
        %dma_start3A_21 = arith.constant 31997952 : i32
        %dma_start3A_22 = tpu.memref_slice %arg4[%dma_start3A_21] : memref<32000000xf32, #tpu.memory_space<hbm>> -> memref<2048xf32, #tpu.memory_space<hbm>>
        %dma_start3A_23 = arith.constant 0 : i32
        %dma_start3A_24 = tpu.memref_slice %arg7[%dma_start3A_23] : memref<24576xf32, #tpu.memory_space<vmem>> -> memref<2048xf32, #tpu.memory_space<vmem>>
        tpu.enqueue_dma source(%dma_start3A_24 : memref<2048xf32, #tpu.memory_space<vmem>>) target(%dma_start3A_22 : memref<2048xf32, #tpu.memory_space<hbm>>) target_semaphore(%run_scoped3A : memref<!tpu.dma_semaphore, #tpu.memory_space<semaphore_mem>>)
        %dma_wait3A_25 = arith.constant 0 : i32
        %dma_wait3A_26 = tpu.memref_slice %arg7[%dma_wait3A_25] : memref<24576xf32, #tpu.memory_space<vmem>> -> memref<2048xf32, #tpu.memory_space<vmem>>
        %dma_wait3A_27 = arith.constant 31997952 : i32
        %dma_wait3A_28 = tpu.memref_slice %arg4[%dma_wait3A_27] : memref<32000000xf32, #tpu.memory_space<hbm>> -> memref<2048xf32, #tpu.memory_space<hbm>>
        %dma_wait3A_29 = arith.constant 31997952 : i32
        %dma_wait3A_30 = tpu.memref_slice %arg4[%dma_wait3A_29] : memref<32000000xf32, #tpu.memory_space<hbm>> -> memref<2048xf32, #tpu.memory_space<hbm>>
        %dma_wait3A_31 = arith.constant 0 : i32
        %dma_wait3A_32 = tpu.memref_slice %arg7[%dma_wait3A_31] : memref<24576xf32, #tpu.memory_space<vmem>> -> memref<2048xf32, #tpu.memory_space<vmem>>
        tpu.wait_dma2 semaphore(%run_scoped3A : memref<!tpu.dma_semaphore, #tpu.memory_space<semaphore_mem>>) src(%dma_wait3A_32 : memref<2048xf32, #tpu.memory_space<vmem>>) dst(%dma_wait3A_30 : memref<2048xf32, #tpu.memory_space<hbm>>)
        tpu.yield
      }) : () -> ()
    } else {
    }
    return
  }
}

</mosaic_0001>

<sc_bundles>
// kernel: _sc_detile.3.cloned.1.call-start
scs
__scs_entry_jumppad:
0x0: {  	(pc) =	sbr.rel $0x88, $3  }
0x1: {  	(tag) =	ssettag $0x0;
	lr =	simm.s32 $0x1  }
0x2: {  	[smem:$0x3F9F] =	sst lr;
	_ =	strace $0xD0000000  }
0x3: {  	_ = 	snop  }
0x4: {  	_ = 	snop  }
0x5: {  	_ = 	snop  }
0x6: {  	_ = 	snop  }
0x7: {  	_ = 	snop  }
__scs_overlays_trampoline_lowered:
0x8: {  	[smem:$0x3FAE] =	sst s0  }
0x9: {  	[smem:$0x3FAF] =	sst s1  }
0xa: {  	[smem:$0x3FB0] =	sst s2  }
0xb: {  	[smem:$0x3FB1] =	sst s3  }
0xc: {  	[smem:$0x3FB2] =	sst s4  }
0xd: {  	[smem:$0x3FB3] =	sst s5  }
0xe: {  	[smem:$0x3FB4] =	sst s6  }
0xf: {  	[smem:$0x3FB5] =	sst s7  }
0x10: {  	[smem:$0x3FB6] =	sst s8  }
0x11: {  	[smem:$0x3FB7] =	sst s9;
	s0 =	simm.s32 @!p0 $0x0  }
0x12: {  	s1 =	sld [smem:$0x3F9D];
	s0 =	simm.s32 @p0 $0x1  }
0x13: {  	[smem:$0x3FB8] =	sst s0;
	s0 =	simm.s32 @!p1 $0x0  }
0x14: {  	s2 =	sld [smem:$0x3F9C];
	s0 =	simm.s32 @p1 $0x1  }
0x15: {  	[smem:$0x3FB9] =	sst s0;
	s0 =	simm.s32 @!p2 $0x0  }
0x16: {  	s3 =	sld [smem:$0x3FDB];
	s0 =	simm.s32 @p2 $0x1  }
0x17: {  	s4 =	simm.s32 $0x1BF5;
	[smem:$0x3FBB] =	sst s0  }
0x18: {  	s0 =	sld [smem:$0x3F9E];
	_ =	swait.ge [sflag:s4], $0x0  }
0x19: {  	s7 =	sld [smem:$0x3F9F]  }
0x1a: {  	s8 =	sadd.s32 $0xFFFFE003, lr  }
0x1b: {  	s9 =	sadd.s32 $0xFFFFFEF7, lr;
	s5 =	simm.s32 $0xFFFFFFFF;
	p2 =	slt.u32 s8, $0xFFFFF086  }
0x1c: {  	p1 =	slt.u32 s9, $0xF7A;
	s5 =	simm.s32 @!p2 $0x0  }
0x1d: {  	s5 =	simm.s32 @p1 $0x1;
	p0 =	seq.s32 s7, s2  }
0x1e: {  	s7 =	smul.u32 @!p0 $0xF7A, s2;
	p2 =	seq.s32 @!p0 s5, $0x0  }
0x1f: {  	s9 =	smul.u32 $0xF7A, s1;
	s8 =	simm.s32 @!p0 $0x1BF5;
	p2 =	por !p2, p0  }
0x20: {  	[sflag:s8] =	ssyncset.s32 @!p0 $0xFFFFF086;
	s6 =	sadd.s32 @!p0 s3, s7;
	s7 =	simm.s32 @!p0 $0x108  }
0x21: {  	s3 =	sadd.s32 s3, s9;
	s6 =	sadd.s32 @!p0 $0x88, s6;
	s7 =	simm.s32 @p2 $0x1082  }
0x22: {  	[simem:s7], [sflag:s8] =	dma.local @!p0 [hbm:s6], $0xF7A  }
0x23: {  	s9 =	sor.u32 $0xD0000000, s2;
	s6 =	simm.s32 $0x108;
	_ =	swait.ge @!p0 [sflag:s8], $0x0  }
0x24: {  	s3 =	sadd.s32 $0x88, s3;
	s6 =	simm.s32 @!p1 $0x1082;
	[sflag:s4] =	ssyncset.s32 $0xFFFFF086  }
0x25: {  	[simem:s6], [sflag:s4] =	dma.local [hbm:s3], $0xF7A  }
0x26: {  	[smem:$0x3F9F] =	sst s1;
	(tag) =	ssettag s2;
	_ =	strace s9  }
0x27: {  	s1 =	sld [smem:$0x3FAF]  }
0x28: {  	s2 =	sld [smem:$0x3FB0]  }
0x29: {  	s4 =	sld [smem:$0x3FB2]  }
0x2a: {  	p0 =	seq.s32 s5, $0x0;
	s5 =	sld [smem:$0x3FB3]  }
0x2b: {  	s6 =	sld [smem:$0x3FB4]  }
0x2c: {  	s7 =	sld [smem:$0x3FB5]  }
0x2d: {  	s3 =	simm.s32 $0x108;
	s8 =	sld [smem:$0x3FB6]  }
0x2e: {  	s3 =	simm.s32 @!p0 $0x1082;
	s9 =	sld [smem:$0x3FB7]  }
0x2f: {  	lr =	sadd.s32 s0, s3;
	s0 =	sld [smem:$0x3FAE]  }
0x30: {  	s3 =	sld [smem:$0x3FB1]  }
0x31: {  	[smem:$0x3FBA] =	sst s10  }
0x32: {  	s10 =	sld [smem:$0x3FB8];
	_ =	sdelay $0x3  }
0x33: {  	p0 =	seq.s32 s10, $0x1;
	s10 =	sld [smem:$0x3FBA];
	_ =	sdelay $0x3  }
0x34: {  	[smem:$0x3FBA] =	sst s10  }
0x35: {  	s10 =	sld [smem:$0x3FB9];
	_ =	sdelay $0x3  }
0x36: {  	p1 =	seq.s32 s10, $0x1;
	s10 =	sld [smem:$0x3FBA];
	_ =	sdelay $0x3  }
0x37: {  	[smem:$0x3FBA] =	sst s10  }
0x38: {  	s10 =	sld [smem:$0x3FBB]  }
0x39: {  	_ = 	snop;
	(pc) =	sbr.ind lr, $3  }
0x3a: {  	_ = 	snop  }
0x3b: {  	_ = 	snop  }
0x3c: {  	p2 =	seq.s32 s10, $0x1;
	s10 =	sld [smem:$0x3FBA]  }
0x3d: {  	_ =	shalt  }
0x3e: {  	_ =	shalt  }
0x3f: {  	_ =	shalt  }
0x40: {  	_ =	shalt  }
0x41: {  	_ =	shalt  }
0x42: {  	_ =	shalt  }
0x43: {  	_ =	shalt  }
0x44: {  	_ =	shalt  }
0x45: {  	_ =	shalt  }
0x46: {  	_ =	shalt  }
0x47: {  	_ =	shalt  }
0x48: {  	_ =	shalt  }
0x49: {  	_ =	shalt  }
0x4a: {  	_ =	shalt  }
0x4b: {  	_ =	shalt  }
0x4c: {  	_ =	shalt  }
0x4d: {  	_ =	shalt  }
0x4e: {  	_ =	shalt  }
0x4f: {  	_ =	shalt  }
0x50: {  	_ =	shalt  }
0x51: {  	_ =	shalt  }
0x52: {  	_ =	shalt  }
0x53: {  	_ =	shalt  }
0x54: {  	_ =	shalt  }
0x55: {  	_ =	shalt  }
0x56: {  	_ =	shalt  }
0x57: {  	_ =	shalt  }
0x58: {  	_ =	shalt  }
0x59: {  	_ =	shalt  }
0x5a: {  	_ =	shalt  }
0x5b: {  	_ =	shalt  }
0x5c: {  	_ =	shalt  }
0x5d: {  	_ =	shalt  }
0x5e: {  	_ =	shalt  }
0x5f: {  	_ =	shalt  }
0x60: {  	_ =	shalt  }
0x61: {  	_ =	shalt  }
0x62: {  	_ =	shalt  }
0x63: {  	_ =	shalt  }
0x64: {  	_ =	shalt  }
0x65: {  	_ =	shalt  }
0x66: {  	_ =	shalt  }
0x67: {  	_ =	shalt  }
0x68: {  	_ =	shalt  }
0x69: {  	_ =	shalt  }
0x6a: {  	_ =	shalt  }
0x6b: {  	_ =	shalt  }
0x6c: {  	_ =	shalt  }
0x6d: {  	_ =	shalt  }
0x6e: {  	_ =	shalt  }
0x6f: {  	_ =	shalt  }
0x70: {  	_ =	shalt  }
0x71: {  	_ =	shalt  }
0x72: {  	_ =	shalt  }
0x73: {  	_ =	shalt  }
0x74: {  	_ =	shalt  }
0x75: {  	_ =	shalt  }
0x76: {  	_ =	shalt  }
0x77: {  	_ =	shalt  }
0x78: {  	_ =	shalt  }
0x79: {  	_ =	shalt  }
0x7a: {  	_ =	shalt  }
0x7b: {  	_ =	shalt  }
0x7c: {  	_ =	shalt  }
0x7d: {  	_ =	shalt  }
0x7e: {  	_ =	shalt  }
0x7f: {  	_ =	shalt  }
0x80: {  	_ =	shalt  }
0x81: {  	_ =	shalt  }
0x82: {  	_ =	shalt  }
0x83: {  	_ =	shalt  }
0x84: {  	_ =	shalt  }
0x85: {  	_ =	shalt  }
0x86: {  	_ =	shalt  }
0x87: {  	_ =	shalt  }
.Lfunc_end0:
.L_simem_size_0:
called_computation_lowered:
.L_overlay_start_0:
0x88: {  	s2 =	sld [smem:$0x3FD9]  }
0x89: {  	s3 =	sld [smem:$0x3FFE];
	_ =	sdelay $0x1  }
0x8a: {  	s1 =	srdreg.scid  }
0x8b: {  	s0 =	sand.u32 $0x1, s1  }
0x8c: {  	s17 =	sshll.u32 s0, $0xA;
	s2 =	sadd.s32 s3, s2  }
0x8d: {  	s2 =	sadd.s32 s2, s17  }
0x8e: {  	[smem:$0x3FC6] =	sst s2  }
0x8f: {  	_ = 	snop  }
0x90: {  	s2 =	sld [smem:$0x3FC9]  }
0x91: {  	s18 =	sld [smem:$0x3FD0];
	(tm) =	ssettm $0x1  }
0x92: {  	s4 =	sld [smem:$0x3FFB];
	_ =	sdelay $0x3  }
0x93: {  	_ =	strace s4  }
0x94: {  	s4 =	sld [smem:$0x3FFC];
	_ =	sdelay $0x3  }
0x95: {  	_ =	strace s4  }
0x96: {  	s4 =	sld [smem:$0x3FFD];
	_ =	sdelay $0x3  }
0x97: {  	_ =	strace s4  }
0x98: {  	_ =	strace $0x8FFFFFFF  }
0x99: {  	s19 =	sld [smem:$0x3FDB];
	_ =	sdelay $0x1  }
0x9a: {  	s5 =	simm.s32 $_scs_section_size  }
0x9b: {  	s6 =	simm.s32 $_size__tile_overlayer_lowered;
	s7 =	simm.s32 $_tile_overlayer_lowered  }
0x9c: {  	s22 =	simm.s32 $0x1BFF;
	s21 =	sshll.u32 s7, $0x1;
	s4 =	sadd.s32 s5, s19  }
0x9d: {  	s8 =	simm.s32 $0x0;
	s20 =	sshll.u32 s6, $0x1;
	s6 =	sadd.s32 s21, s4  }
0x9e: {  	[timem:s8], [sflag:s22] =	dma.local [hbm:s6], s20  }
0x9f: {  	_ =	swait.ge [sflag:s22], s20  }
0xa0: {  	s5 =	ssub.s32 $0x0, s20;
	[sflag:s22] =	ssyncset.done $0x0  }
0xa1: {  	[sflag:s22] =	ssyncadd.s32 s5;
	_ =	sdelay $0x1  }
0xa2: {  	s23 =	simm.s32 $0x1B8B  }
0xa3: {  	_ =	swait.ge [sflag:s23], $0x1  }
0xa4: {  	[sflag:s23] =	ssyncset.done $0x0  }
0xa5: {  	s25 =	simm.s32 $0x1B8E;
	s24 =	sld [smem:$0x3FFE];
	[sflag:s23] =	ssyncadd.s32 $0xFFFFFFFF  }
0xa6: {  	s26 =	simm.s32 $execute0_lowered;
	[smem:$0x3FD2] =	sst s25  }
0xa7: {  	s6 =	sshll.u32 s26, $0x1;
	_ =	strace $0x80000046;
	[dreg:$0x1] =	wrdreg $0xFFFFFFFF  }
0xa8: {  	s28 =	simm.s32 $_size_execute0_lowered;
	s4 =	sadd.s32 s4, s6;
	[dreg:$0x0] =	wrdreg $0x0  }
0xa9: {  	s6 =	sshll.u32 s28, $0x1;
	[dreg:$0x2] =	wrdreg s4  }
0xaa: {  	[dreg:$0x3] =	wrdreg s6  }
0xab: {  	[dreg:$0x4] =	wrdreg $0xC0  }
0xac: {  	_ =	task [dreg:s8], $0x5FFFF  }
0xad: {  	[dreg:$0x1] =	wrdreg $0xFFFFFFFF  }
0xae: {  	[dreg:$0x0] =	wrdreg $0x60  }
0xaf: {  	[dreg:$0x2] =	wrdreg s2  }
0xb0: {  	[dreg:$0x3] =	wrdreg s24  }
0xb1: {  	[dreg:$0x4] =	wrdreg s18  }
0xb2: {  	[dreg:$0x5] =	wrdreg $0x9  }
0xb3: {  	_ =	task.clear_ibuf [dreg:s8], $0x6FFFF;
	_ =	strace $0x90000046  }
0xb4: {  	s29 =	simm.s32 $0x9;
	_ =	strace $0x80000048  }
0xb5: {  	_ =	swait.ge [sflag:s29], $0x1  }
0xb6: {  	[sflag:s29] =	ssyncadd.s32 $0xFFFFFFFF  }
0xb7: {  	_ =	strace $0x90000048  }
0xb8: {  	_ =	sfence  }
0xb9: {  	s30 =	sld [smem:$0x0];
	_ =	sdelay $0x2  }
0xba: {  	s31 =	sshll.u32 s1, $0xD;
	s1 =	sshrl.u32 s1, $0x2  }
0xbb: {  	s3 =	sand.u32 $0x4000, s31;
	s1 =	sadd.s32 s1, s30  }
0xbc: {  	s0 =	sor.u32 s3, s0;
	s1 =	sshll.u32 s1, $0x11  }
0xbd: {  	s0 =	sor.u32 s1, s0  }
0xbe: {  	s0 =	sadd.s32 $0x8F2B, s0  }
0xbf: {  	[sflag:s0] =	ssyncadd.remote.s32 $0x1  }
0xc0: {  	_ =	sfence.sel $0xFFFF  }
0xc1: {  	[dreg:$0x0] =	wrdreg $0xFFFFFFFF;
	(pc) =	sbr.abs _section_cstart, $3  }
0xc2: {  	[dreg:$0x1] =	wrdreg $0xFFFFFFFF  }
0xc3: {  	_ =	task.clear_ibuf [dreg:s8], $0x2FFFF;
	_ =	strace $0x9FFFFFFF  }
0xc4: {  	(tm) =	ssettm $0x7FFFFFFF  }
0xc5: {  	_ =	shalt  }
tec
execute0_lowered:
.L_overlay_start_1:
0x0: {  	(tag) =	ssettag $0x1  }
0x1: {  	v0 =	vlaneseq.u32;
	v17 =	vimm.s32 $0x14131211;
	v18 =	vimm.s32 $0x18171615  }
0x2: {  	v19 =	vimm.s32 $0x1C1B1A19;
	v21 =	vimm.s32 $0x19181716;
	vm0 =	vcmask $0x1F10  }
0x3: {  	v22 =	vimm.s32 $0x1D1C1B1A;
	v24 =	vimm.s32 $0x16151413;
	v26 =	vimm.s32 $0x1A191817  }
0x4: {  	v29 =	vimm.s32 $0x201001F;
	v30 =	vimm.s32 $0x3020100;
	v31 =	vimm.s32 $0x1F1E1D1C  }
0x5: {  	v32 =	vimm.s32 $0x17161514;
	v33 =	vimm.s32 $0x1B1A1918;
	v53 =	vimm.s32 $0x4030201  }
0x6: {  	v54 =	vimm.s32 $0x5040302;
	v38 =	vimm.s32 $0x6050403;
	v55 =	vimm.s32 $0x98765432  }
0x7: {  	v56 =	vimm.s32 $0xA9876543;
	v57 =	vimm.s32 $0x32107654;
	v59 =	vimm.s32 $0x43218765  }
0x8: {  	v60 =	vimm.s32 $0x54329876;
	v61 =	vimm.s32 $0x6543A987;
	vm15 =	vcmask $0x2F10  }
0x9: {  	vm1 =	vcmask $0x3F30;
	v1 =	vmul.u32 $0x20, v0;
	v2 =	vadd.s32 $0x1, v0  }
0xa: {  	v3 =	vadd.s32 $0x2, v0;
	v4 =	vadd.s32 $0x3, v0;
	v5 =	vadd.s32 $0x4, v0  }
0xb: {  	v6 =	vadd.s32 $0x5, v0;
	v7 =	vadd.s32 $0x6, v0;
	v8 =	vadd.s32 $0x7, v0  }
0xc: {  	v9 =	vadd.s32 $0x8, v0;
	v10 =	vadd.s32 $0x9, v0;
	v11 =	vadd.s32 $0xA, v0  }
0xd: {  	v12 =	vadd.s32 $0xB, v0;
	v13 =	vadd.s32 $0xC, v0;
	v14 =	vadd.s32 $0xD, v0  }
0xe: {  	v15 =	vadd.s32 $0xE, v0;
	v17 =	vunpack.c.0.s8.s32 v17;
	v20 =	vunpack.c.0.s8.s32 v18  }
0xf: {  	v19 =	vunpack.c.0.s8.s32 v19;
	v18 =	vimm.s32 $0x1F1E1D;
	v21 =	vunpack.c.0.s8.s32 v21  }
0x10: {  	v22 =	vunpack.c.0.s8.s32 v22;
	v27 =	vunpack.c.0.s8.s32 v18;
	v18 =	vimm.s32 $0x15141312  }
0x11: {  	v29 =	vunpack.c.0.s8.s32 v29;
	v30 =	vunpack.c.0.s8.s32 v30;
	v18 =	vunpack.c.0.s8.s32 v18  }
0x12: {  	v31 =	vunpack.c.0.s8.s32 v31;
	v32 =	vunpack.c.0.s8.s32 v32;
	v33 =	vunpack.c.0.s8.s32 v33  }
0x13: {  	v17 =	vsel vm0, v20, v17;
	v23 =	vsel vm0, v21, v18;
	v18 =	vimm.s32 $0x1001F1E  }
0x14: {  	v37 =	vsel vm0, v19, v20;
	v25 =	vsel vm0, v27, v19;
	v28 =	vunpack.c.0.s8.s32 v18  }
0x15: {  	v18 =	vunpack.c.0.s8.s32 v24;
	v24 =	vunpack.c.0.s8.s32 v26;
	v26 =	vimm.s32 $0x1E1D1C1B  }
0x16: {  	v17 =	vcombine.low v17, v25;
	v26 =	vunpack.c.0.s8.s32 v26;
	v34 =	vsel vm0, v28, v22  }
0x17: {  	v35 =	vsel vm0, v24, v18;
	v18 =	vsel vm0, v30, v31;
	v30 =	vsel vm0, v33, v32  }
0x18: {  	v32 =	vunpack.c.0.s8.s32 v54;
	v22 =	vsel vm0, v22, v21;
	v36 =	vsel vm0, v29, v26  }
0x19: {  	v18 =	vcombine.low v30, v18;
	v30 =	vunpack.c.0.s8.s32 v53;
	v19 =	vcombine.low v23, v34  }
0x1a: {  	v23 =	vunpack.c.0.s8.s32 v38;
	v24 =	vsel vm0, v26, v24;
	v26 =	vimm.s32 $0x76543210  }
0x1b: {  	v20 =	vcombine.low v35, v36;
	v32 =	vsel vm0, v32, v28;
	v30 =	vsel vm0, v30, v27  }
0x1c: {  	v26 =	vunpack.c.l.s4.s8 v26;
	v21 =	vcombine.low v37, v30;
	v30 =	vimm.s32 $0x87654321  }
0x1d: {  	v22 =	vcombine.low v22, v32;
	v23 =	vsel vm0, v23, v29;
	v30 =	vunpack.c.l.s4.s8 v30  }
0x1e: {  	v32 =	vunpack.c.l.s4.s8 v55;
	v23 =	vcombine.low v24, v23;
	v26 =	vunpack.c.0.s8.s32 v26  }
0x1f: {  	v24 =	vsel vm0, v31, v33;
	v33 =	vunpack.c.l.s4.s8 v56;
	v30 =	vunpack.c.0.s8.s32 v30  }
0x20: {  	v35 =	vunpack.c.l.s4.s8 v61;
	v32 =	vunpack.c.0.s8.s32 v32;
	v24 =	vcombine.low v24, v26  }
0x21: {  	s4 =	rddreg [dreg:$0x0];
	v58 =	vunpack.c.0.s8.s32 v33;
	v26 =	vand.u32 $0xF, v30;
	v30 =	vunpack.c.l.s4.s8 v57  }
0x22: {  	s0 =	rddreg [dreg:$0x1];
	v33 =	vunpack.c.l.s4.s8 v59;
	v25 =	vcombine.low v25, v26;
	v26 =	vand.u32 $0xF, v32  }
0x23: {  	s5 =	rddreg [dreg:$0x2];
	v26 =	vcombine.low v34, v26;
	v30 =	vunpack.c.0.s8.s32 v30;
	v34 =	vunpack.c.l.s4.s8 v60  }
0x24: {  	s6 =	simm.s32 $0x0;
	s1 =	srdreg.scid;
	s2 =	stileid.u32;
	v16 =	vadd.s32 $0xF, v0;
	v35 =	vunpack.c.0.s8.s32 v35;
	v33 =	vunpack.c.0.s8.s32 v33  }
0x25: {  	[smem:$0x7FF] =	sst s6;
	s1 =	sand.u32 $0x1, s1;
	s2 =	sshll.u32 s2, $0x1;
	v32 =	vand.u32 $0xF, v58;
	v30 =	vand.u32 $0xF, v30;
	v34 =	vunpack.c.0.s8.s32 v34  }
0x26: {  	s0 =	sadd.s32 $0x400, s0;
	s31 =	sadd.s32 $0x3D0800, s5;
	s2 =	sor.u32 s1, s2;
	v33 =	vand.u32 $0xF, v33;
	v30 =	vsel vm15, v30, v31;
	v31 =	vimm.s32 $0xB0A0908  }
0x27: {  	_ =	strace $0x80000047;
	s3 =	ssub.s32 $0x2, s1;
	s1 =	smul.u32 $0x300, s2;
	v33 =	vsel vm15, v33, v27;
	v31 =	vunpack.c.0.s8.s32 v31;
	v27 =	vand.u32 $0xF, v34  }
.Ltmp0:
0x28: {  	[smem:$0x7F9] =	sst s0;
	v34 =	vsel vm15, v27, v28;
	v27 =	vimm.s32 $0xC0B0A09;
	v28 =	vand.u32 $0xF, v35;
	(pc) =	sbr.rel .LBB2_1-.Ltmp0, $4  }
0x29: {  	[smem:$0x7FA] =	sst s31;
	s30 =	sshrl.u32 s3, $0x1;
	v35 =	vsel vm15, v28, v29;
	v28 =	vimm.s32 $0xD0C0B0A;
	v29 =	vimm.s32 $0xE0D0C0B  }
0x2a: {  	[smem:$0x7FD] =	sst s2;
	s0 =	ssub.s32 s3, s30;
	s1 =	sadd.s32 s4, s1;
	v62 =	vunpack.c.0.s8.s32 v27;
	v63 =	vunpack.c.0.s8.s32 v28;
	v39 =	vunpack.c.0.s8.s32 v29  }
0x2b: {  	s0 =	smax.u32 s0, $0x1;
	[smem:$0x7FB] =	sst s1;
	v27 =	vcombine.low v36, v32;
	v28 =	vor.u32 $0x10, v0;
	v29 =	vsel vm1, v31, v30  }
0x2c: {  	p0 =	sne.s32 s2, $0x0;
	[smem:$0x7FC] =	sst s0;
	s1 =	simm.s32 $0x0;
	v30 =	vsel vm1, v62, v33;
	v31 =	vsel vm1, v63, v34;
	v32 =	vsel vm1, v39, v35  }
.LBB2_12:
0x2d: {  	s0 =	simm.s32 $0x3  }
0x2e: {  	_ =	swait.ge [sflag:s0], $0x6000  }
0x2f: {  	[sflag:s0] =	ssyncset.done $0x0  }
0x30: {  	s29 =	simm.s32 $0x4;
	[sflag:s0] =	ssyncadd.s32 $0xFFFFA000  }
0x31: {  	_ =	swait.ge [sflag:s29], $0x6000  }
0x32: {  	s2 =	sld [smem:$0x7F9]  }
0x33: {  	[sflag:s29] =	ssyncset.done $0x0  }
0x34: {  	s1 =	simm.s32 @!p0 $0xC000;
	s0 =	simm.s32 @!p0 $0x0;
	[sflag:s29] =	ssyncadd.s32 $0xFFFFA000  }
0x35: {  	[tilespmem:s1], [sflag:$0x5] =	stream.linear.gather @!p0 [hbm4b:s2+s0], $0x800, $0x38;
	[tilespmem:$0x18000] =	vst v63  }
0x36: {  	s2 =	simm.s32 @!p0 $0x5  }
0x37: {  	_ =	swait.ge @!p0 [sflag:s2], $0x800  }
0x38: {  	s3 =	sld [smem:$0x7FA]  }
0x39: {  	[sflag:s2] =	ssyncset.done @!p0 $0x0  }
0x3a: {  	[sflag:s2] =	ssyncadd.s32 @!p0 $0xFFFFF800  }
0x3b: {  	[hbm4b:s3+s0] =	stream.linear.scatter @!p0 [tilespmem:s1], [sflag:$0x5], $0x800, $0x38;
	[tilespmem:$0x18000] =	vst v63  }
0x3c: {  	_ =	swait.ge @!p0 [sflag:s2], $0x800  }
0x3d: {  	s30 =	sld [smem:$0x7F8]  }
0x3e: {  	s31 =	sld [smem:$0x7FC];
	_ =	sdelay $0x1  }
0x3f: {  	s1 =	sadd.s32 $0x1, s30  }
0x40: {  	p1 =	sne.s32 s1, s31  }
.Ltmp1:
0x41: {  	_ = 	snop;
	(pc) =	sbr.rel @!p1 .LBB2_13-.Ltmp1, $3  }
0x42: {  	_ =	sdelay $0x1  }
0x43: {  	[sflag:s2] =	ssyncset.done @!p0 $0x0  }
0x44: {  	[sflag:s2] =	ssyncadd.s32 @!p0 $0xFFFFF800  }
.LBB2_1:
.Ltmp2:
0x45: {  	(pc) =	sbr.rel .LBB2_2-.Ltmp2, $4  }
0x46: {  	s0 =	sld [smem:$0x7FB]  }
0x47: {  	[smem:$0x7F8] =	sst s1  }
0x48: {  	s31 =	simm.s32 $0x1800;
	s2 =	simm.s32 $0x7A1400;
	s4 =	simm.s32 $0x0  }
0x49: {  	[tilespmem:s6], [sflag:$0x1] =	stream.strided.gather [hbm4b:s0+s31], $0x6000, s2, s31, $0x38;
	[tilespmem:$0x18000] =	vst v63  }
.LBB2_11:
0x4a: {  	s4 =	sadd.s32 $0x1, s4  }
0x4b: {  	p1 =	sne.s32 s4, $0x15  }
.Ltmp3:
0x4c: {  	_ = 	snop;
	(pc) =	sbr.rel @!p1 .LBB2_12-.Ltmp3, $1  }
0x4d: {  	_ =	sdelay $0x3  }
.LBB2_2:
0x4e: {  	s1 =	sld [smem:$0x7FD];
	_ =	sdelay $0x1  }
0x4f: {  	s0 =	sshll.u32 s4, $0x6  }
0x50: {  	s7 =	sor.u32 s1, s0  }
0x51: {  	s5 =	sor.u32 $0x20, s7;
	p1 =	sgt.u32 s7, $0x515  }
.Ltmp4:
0x52: {  	p2 =	sgt.u32 s5, $0x515;
	(pc) =	sbr.rel @p1 .LBB2_11-.Ltmp4, $4  }
0x53: {  	s0 =	smul.u32 @!p2 $0x300, s5  }
0x54: {  	s1 =	rddreg [dreg:$0x0];
	s2 =	simm.s32 @!p2 $0x7A1400  }
0x55: {  	s3 =	simm.s32 @!p2 $0x6000;
	s0 =	sadd.s32 @!p2 s1, s0;
	s1 =	simm.s32 @!p2 $0x1800  }
0x56: {  	[tilespmem:s3], [sflag:$0x2] =	stream.strided.gather @!p2 [hbm4b:s0+s1], $0x6000, s2, s1, $0x38;
	[tilespmem:$0x18000] =	vst v63  }
0x57: {  	[smem:$0x7BA] =	sst s7  }
0x58: {  	[smem:$0x7BB] =	sst s5;
	s0 =	simm.s32 $0x1  }
0x59: {  	_ =	swait.ge [sflag:s0], $0x6000  }
0x5a: {  	p1 =	seq.s32 s4, $0x0;
	s9 =	simm.s32 $0x0;
	[sflag:s0] =	ssyncset.done $0x0  }
0x5b: {  	s1 =	simm.s32 @!p1 $0x3;
	[smem:$0x7BC] =	sst s4;
	[sflag:s0] =	ssyncadd.s32 $0xFFFFA000  }
0x5c: {  	s2 =	simm.s32 $0x10;
	v33 =	vmov s9;
	_ =	swait.ge @!p1 [sflag:s1], $0x6000  }
0x5d: {  	s24 =	sand.u32 $0x60, s9;
	s5 =	sand.u32 $0x1C00, s9;
	v33 =	vshll.u32 v33, $0x5;
	[sflag:s1] =	ssyncset.done @!p1 $0x0  }
0x5e: {  	v35 =	vor.u32 s2, v0;
	s13 =	sand.u32 $0x70, s2;
	s10 =	sor.u32 s24, s5;
	v34 =	vor.u32 v1, v33;
	[sflag:s1] =	ssyncadd.s32 @!p1 $0xFFFFA000  }
0x5f: {  	s3 =	sor.u32 s13, s5;
	v33 =	vshll.u32 v35, $0x5;
	v35 =	vand.u32 $0x1F, v35;
	v36 =	vor.u32 v0, v34;
	v37 =	vld [tilespmem:s10+$0x0]  }
0x60: {  	v35 =	vor.u32 v35, v33;
	v38 =	vld [tilespmem:s3+$0x0];
	_ =	sdelay $0x2  }
0x61: {  	s8 =	simm.s32 $0xC000  }
0x62: {  	[tilespmem:v36+s8+$0x0] =	vst.idx.msk $0xffff, v37  }
0x63: {  	v60 =	vor.u32 v2, v34;
	[tilespmem:v35+s8+$0x0] =	vst.idx.msk $0xffff, v38;
	v36 =	vld [tilespmem:s10+$0x80]  }
0x64: {  	v61 =	vor.u32 v17, v33;
	v38 =	vld [tilespmem:s3+$0x80];
	_ =	sdelay $0x3  }
0x65: {  	[tilespmem:v60+s8+$0x0] =	vst.idx.msk $0xffff, v36  }
0x66: {  	v62 =	vor.u32 v3, v34;
	[tilespmem:v61+s8+$0x0] =	vst.idx.msk $0xffff, v38;
	v36 =	vld [tilespmem:s10+$0x100]  }
0x67: {  	v63 =	vor.u32 v19, v33;
	v38 =	vld [tilespmem:s3+$0x100];
	_ =	sdelay $0x3  }
0x68: {  	[tilespmem:v62+s8+$0x0] =	vst.idx.msk $0xffff, v36  }
0x69: {  	v40 =	vor.u32 v4, v34;
	[tilespmem:v63+s8+$0x0] =	vst.idx.msk $0xffff, v38;
	v36 =	vld [tilespmem:s10+$0x180]  }
0x6a: {  	v41 =	vor.u32 v20, v33;
	v38 =	vld [tilespmem:s3+$0x180];
	_ =	sdelay $0x3  }
0x6b: {  	[tilespmem:v40+s8+$0x0] =	vst.idx.msk $0xffff, v36  }
0x6c: {  	v42 =	vor.u32 v5, v34;
	[tilespmem:v41+s8+$0x0] =	vst.idx.msk $0xffff, v38;
	v36 =	vld [tilespmem:s10+$0x200]  }
0x6d: {  	v43 =	vor.u32 v18, v33;
	v38 =	vld [tilespmem:s3+$0x200];
	_ =	sdelay $0x3  }
0x6e: {  	[tilespmem:v42+s8+$0x0] =	vst.idx.msk $0xffff, v36  }
0x6f: {  	v44 =	vor.u32 v6, v34;
	[tilespmem:v43+s8+$0x0] =	vst.idx.msk $0xffff, v38;
	v36 =	vld [tilespmem:s10+$0x280]  }
0x70: {  	v45 =	vor.u32 v21, v33;
	v38 =	vld [tilespmem:s3+$0x280]  }
0x71: {  	s11 =	sand.u32 $0x7, s9;
	s12 =	sand.u32 $0x3, s9  }
0x72: {  	s1 =	sshll.u32 s11, $0x4;
	s3 =	sshll.u32 s12, $0x5  }
0x73: {  	s1 =	sadd.s32 $0x0, s1;
	s3 =	sadd.s32 $0x0, s3  }
0x74: {  	s1 =	sadd.s32 $0x10, s1;
	s3 =	sor.u32 $0x300, s3;
	[tilespmem:v44+s8+$0x0] =	vst.idx.msk $0xffff, v36  }
0x75: {  	v46 =	vor.u32 v7, v34;
	s1 =	sor.u32 $0x300, s1;
	[tilespmem:v45+s8+$0x0] =	vst.idx.msk $0xffff, v38;
	v36 =	vld [tilespmem:s3+$0x0]  }
0x76: {  	v47 =	vor.u32 v22, v33;
	v38 =	vld [tilespmem:s1+$0x0];
	_ =	sdelay $0x2  }
0x77: {  	s14 =	sor.u32 s9, s9  }
0x78: {  	s0 =	sor.u32 s2, s9;
	s1 =	sor.u32 $0x380, s14;
	[tilespmem:v46+s8+$0x0] =	vst.idx.msk $0xffff, v36  }
0x79: {  	s0 =	sor.u32 $0x380, s0;
	v48 =	vor.u32 v8, v34;
	[tilespmem:v47+s8+$0x0] =	vst.idx.msk $0xffff, v38;
	v36 =	vld [tilespmem:s1+$0x0]  }
0x7a: {  	v49 =	vor.u32 v23, v33;
	v38 =	vld [tilespmem:s0+$0x0];
	_ =	sdelay $0x2  }
0x7b: {  	s15 =	sadd.s32 $0x1800, s5  }
0x7c: {  	s16 =	sor.u32 s24, s15;
	[tilespmem:v48+s8+$0x0] =	vst.idx.msk $0xffff, v36  }
0x7d: {  	v50 =	vor.u32 v9, v34;
	s0 =	sor.u32 s13, s15;
	[tilespmem:v49+s8+$0x0] =	vst.idx.msk $0xffff, v38;
	v36 =	vld [tilespmem:s16+$0x0]  }
0x7e: {  	v51 =	vor.u32 v24, v33;
	v38 =	vld [tilespmem:s0+$0x0];
	_ =	sdelay $0x2  }
0x7f: {  	s17 =	sadd.s32 $0x1880, s5  }
0x80: {  	s18 =	sor.u32 s24, s17;
	[tilespmem:v50+s8+$0x0] =	vst.idx.msk $0xffff, v36  }
0x81: {  	v52 =	vor.u32 v10, v34;
	s0 =	sor.u32 s13, s17;
	[tilespmem:v51+s8+$0x0] =	vst.idx.msk $0xffff, v38;
	v36 =	vld [tilespmem:s18+$0x0]  }
0x82: {  	v53 =	vor.u32 v25, v33;
	v38 =	vld [tilespmem:s0+$0x0];
	_ =	sdelay $0x2  }
0x83: {  	s19 =	sadd.s32 $0x1900, s5  }
0x84: {  	s6 =	simm.s32 $0x20;
	s20 =	sor.u32 s24, s19;
	[tilespmem:v52+s8+$0x0] =	vst.idx.msk $0xffff, v36  }
0x85: {  	s7 =	simm.s32 $0x100;
	v56 =	vmov s6;
	v54 =	vor.u32 v11, v34;
	s0 =	sor.u32 s13, s19;
	[tilespmem:v53+s8+$0x0] =	vst.idx.msk $0xffff, v38;
	v55 =	vld [tilespmem:s20+$0x0]  }
0x86: {  	s2 =	sand.u32 $0x1C00, s7;
	v35 =	vshll.u32 v56, $0x5;
	v40 =	vor.u32 v26, v33;
	s14 =	sand.u32 $0x60, s6;
	s3 =	simm.s32 $0x30;
	v39 =	vld [tilespmem:s0+$0x0]  }
0x87: {  	v41 =	vor.u32 s3, v0;
	s12 =	sand.u32 $0x70, s3;
	s9 =	sor.u32 s14, s2;
	v36 =	vor.u32 v1, v35  }
0x88: {  	s21 =	sor.u32 s12, s2;
	v43 =	vld [tilespmem:s9+$0x0];
	v35 =	vshll.u32 v41, $0x5;
	v41 =	vand.u32 $0x1F, v41;
	v42 =	vor.u32 v0, v36  }
0x89: {  	s10 =	sadd.s32 $0x1980, s5;
	v44 =	vld [tilespmem:s21+$0x0];
	v41 =	vor.u32 v41, v35  }
0x8a: {  	s11 =	sor.u32 s24, s10;
	[tilespmem:v54+s8+$0x0] =	vst.idx.msk $0xffff, v55  }
0x8b: {  	v57 =	vor.u32 v12, v34;
	s10 =	sor.u32 s13, s10;
	[tilespmem:v40+s8+$0x0] =	vst.idx.msk $0xffff, v39;
	v38 =	vld [tilespmem:s11+$0x0]  }
0x8c: {  	v58 =	vor.u32 v27, v33;
	v40 =	vld [tilespmem:s10+$0x0]  }
0x8d: {  	[tilespmem:v42+s8+$0x0] =	vst.idx.msk $0xffff, v43  }
0x8e: {  	v59 =	vor.u32 v2, v36;
	[tilespmem:v41+s8+$0x0] =	vst.idx.msk $0xffff, v44;
	v42 =	vld [tilespmem:s9+$0x80]  }
0x8f: {  	s22 =	sadd.s32 $0x1A00, s5;
	v60 =	vor.u32 v17, v35;
	v44 =	vld [tilespmem:s21+$0x80]  }
0x90: {  	s23 =	sor.u32 s24, s22;
	[tilespmem:v57+s8+$0x0] =	vst.idx.msk $0xffff, v38  }
0x91: {  	v61 =	vor.u32 v13, v34;
	s10 =	sor.u32 s13, s22;
	[tilespmem:v58+s8+$0x0] =	vst.idx.msk $0xffff, v40;
	v38 =	vld [tilespmem:s23+$0x0]  }
0x92: {  	v62 =	vor.u32 v29, v33;
	v40 =	vld [tilespmem:s10+$0x0]  }
0x93: {  	[tilespmem:v59+s8+$0x0] =	vst.idx.msk $0xffff, v42  }
0x94: {  	v63 =	vor.u32 v3, v36;
	[tilespmem:v60+s8+$0x0] =	vst.idx.msk $0xffff, v44;
	v42 =	vld [tilespmem:s9+$0x100]  }
0x95: {  	s25 =	sadd.s32 $0x1A80, s5;
	v48 =	vor.u32 v19, v35;
	v44 =	vld [tilespmem:s21+$0x100]  }
0x96: {  	s26 =	sor.u32 s24, s25;
	[tilespmem:v61+s8+$0x0] =	vst.idx.msk $0xffff, v38  }
0x97: {  	v49 =	vor.u32 v14, v34;
	s10 =	sor.u32 s13, s25;
	[tilespmem:v62+s8+$0x0] =	vst.idx.msk $0xffff, v40;
	v38 =	vld [tilespmem:s26+$0x0]  }
0x98: {  	v50 =	vor.u32 v30, v33;
	v40 =	vld [tilespmem:s10+$0x0]  }
0x99: {  	[tilespmem:v63+s8+$0x0] =	vst.idx.msk $0xffff, v42  }
0x9a: {  	v51 =	vor.u32 v4, v36;
	[tilespmem:v48+s8+$0x0] =	vst.idx.msk $0xffff, v44;
	v42 =	vld [tilespmem:s9+$0x180]  }
0x9b: {  	s0 =	sadd.s32 $0x1B00, s5;
	v52 =	vor.u32 v20, v35;
	v44 =	vld [tilespmem:s21+$0x180]  }
0x9c: {  	s1 =	sor.u32 s24, s0;
	[tilespmem:v49+s8+$0x0] =	vst.idx.msk $0xffff, v38  }
0x9d: {  	v53 =	vor.u32 v15, v34;
	s10 =	sor.u32 s13, s0;
	[tilespmem:v50+s8+$0x0] =	vst.idx.msk $0xffff, v40;
	v38 =	vld [tilespmem:s1+$0x0]  }
0x9e: {  	v54 =	vor.u32 v31, v33;
	v40 =	vld [tilespmem:s10+$0x0]  }
0x9f: {  	[tilespmem:v51+s8+$0x0] =	vst.idx.msk $0xffff, v42  }
0xa0: {  	v55 =	vor.u32 v5, v36;
	[tilespmem:v52+s8+$0x0] =	vst.idx.msk $0xffff, v44;
	v42 =	vld [tilespmem:s9+$0x200]  }
0xa1: {  	v56 =	vor.u32 v18, v35;
	s11 =	sadd.s32 $0x1B80, s5;
	v44 =	vld [tilespmem:s21+$0x200]  }
0xa2: {  	s15 =	sor.u32 s24, s11;
	[tilespmem:v53+s8+$0x0] =	vst.idx.msk $0xffff, v38  }
0xa3: {  	v57 =	vor.u32 v16, v34;
	s10 =	sor.u32 s13, s11;
	[tilespmem:v54+s8+$0x0] =	vst.idx.msk $0xffff, v40;
	v38 =	vld [tilespmem:s15+$0x0]  }
0xa4: {  	v58 =	vor.u32 v32, v33;
	v40 =	vld [tilespmem:s10+$0x0]  }
0xa5: {  	[tilespmem:v55+s8+$0x0] =	vst.idx.msk $0xffff, v42  }
0xa6: {  	v59 =	vor.u32 v6, v36;
	[tilespmem:v56+s8+$0x0] =	vst.idx.msk $0xffff, v44;
	v42 =	vld [tilespmem:s9+$0x280]  }
0xa7: {  	s16 =	sadd.s32 $0x3000, s5;
	s18 =	simm.s32 $0x2;
	s19 =	simm.s32 $0x1;
	v60 =	vor.u32 v21, v35;
	v44 =	vld [tilespmem:s21+$0x280]  }
0xa8: {  	s17 =	sor.u32 s24, s16;
	s22 =	sand.u32 $0x3, s19;
	s21 =	sand.u32 $0x7, s18;
	[tilespmem:v57+s8+$0x0] =	vst.idx.msk $0xffff, v38  }
0xa9: {  	s20 =	sor.u32 s13, s16;
	s25 =	sshll.u32 s22, $0x5;
	v61 =	vor.u32 v28, v34;
	s23 =	sshll.u32 s21, $0x4;
	[tilespmem:v58+s8+$0x0] =	vst.idx.msk $0xffff, v40;
	v38 =	vld [tilespmem:s17+$0x0]  }
0xaa: {  	v62 =	vor.u32 v0, v33;
	s0 =	sadd.s32 $0x100, s25;
	s26 =	sadd.s32 $0x100, s23;
	v40 =	vld [tilespmem:s20+$0x0]  }
0xab: {  	s9 =	sor.u32 $0x300, s0;
	s4 =	sadd.s32 $0x10, s26;
	[tilespmem:v59+s8+$0x0] =	vst.idx.msk $0xffff, v42  }
0xac: {  	v63 =	vor.u32 v7, v36;
	s4 =	sor.u32 $0x300, s4;
	[tilespmem:v60+s8+$0x0] =	vst.idx.msk $0xffff, v44;
	v42 =	vld [tilespmem:s9+$0x0]  }
0xad: {  	v48 =	vor.u32 v22, v35;
	s1 =	sadd.s32 $0x3080, s5;
	v44 =	vld [tilespmem:s4+$0x0]  }
0xae: {  	s11 =	sor.u32 s24, s1;
	[tilespmem:v61+s8+$0x0] =	vst.idx.msk $0xffff, v38  }
0xaf: {  	v49 =	vor.u32 v17, v34;
	s15 =	sor.u32 s13, s1;
	[tilespmem:v62+s8+$0x0] =	vst.idx.msk $0xffff, v40;
	v38 =	vld [tilespmem:s11+$0x0]  }
0xb0: {  	s16 =	sor.u32 s6, s7;
	v50 =	vor.u32 v2, v33;
	v40 =	vld [tilespmem:s15+$0x0]  }
0xb1: {  	s3 =	sor.u32 s3, s7;
	s4 =	sor.u32 $0x380, s16;
	[tilespmem:v63+s8+$0x0] =	vst.idx.msk $0xffff, v42  }
0xb2: {  	s3 =	sor.u32 $0x380, s3;
	v51 =	vor.u32 v8, v36;
	[tilespmem:v48+s8+$0x0] =	vst.idx.msk $0xffff, v44;
	v42 =	vld [tilespmem:s4+$0x0]  }
0xb3: {  	v52 =	vor.u32 v23, v35;
	s17 =	sadd.s32 $0x3100, s5;
	v44 =	vld [tilespmem:s3+$0x0]  }
0xb4: {  	s18 =	sor.u32 s24, s17;
	[tilespmem:v49+s8+$0x0] =	vst.idx.msk $0xffff, v38  }
0xb5: {  	v53 =	vor.u32 v19, v34;
	s19 =	sor.u32 s13, s17;
	[tilespmem:v50+s8+$0x0] =	vst.idx.msk $0xffff, v40;
	v38 =	vld [tilespmem:s18+$0x0]  }
0xb6: {  	v54 =	vor.u32 v3, v33;
	s20 =	sadd.s32 $0x1800, s2;
	v40 =	vld [tilespmem:s19+$0x0]  }
0xb7: {  	s21 =	sor.u32 s14, s20;
	[tilespmem:v51+s8+$0x0] =	vst.idx.msk $0xffff, v42  }
0xb8: {  	v55 =	vor.u32 v9, v36;
	s3 =	sor.u32 s12, s20;
	[tilespmem:v52+s8+$0x0] =	vst.idx.msk $0xffff, v44;
	v42 =	vld [tilespmem:s21+$0x0]  }
0xb9: {  	s22 =	sadd.s32 $0x3180, s5;
	v56 =	vor.u32 v24, v35;
	v44 =	vld [tilespmem:s3+$0x0]  }
0xba: {  	s23 =	sor.u32 s24, s22;
	[tilespmem:v53+s8+$0x0] =	vst.idx.msk $0xffff, v38  }
0xbb: {  	s25 =	sor.u32 s13, s22;
	v57 =	vor.u32 v20, v34;
	[tilespmem:v54+s8+$0x0] =	vst.idx.msk $0xffff, v40;
	v38 =	vld [tilespmem:s23+$0x0]  }
0xbc: {  	s0 =	sadd.s32 $0x1880, s2;
	v58 =	vor.u32 v4, v33;
	v40 =	vld [tilespmem:s25+$0x0]  }
0xbd: {  	s10 =	sadd.s32 $0x4980, s5;
	s26 =	sadd.s32 $0x3200, s5;
	s16 =	sor.u32 s14, s0;
	[tilespmem:v55+s8+$0x0] =	vst.idx.msk $0xffff, v42  }
0xbe: {  	s1 =	sor.u32 s24, s26;
	v59 =	vor.u32 v10, v36;
	s17 =	sadd.s32 $0x3300, s5;
	s4 =	sor.u32 s12, s0;
	[tilespmem:v56+s8+$0x0] =	vst.idx.msk $0xffff, v44;
	v42 =	vld [tilespmem:s16+$0x0]  }
0xbf: {  	v60 =	vor.u32 v25, v35;
	s9 =	simm.s32 $0x40;
	s7 =	sor.u32 s24, s17;
	s15 =	sadd.s32 $0x3280, s5;
	v44 =	vld [tilespmem:s4+$0x0]  }
0xc0: {  	s6 =	sor.u32 s13, s17;
	s20 =	sadd.s32 $0x4880, s5;
	s11 =	sor.u32 s24, s15;
	[tilespmem:v57+s8+$0x0] =	vst.idx.msk $0xffff, v38  }
0xc1: {  	v61 =	vor.u32 v18, v34;
	s0 =	sor.u32 s13, s15;
	s3 =	sor.u32 s13, s26;
	s18 =	sadd.s32 $0x3380, s5;
	[tilespmem:v58+s8+$0x0] =	vst.idx.msk $0xffff, v40;
	v38 =	vld [tilespmem:s1+$0x0]  }
0xc2: {  	v62 =	vor.u32 v5, v33;
	s30 =	sor.u32 s24, s20;
	s29 =	sor.u32 s13, s20;
	s21 =	sor.u32 s24, s18;
	v40 =	vld [tilespmem:s3+$0x0]  }
0xc3: {  	s22 =	sor.u32 s13, s18;
	s18 =	sadd.s32 $0x4900, s5;
	s23 =	sadd.s32 $0x1900, s2;
	[tilespmem:v59+s8+$0x0] =	vst.idx.msk $0xffff, v42  }
0xc4: {  	s19 =	sadd.s32 $0x4800, s5;
	s4 =	sor.u32 s24, s18;
	s25 =	sor.u32 s14, s23;
	[tilespmem:v60+s8+$0x0] =	vst.idx.msk $0xffff, v44  }
0xc5: {  	s20 =	sand.u32 $0x60, s9;
	s28 =	sor.u32 s24, s19;
	v42 =	vld [tilespmem:s25+$0x0];
	[smem:$0x7CA] =	sst s4  }
0xc6: {  	v63 =	vor.u32 v11, v36;
	s15 =	sor.u32 s13, s19;
	s16 =	simm.s32 $0x50;
	s26 =	sor.u32 s12, s23;
	[tilespmem:v61+s8+$0x0] =	vst.idx.msk $0xffff, v38  }
0xc7: {  	v45 =	vor.u32 v26, v35;
	s17 =	sand.u32 $0x70, s16;
	s23 =	sor.u32 s13, s18;
	s25 =	simm.s32 $0x200;
	v44 =	vld [tilespmem:s26+$0x0];
	[tilespmem:v62+s8+$0x0] =	vst.idx.msk $0xffff, v40  }
0xc8: {  	s19 =	sand.u32 $0x1C00, s25;
	s26 =	sor.u32 s24, s10;
	v46 =	vld [tilespmem:s11+$0x0];
	[smem:$0x7CB] =	sst s23  }
0xc9: {  	v49 =	vmov s9;
	s10 =	sor.u32 s13, s10;
	s9 =	sor.u32 s17, s19;
	v54 =	vld [tilespmem:s0+$0x0];
	[smem:$0x7D4] =	sst s26  }
0xca: {  	v48 =	vld [tilespmem:s9+$0x0];
	[smem:$0x7D5] =	sst s10  }
0xcb: {  	v47 =	vor.u32 v21, v34;
	v50 =	vshll.u32 v49, $0x5;
	s1 =	sadd.s32 $0x1980, s2;
	s18 =	sor.u32 s20, s19;
	s11 =	sadd.s32 $0x4A00, s5;
	[tilespmem:v63+s8+$0x0] =	vst.idx.msk $0xffff, v42  }
0xcc: {  	v37 =	vor.u32 v1, v50;
	s23 =	sor.u32 s14, s1;
	s26 =	sor.u32 s24, s11;
	v50 =	vld [tilespmem:s18+$0x0];
	[tilespmem:v45+s8+$0x0] =	vst.idx.msk $0xffff, v44  }
0xcd: {  	s4 =	sor.u32 s12, s1;
	v41 =	vld [tilespmem:s23+$0x0];
	[smem:$0x7DE] =	sst s26  }
0xce: {  	v53 =	vor.u32 v6, v33;
	v44 =	vld [tilespmem:s4+$0x0];
	s4 =	sor.u32 s13, s11  }
0xcf: {  	s1 =	sadd.s32 $0x4A80, s5;
	[smem:$0x7E2] =	sst s4  }
0xd0: {  	v51 =	vor.u32 s16, v0;
	s10 =	sor.u32 s24, s1;
	[tilespmem:v47+s8+$0x0] =	vst.idx.msk $0xffff, v46  }
0xd1: {  	v52 =	vand.u32 $0x1F, v51;
	v38 =	vshll.u32 v51, $0x5;
	s26 =	sor.u32 s13, s1;
	[smem:$0x7EC] =	sst s10  }
0xd2: {  	v39 =	vor.u32 v52, v38;
	s11 =	sadd.s32 $0x4B00, s5;
	v46 =	vld [tilespmem:s7+$0x0];
	[smem:$0x7EF] =	sst s26  }
0xd3: {  	v49 =	vor.u32 v0, v37;
	s1 =	sadd.s32 $0x4B80, s5;
	s5 =	sor.u32 s24, s11;
	[tilespmem:v53+s8+$0x0] =	vst.idx.msk $0xffff, v54  }
0xd4: {  	v55 =	vor.u32 v12, v36;
	s7 =	sor.u32 s24, s1;
	[smem:$0x7F6] =	sst s5  }
0xd5: {  	v56 =	vor.u32 v27, v35;
	v40 =	vld [tilespmem:s6+$0x0];
	s6 =	sor.u32 s13, s11;
	[smem:$0x7DA] =	sst s7  }
0xd6: {  	v57 =	vor.u32 v22, v34;
	[smem:$0x7F7] =	sst s6  }
0xd7: {  	v58 =	vor.u32 v7, v33;
	[tilespmem:v39+s8+$0x0] =	vst.idx.msk $0xffff, v48  }
0xd8: {  	v59 =	vor.u32 v17, v38;
	[tilespmem:v49+s8+$0x0] =	vst.idx.msk $0xffff, v50;
	v48 =	vld [tilespmem:s9+$0x80]  }
0xd9: {  	v60 =	vor.u32 v2, v37;
	s10 =	sadd.s32 $0x1A00, s2;
	[tilespmem:v55+s8+$0x0] =	vst.idx.msk $0xffff, v41;
	v50 =	vld [tilespmem:s18+$0x80]  }
0xda: {  	s26 =	sor.u32 s13, s1;
	s13 =	sor.u32 s14, s10;
	[tilespmem:v56+s8+$0x0] =	vst.idx.msk $0xffff, v44  }
0xdb: {  	v61 =	vor.u32 v13, v36;
	s23 =	sor.u32 s12, s10;
	s1 =	sadd.s32 $0x1B80, s2;
	s11 =	sadd.s32 $0x1A80, s2;
	[tilespmem:v57+s8+$0x0] =	vst.idx.msk $0xffff, v46;
	v41 =	vld [tilespmem:s13+$0x0]  }
0xdc: {  	s10 =	sor.u32 s14, s1;
	s7 =	sadd.s32 $0x3000, s2;
	s24 =	sor.u32 s14, s11;
	v44 =	vld [tilespmem:s23+$0x0];
	[tilespmem:v58+s8+$0x0] =	vst.idx.msk $0xffff, v40  }
0xdd: {  	s3 =	sor.u32 s12, s11;
	s11 =	sor.u32 s12, s1;
	s1 =	sadd.s32 $0x3100, s2;
	v46 =	vld [tilespmem:s21+$0x0];
	[tilespmem:v59+s8+$0x0] =	vst.idx.msk $0xffff, v48  }
0xde: {  	v62 =	vor.u32 v29, v35;
	s31 =	sor.u32 s12, s7;
	s23 =	sor.u32 s14, s7;
	s7 =	sor.u32 s14, s1;
	v40 =	vld [tilespmem:s22+$0x0];
	[tilespmem:v60+s8+$0x0] =	vst.idx.msk $0xffff, v50  }
0xdf: {  	v63 =	vor.u32 v23, v34;
	s5 =	sadd.s32 $0x3180, s2;
	v48 =	vld [tilespmem:s9+$0x100];
	[smem:$0x7E7] =	sst s7  }
0xe0: {  	s21 =	sor.u32 s12, s1;
	s1 =	sor.u32 s14, s5;
	[tilespmem:v61+s8+$0x0] =	vst.idx.msk $0xffff, v41  }
0xe1: {  	s5 =	sor.u32 s12, s5;
	v50 =	vld [tilespmem:s18+$0x100];
	[smem:$0x7F4] =	sst s1  }
0xe2: {  	v52 =	vor.u32 v8, v33;
	v41 =	vld [tilespmem:s24+$0x0];
	[smem:$0x7F5] =	sst s5  }
0xe3: {  	s7 =	sadd.s32 $0x3200, s2;
	s1 =	sadd.s32 $0x3280, s2;
	[tilespmem:v62+s8+$0x0] =	vst.idx.msk $0xffff, v44  }
0xe4: {  	v53 =	vor.u32 v19, v38;
	s5 =	sor.u32 s14, s7;
	s24 =	sor.u32 s12, s7;
	s7 =	sor.u32 s14, s1;
	[tilespmem:v63+s8+$0x0] =	vst.idx.msk $0xffff, v46  }
0xe5: {  	s1 =	sor.u32 s12, s1;
	v44 =	vld [tilespmem:s3+$0x0];
	[smem:$0x7BD] =	sst s7  }
0xe6: {  	s3 =	sadd.s32 $0x3300, s2;
	v46 =	vld [tilespmem:s28+$0x0];
	[smem:$0x7BE] =	sst s1  }
0xe7: {  	v54 =	vor.u32 v3, v37;
	s7 =	sor.u32 s14, s3;
	[tilespmem:v52+s8+$0x0] =	vst.idx.msk $0xffff, v40  }
0xe8: {  	s0 =	sadd.s32 $0x1B00, s2;
	s1 =	sadd.s32 $0x3380, s2;
	[smem:$0x7BF] =	sst s7  }
0xe9: {  	s4 =	sor.u32 s14, s0;
	s7 =	sor.u32 s12, s3;
	s3 =	sor.u32 s14, s1;
	[tilespmem:v53+s8+$0x0] =	vst.idx.msk $0xffff, v48  }
0xea: {  	s6 =	sor.u32 s12, s0;
	v55 =	vor.u32 v14, v36;
	s1 =	sor.u32 s12, s1;
	v40 =	vld [tilespmem:s15+$0x0];
	[smem:$0x7C0] =	sst s3  }
0xeb: {  	s0 =	sadd.s32 $0x3080, s2;
	s15 =	sadd.s32 $0x4800, s2;
	[smem:$0x7C1] =	sst s1  }
0xec: {  	s13 =	sor.u32 s14, s0;
	s3 =	sor.u32 s14, s15;
	[tilespmem:v54+s8+$0x0] =	vst.idx.msk $0xffff, v50  }
0xed: {  	v56 =	vor.u32 v30, v35;
	s22 =	sor.u32 s12, s0;
	s0 =	sor.u32 s12, s15;
	v48 =	vld [tilespmem:s9+$0x180];
	[smem:$0x7C2] =	sst s3  }
0xee: {  	s1 =	sadd.s32 $0x4880, s2;
	[smem:$0x7C3] =	sst s0  }
0xef: {  	s15 =	sor.u32 s14, s1;
	[tilespmem:v55+s8+$0x0] =	vst.idx.msk $0xffff, v41  }
0xf0: {  	v57 =	vor.u32 v24, v34;
	s1 =	sor.u32 s12, s1;
	v50 =	vld [tilespmem:s18+$0x180];
	[smem:$0x7C4] =	sst s15  }
0xf1: {  	s3 =	sadd.s32 $0x4900, s2;
	v41 =	vld [tilespmem:s4+$0x0];
	[smem:$0x7C5] =	sst s1  }
0xf2: {  	s4 =	sor.u32 s14, s3;
	[tilespmem:v56+s8+$0x0] =	vst.idx.msk $0xffff, v44  }
0xf3: {  	v58 =	vor.u32 v9, v33;
	s0 =	sor.u32 s12, s3;
	[smem:$0x7C6] =	sst s4  }
0xf4: {  	s15 =	sadd.s32 $0x4980, s2;
	v44 =	vld [tilespmem:s6+$0x0];
	[smem:$0x7C7] =	sst s0  }
0xf5: {  	s3 =	sor.u32 s14, s15;
	[tilespmem:v57+s8+$0x0] =	vst.idx.msk $0xffff, v46  }
0xf6: {  	v59 =	vor.u32 v20, v38;
	s1 =	sor.u32 s12, s15;
	[smem:$0x7C8] =	sst s3  }
0xf7: {  	s4 =	sadd.s32 $0x4A00, s2;
	v46 =	vld [tilespmem:s30+$0x0];
	[smem:$0x7C9] =	sst s1  }
0xf8: {  	v60 =	vor.u32 v4, v37;
	s6 =	sor.u32 s14, s4;
	[tilespmem:v58+s8+$0x0] =	vst.idx.msk $0xffff, v40  }
0xf9: {  	v61 =	vor.u32 v15, v36;
	s0 =	sor.u32 s12, s4;
	[dreg:$0x1d] =	wrdreg s6  }
0xfa: {  	v62 =	vor.u32 v31, v35;
	s15 =	sadd.s32 $0x4A80, s2;
	v40 =	vld [tilespmem:s29+$0x0];
	[dreg:$0x1b] =	wrdreg s0  }
0xfb: {  	v63 =	vor.u32 v25, v34;
	s3 =	sor.u32 s14, s15;
	[tilespmem:v59+s8+$0x0] =	vst.idx.msk $0xffff, v48  }
0xfc: {  	v52 =	vor.u32 v10, v33;
	[dreg:$0x19] =	wrdreg s3  }
0xfd: {  	s4 =	sadd.s32 $0x4B00, s2;
	[tilespmem:v60+s8+$0x0] =	vst.idx.msk $0xffff, v50  }
0xfe: {  	s28 =	sor.u32 s12, s4;
	s6 =	sadd.s32 $0x4B80, s2;
	[tilespmem:v61+s8+$0x0] =	vst.idx.msk $0xffff, v41  }
0xff: {  	s30 =	sor.u32 s12, s15;
	s29 =	sor.u32 s14, s4;
	s15 =	sor.u32 s14, s6;
	[tilespmem:v62+s8+$0x0] =	vst.idx.msk $0xffff, v44  }
0x100: {  	s14 =	sor.u32 s12, s6;
	s12 =	sor.u32 s16, s25;
	s16 =	sadd.s32 $0x1800, s19;
	v48 =	vld [tilespmem:s9+$0x200];
	[tilespmem:v63+s8+$0x0] =	vst.idx.msk $0xffff, v46  }
0x101: {  	s1 =	sor.u32 s20, s16;
	v41 =	vld [tilespmem:s10+$0x0];
	s6 =	sld [smem:$0x7CA];
	[tilespmem:v52+s8+$0x0] =	vst.idx.msk $0xffff, v40  }
0x102: {  	v53 =	vor.u32 v18, v38;
	s4 =	sor.u32 s17, s16;
	s10 =	simm.s32 $0x40;
	v44 =	vld [tilespmem:s11+$0x0];
	s11 =	sld [smem:$0x7CB]  }
0x103: {  	v50 =	vld [tilespmem:s18+$0x200];
	s2 =	sor.u32 s10, s25;
	s25 =	sadd.s32 $0x1880, s19;
	s10 =	sadd.s32 $0x1900, s19  }
0x104: {  	s0 =	sor.u32 s17, s25;
	s16 =	sor.u32 s20, s25;
	s25 =	sor.u32 s20, s10;
	v46 =	vld [tilespmem:s6+$0x0]  }
0x105: {  	v54 =	vor.u32 v5, v37;
	s3 =	sor.u32 s17, s10;
	v40 =	vld [tilespmem:s11+$0x0];
	[smem:$0x7CC] =	sst s25  }
0x106: {  	v55 =	vor.u32 v16, v36;
	s10 =	sadd.s32 $0x1980, s19;
	[smem:$0x7CD] =	sst s3  }
0x107: {  	s11 =	sor.u32 s20, s10;
	[tilespmem:v53+s8+$0x0] =	vst.idx.msk $0xffff, v48  }
0x108: {  	v56 =	vor.u32 v32, v35;
	s3 =	sor.u32 s17, s10;
	v39 =	vld [tilespmem:s9+$0x280];
	[smem:$0x7CE] =	sst s11  }
0x109: {  	[smem:$0x7CF] =	sst s3  }
0x10a: {  	[tilespmem:v54+s8+$0x0] =	vst.idx.msk $0xffff, v50  }
0x10b: {  	[tilespmem:v55+s8+$0x0] =	vst.idx.msk $0xffff, v41;
	v49 =	vld [tilespmem:s18+$0x280];
	s18 =	smov.u32 s7;
	s7 =	simm.s32 $0x4  }
0x10c: {  	v57 =	vor.u32 v26, v34;
	s3 =	sadd.s32 $0x1A00, s19;
	[smem:$0x7D0] =	sst s7  }
0x10d: {  	v58 =	vor.u32 v11, v33;
	s25 =	simm.s32 $0x4;
	v41 =	vld [tilespmem:s23+$0x0];
	[tilespmem:v56+s8+$0x0] =	vst.idx.msk $0xffff, v44;
	s23 =	sor.u32 s20, s3  }
0x10e: {  	s11 =	sand.u32 $0x7, s25;
	s25 =	simm.s32 $0x2;
	[smem:$0x7D1] =	sst s23  }
0x10f: {  	s3 =	sor.u32 s17, s3;
	[smem:$0x7D2] =	sst s25  }
0x110: {  	v59 =	vor.u32 v21, v38;
	v44 =	vld [tilespmem:s31+$0x0];
	[smem:$0x7D3] =	sst s3  }
0x111: {  	s10 =	simm.s32 $0x2;
	s6 =	sshll.u32 s11, $0x4;
	[tilespmem:v57+s8+$0x0] =	vst.idx.msk $0xffff, v46  }
0x112: {  	s7 =	sand.u32 $0x3, s10;
	s10 =	sadd.s32 $0x200, s6;
	s23 =	sld [smem:$0x7D4];
	[tilespmem:v58+s8+$0x0] =	vst.idx.msk $0xffff, v40  }
0x113: {  	v60 =	vor.u32 v6, v37;
	s3 =	sadd.s32 $0x10, s10;
	s10 =	sld [smem:$0x7D5]  }
0x114: {  	s11 =	sshll.u32 s7, $0x5;
	s25 =	sadd.s32 $0x1A80, s19  }
0x115: {  	s6 =	sadd.s32 $0x200, s11;
	s11 =	sor.u32 s20, s25;
	[tilespmem:v59+s8+$0x0] =	vst.idx.msk $0xffff, v39;
	v46 =	vld [tilespmem:s23+$0x0]  }
0x116: {  	v61 =	vor.u32 v28, v36;
	s25 =	sor.u32 s17, s25;
	s3 =	sor.u32 $0x300, s3;
	v40 =	vld [tilespmem:s10+$0x0];
	[smem:$0x7D6] =	sst s11  }
0x117: {  	s23 =	sadd.s32 $0x1B00, s19;
	v39 =	vld [tilespmem:s3+$0x0];
	[smem:$0x7D7] =	sst s25  }
0x118: {  	s11 =	sor.u32 s20, s23;
	[tilespmem:v60+s8+$0x0] =	vst.idx.msk $0xffff, v49  }
0x119: {  	v62 =	vor.u32 v0, v35;
	s7 =	sor.u32 $0x300, s6;
	s23 =	sor.u32 s17, s23;
	[smem:$0x7D8] =	sst s11  }
0x11a: {  	s25 =	sadd.s32 $0x1B80, s19;
	v49 =	vld [tilespmem:s7+$0x0];
	[smem:$0x7D9] =	sst s23  }
0x11b: {  	v63 =	vor.u32 v27, v34;
	s10 =	sld [smem:$0x7DA];
	s11 =	sor.u32 s20, s25;
	[tilespmem:v61+s8+$0x0] =	vst.idx.msk $0xffff, v41  }
0x11c: {  	s3 =	sor.u32 s17, s25;
	v41 =	vld [tilespmem:s13+$0x0];
	[smem:$0x7DB] =	sst s11  }
0x11d: {  	s9 =	smov.u32 s26;
	s26 =	sadd.s32 $0x3000, s19;
	[smem:$0x7DC] =	sst s3  }
0x11e: {  	s13 =	sor.u32 s20, s26;
	[tilespmem:v62+s8+$0x0] =	vst.idx.msk $0xffff, v44  }
0x11f: {  	[smem:$0x7DD] =	sst s13  }
0x120: {  	[tilespmem:v63+s8+$0x0] =	vst.idx.msk $0xffff, v46  }
0x121: {  	v52 =	vor.u32 v12, v33;
	s31 =	sor.u32 s17, s26;
	s26 =	sld [smem:$0x7DE]  }
0x122: {  	s23 =	sadd.s32 $0x3080, s19  }
0x123: {  	s11 =	sor.u32 s20, s23;
	v44 =	vld [tilespmem:s22+$0x0]  }
0x124: {  	s3 =	sor.u32 s17, s23;
	v46 =	vld [tilespmem:s26+$0x0];
	[smem:$0x7DF] =	sst s11  }
0x125: {  	[smem:$0x7E0] =	sst s3  }
0x126: {  	v53 =	vor.u32 v22, v38;
	[tilespmem:v52+s8+$0x0] =	vst.idx.msk $0xffff, v40  }
0x127: {  	v54 =	vor.u32 v7, v37;
	s25 =	sadd.s32 $0x3100, s19;
	s22 =	sld [smem:$0x7E2]  }
0x128: {  	s13 =	sor.u32 s20, s25  }
0x129: {  	s23 =	sor.u32 s17, s25;
	[smem:$0x7E1] =	sst s13  }
0x12a: {  	v55 =	vor.u32 v17, v36;
	v40 =	vld [tilespmem:s22+$0x0];
	[smem:$0x7E3] =	sst s23  }
0x12b: {  	s26 =	sadd.s32 $0x3180, s19;
	[tilespmem:v53+s8+$0x0] =	vst.idx.msk $0xffff, v39  }
0x12c: {  	s25 =	sor.u32 $0x380, s12;
	s7 =	sor.u32 s20, s26;
	[tilespmem:v54+s8+$0x0] =	vst.idx.msk $0xffff, v49  }
0x12d: {  	s2 =	sor.u32 $0x380, s2;
	s12 =	sor.u32 s17, s26;
	v39 =	vld [tilespmem:s25+$0x0];
	[smem:$0x7E4] =	sst s7  }
0x12e: {  	v49 =	vld [tilespmem:s2+$0x0];
	[smem:$0x7E5] =	sst s12  }
0x12f: {  	v56 =	vor.u32 v2, v35;
	[tilespmem:v55+s8+$0x0] =	vst.idx.msk $0xffff, v41  }
0x130: {  	s11 =	sadd.s32 $0x3200, s19;
	s23 =	sld [smem:$0x7E7]  }
0x131: {  	s13 =	sor.u32 s20, s11  }
0x132: {  	v57 =	vor.u32 v29, v34;
	s3 =	sor.u32 s17, s11;
	[smem:$0x7E6] =	sst s13  }
0x133: {  	s22 =	sadd.s32 $0x3280, s19;
	v41 =	vld [tilespmem:s23+$0x0];
	[smem:$0x7E8] =	sst s3  }
0x134: {  	s25 =	sor.u32 s20, s22;
	[tilespmem:v56+s8+$0x0] =	vst.idx.msk $0xffff, v44  }
0x135: {  	s2 =	sor.u32 s17, s22;
	[smem:$0x7E9] =	sst s25  }
0x136: {  	v44 =	vld [tilespmem:s21+$0x0];
	[smem:$0x7EA] =	sst s2  }
0x137: {  	v58 =	vor.u32 v13, v33;
	[tilespmem:v57+s8+$0x0] =	vst.idx.msk $0xffff, v46  }
0x138: {  	s26 =	sadd.s32 $0x3300, s19;
	s12 =	sld [smem:$0x7EC]  }
0x139: {  	s7 =	sor.u32 s20, s26  }
0x13a: {  	s3 =	sor.u32 s17, s26;
	[smem:$0x7EB] =	sst s7  }
0x13b: {  	v46 =	vld [tilespmem:s12+$0x0];
	[smem:$0x7ED] =	sst s3  }
0x13c: {  	v59 =	vor.u32 v23, v38;
	[tilespmem:v58+s8+$0x0] =	vst.idx.msk $0xffff, v40  }
0x13d: {  	s11 =	sadd.s32 $0x3380, s19;
	s22 =	sld [smem:$0x7EF]  }
0x13e: {  	s13 =	sor.u32 s20, s11  }
0x13f: {  	v60 =	vor.u32 v8, v37;
	s2 =	sor.u32 s17, s11;
	[smem:$0x7EE] =	sst s13  }
0x140: {  	s21 =	sadd.s32 $0x4800, s19;
	v43 =	vld [tilespmem:s22+$0x0];
	[smem:$0x7F0] =	sst s2  }
0x141: {  	v61 =	vor.u32 v19, v36;
	s23 =	sor.u32 s20, s21;
	[tilespmem:v59+s8+$0x0] =	vst.idx.msk $0xffff, v39  }
0x142: {  	v62 =	vor.u32 v3, v35;
	s3 =	sor.u32 s17, s21;
	[smem:$0x7F1] =	sst s23  }
0x143: {  	v63 =	vor.u32 v30, v34;
	s25 =	sadd.s32 $0x4880, s19;
	v48 =	vld [tilespmem:s4+$0x0];
	[smem:$0x7F2] =	sst s3  }
0x144: {  	s26 =	sor.u32 s20, s25;
	[tilespmem:v60+s8+$0x0] =	vst.idx.msk $0xffff, v49  }
0x145: {  	[smem:$0x7F3] =	sst s26  }
0x146: {  	v51 =	vor.u32 v14, v33;
	s4 =	sadd.s32 $0x4900, s19;
	[tilespmem:v61+s8+$0x0] =	vst.idx.msk $0xffff, v41  }
0x147: {  	s23 =	sor.u32 s20, s4;
	s7 =	sld [smem:$0x7F4];
	[tilespmem:v62+s8+$0x0] =	vst.idx.msk $0xffff, v44  }
0x148: {  	v52 =	vor.u32 v24, v38;
	s26 =	sor.u32 s17, s25;
	s25 =	sor.u32 s17, s4;
	s4 =	sld [smem:$0x7F5];
	[tilespmem:v63+s8+$0x0] =	vst.idx.msk $0xffff, v46  }
0x149: {  	s12 =	sld [smem:$0x7F6]  }
0x14a: {  	s6 =	sadd.s32 $0x4980, s19;
	v53 =	vor.u32 v9, v37;
	s11 =	sadd.s32 $0x4A00, s19;
	v50 =	vld [tilespmem:s1+$0x0]  }
0x14b: {  	v55 =	vor.u32 v20, v36;
	s21 =	sor.u32 s17, s6;
	s13 =	sor.u32 s20, s11;
	s22 =	sor.u32 s20, s6;
	[tilespmem:v51+s8+$0x0] =	vst.idx.msk $0xffff, v43;
	v54 =	vld [tilespmem:s7+$0x0]  }
0x14c: {  	s6 =	sadd.s32 $0x4A80, s19;
	s2 =	simm.s32 $0xC000;
	v41 =	vld [tilespmem:s12+$0x0];
	s12 =	sld [smem:$0x7F7]  }
0x14d: {  	v47 =	vor.u32 v4, v35;
	s7 =	sor.u32 s17, s11;
	v45 =	vld [tilespmem:s4+$0x0];
	s4 =	sadd.s32 $0x4B00, s19;
	s19 =	sadd.s32 $0x4B80, s19;
	[tilespmem:v52+s8+$0x0] =	vst.idx.msk $0xffff, v48  }
0x14e: {  	v40 =	vor.u32 v5, v38;
	v39 =	vor.u32 v5, v35;
	v44 =	vor.u32 v31, v34;
	s11 =	sor.u32 s20, s6;
	s3 =	sor.u32 s17, s4;
	s8 =	sor.u32 s20, s19;
	v49 =	vld [tilespmem:s0+$0x0]  }
0x14f: {  	v46 =	vor.u32 v18, v36;
	v43 =	vor.u32 v15, v33;
	[tilespmem:v53+s2+$0x0] =	vst.idx.msk $0xffff, v50;
	v42 =	vld [tilespmem:s12+$0x0];
	s12 =	sor.u32 s17, s6;
	s6 =	sor.u32 s20, s4;
	s4 =	sor.u32 s17, s19  }
0x150: {  	v48 =	vor.u32 v25, v38;
	v50 =	vor.u32 v10, v37;
	v51 =	vld [tilespmem:s16+$0x0];
	[tilespmem:v55+s2+$0x0] =	vst.idx.msk $0xffff, v54;
	s17 =	simm.s32 $0x4;
	s19 =	simm.s32 $0x300;
	s20 =	simm.s32 $0x60  }
.LBB2_4:
0x151: {  	[smem:$0x797] =	sst s31  }
0x152: {  	[smem:$0x799] =	sst s22  }
0x153: {  	[smem:$0x7A0] =	sst s4  }
0x154: {  	[smem:$0x7A4] =	sst s13  }
0x155: {  	[smem:$0x79E] =	sst s8  }
0x156: {  	[smem:$0x795] =	sst s25  }
0x157: {  	[smem:$0x79B] =	sst s21  }
0x158: {  	[smem:$0x7AA] =	sst s11  }
0x159: {  	[smem:$0x79D] =	sst s15  }
0x15a: {  	[smem:$0x794] =	sst s26  }
0x15b: {  	[smem:$0x79F] =	sst s14  }
0x15c: {  	[smem:$0x7B3] =	sst s29  }
0x15d: {  	[smem:$0x7B7] =	sst s3  }
0x15e: {  	[smem:$0x7AD] =	sst s12  }
0x15f: {  	[smem:$0x7AC] =	sst s30  }
0x160: {  	[smem:$0x7A6] =	sst s7  }
0x161: {  	[smem:$0x7B6] =	sst s28  }
0x162: {  	[smem:$0x7B4] =	sst s6  }
0x163: {  	s0 =	sadd.s32 $0x10, s20;
	s14 =	sld [smem:$0x7CD]  }
0x164: {  	s6 =	sand.u32 $0x60, s20;
	v53 =	vld [tilespmem:s5+$0x0];
	[tilespmem:v47+s2+$0x0] =	vst.idx.msk $0xffff, v45;
	s26 =	sand.u32 $0x1C00, s19;
	[smem:$0x7A2] =	sst s0  }
0x165: {  	s5 =	sand.u32 $0x70, s0;
	v54 =	vld [tilespmem:s24+$0x0];
	s3 =	sadd.s32 $0x1800, s26;
	s24 =	sld [smem:$0x7CC]  }
0x166: {  	v59 =	vor.u32 s0, v0;
	s8 =	sor.u32 s6, s3;
	s0 =	sor.u32 s5, s3;
	s3 =	sld [smem:$0x7CE]  }
0x167: {  	s1 =	sadd.s32 $0x1880, s26;
	[smem:$0x7B0] =	sst s8  }
0x168: {  	s11 =	sor.u32 s5, s1;
	[smem:$0x7AF] =	sst s0  }
0x169: {  	s4 =	sadd.s32 $0x1900, s26;
	s12 =	sor.u32 s6, s1;
	[smem:$0x7B8] =	sst s11  }
0x16a: {  	s7 =	simm.s32 $0xC000;
	s13 =	sor.u32 s6, s4;
	[smem:$0x7B9] =	sst s12  }
0x16b: {  	s16 =	sadd.s32 $0x1980, s26;
	s15 =	sor.u32 s5, s4;
	[smem:$0x78E] =	sst s13  }
0x16c: {  	s21 =	sadd.s32 $0x1A00, s26;
	s25 =	sor.u32 s6, s16;
	[smem:$0x7CD] =	sst s15;
	[tilespmem:v43+s7+$0x0] =	vst.idx.msk $0xffff, v42  }
0x16d: {  	s22 =	sadd.s32 $0x1A80, s26;
	s4 =	sor.u32 s6, s21;
	[smem:$0x78F] =	sst s25;
	[tilespmem:v48+s7+$0x0] =	vst.idx.msk $0xffff, v49  }
0x16e: {  	v45 =	vor.u32 v16, v33;
	[tilespmem:v44+s2+$0x0] =	vst.idx.msk $0xffff, v41;
	s28 =	sor.u32 s5, s22;
	[smem:$0x790] =	sst s4;
	v62 =	vld [tilespmem:s9+$0x0]  }
0x16f: {  	v52 =	vmov s20;
	v41 =	vor.u32 v32, v34;
	v34 =	vmovc v36;
	v36 =	vmov v37;
	v61 =	vld [tilespmem:s10+$0x0];
	s10 =	sadd.s32 $0x1B00, s26;
	s30 =	sor.u32 s5, s26;
	s8 =	sld [smem:$0x7BD];
	[tilespmem:v50+s7+$0x0] =	vst.idx.msk $0xffff, v51  }
0x170: {  	v33 =	vmovc v35;
	v35 =	vmov v38;
	v58 =	vshll.u32 v52, $0x5;
	v57 =	vor.u32 v11, v36;
	s1 =	sadd.s32 $0x3080, s26;
	s0 =	sor.u32 s5, s16;
	v50 =	vld [tilespmem:s24+$0x0];
	s9 =	sld [smem:$0x7BE]  }
0x171: {  	v37 =	vor.u32 v1, v58;
	v58 =	vor.u32 v26, v35;
	s25 =	sor.u32 s6, s22;
	s11 =	sadd.s32 $0x1B80, s26;
	s12 =	sor.u32 s6, s10;
	[tilespmem:v46+s7+$0x0] =	vst.idx.msk $0xffff, v53;
	v49 =	vld [tilespmem:s14+$0x0]  }
0x172: {  	v38 =	vshll.u32 v59, $0x5;
	v60 =	vand.u32 $0x1F, v59;
	v59 =	vor.u32 v21, v34;
	s15 =	sor.u32 s5, s10;
	s4 =	sor.u32 s6, s1;
	s10 =	sld [smem:$0x7CF];
	v46 =	vld [tilespmem:s8+$0x0];
	[tilespmem:v39+s7+$0x0] =	vst.idx.msk $0xffff, v54  }
0x173: {  	v43 =	vor.u32 v60, v38;
	[smem:$0x791] =	sst s0;
	v60 =	vor.u32 v6, v33;
	s13 =	sor.u32 s6, s11;
	s16 =	sor.u32 s5, s11;
	v55 =	vld [tilespmem:s9+$0x0];
	[tilespmem:v45+s7+$0x0] =	vst.idx.msk $0xffff, v62  }
0x174: {  	[smem:$0x7A1] =	sst s4;
	s24 =	sor.u32 s5, s21;
	s21 =	sor.u32 s6, s26;
	[tilespmem:v41+s7+$0x0] =	vst.idx.msk $0xffff, v61;
	v61 =	vld [tilespmem:s30+$0x0]  }
0x175: {  	[smem:$0x792] =	sst s13;
	s13 =	sadd.s32 $0x3180, s26;
	s14 =	sadd.s32 $0x3000, s26;
	v62 =	vld [tilespmem:s21+$0x0];
	[tilespmem:v57+s7+$0x0] =	vst.idx.msk $0xffff, v50  }
0x176: {  	v63 =	vor.u32 v5, v38;
	v42 =	vor.u32 v0, v37;
	s22 =	sor.u32 s6, s14;
	s0 =	sor.u32 s5, s14;
	s14 =	sld [smem:$0x7BF];
	[tilespmem:v58+s7+$0x0] =	vst.idx.msk $0xffff, v49  }
0x177: {  	[smem:$0x793] =	sst s16;
	v39 =	vmov v40;
	v40 =	vmov v63;
	s16 =	sor.u32 s6, s13;
	v63 =	vld [tilespmem:s3+$0x0];
	[tilespmem:v59+s7+$0x0] =	vst.idx.msk $0xffff, v46  }
0x178: {  	s4 =	sadd.s32 $0x3300, s26;
	s8 =	sadd.s32 $0x3100, s26;
	[smem:$0x7B1] =	sst s16;
	v45 =	vor.u32 v12, v36;
	v58 =	vld [tilespmem:s10+$0x0];
	[tilespmem:v60+s7+$0x0] =	vst.idx.msk $0xffff, v55  }
0x179: {  	v56 =	vor.u32 v27, v35;
	s2 =	sor.u32 s5, s13;
	s11 =	sor.u32 s6, s8;
	[smem:$0x796] =	sst s22;
	v46 =	vld [tilespmem:s14+$0x0];
	[tilespmem:v43+s7+$0x0] =	vst.idx.msk $0xffff, v61  }
0x17a: {  	s13 =	sadd.s32 $0x4800, s26;
	s16 =	sadd.s32 $0x4880, s26;
	[smem:$0x7A8] =	sst s11;
	v59 =	vor.u32 v7, v33;
	v43 =	vld [tilespmem:s18+$0x0]  }
0x17b: {  	s22 =	sadd.s32 $0x3200, s26;
	s11 =	sld [smem:$0x7D1];
	s31 =	sor.u32 s6, s16;
	v60 =	vor.u32 v17, v38;
	[tilespmem:v42+s7+$0x0] =	vst.idx.msk $0xffff, v62;
	v62 =	vld [tilespmem:s30+$0x80]  }
0x17c: {  	s9 =	sor.u32 s5, s1;
	s1 =	sor.u32 s5, s4;
	s14 =	sld [smem:$0x7D3]  }
0x17d: {  	[smem:$0x7A3] =	sst s9;
	s9 =	sor.u32 s5, s22;
	v52 =	vld [tilespmem:s21+$0x80];
	[tilespmem:v45+s7+$0x0] =	vst.idx.msk $0xffff, v63;
	s18 =	sor.u32 s6, s22  }
0x17e: {  	s22 =	sor.u32 s6, s4;
	[tilespmem:v56+s7+$0x0] =	vst.idx.msk $0xffff, v58;
	s4 =	sor.u32 s5, s16;
	s16 =	sld [smem:$0x7C1]  }
0x17f: {  	[smem:$0x798] =	sst s0;
	s0 =	sor.u32 s5, s8;
	s10 =	sadd.s32 $0x3380, s26;
	v50 =	vld [tilespmem:s14+$0x0];
	[tilespmem:v59+s7+$0x0] =	vst.idx.msk $0xffff, v43  }
0x180: {  	[smem:$0x7A9] =	sst s0;
	s29 =	sor.u32 s6, s10;
	v47 =	vld [tilespmem:s11+$0x0];
	s11 =	sor.u32 s5, s10;
	[tilespmem:v60+s7+$0x0] =	vst.idx.msk $0xffff, v62  }
0x181: {  	v57 =	vor.u32 v22, v34;
	s10 =	sor.u32 s6, s13;
	s14 =	smov.u32 s23;
	v44 =	vld [tilespmem:s16+$0x0];
	s16 =	sadd.s32 $0x4980, s26  }
0x182: {  	v61 =	vor.u32 v2, v37;
	s23 =	sor.u32 s5, s13;
	s13 =	sld [smem:$0x7C0];
	s0 =	sor.u32 s6, s16  }
0x183: {  	v63 =	vor.u32 v13, v36;
	s16 =	sor.u32 s5, s16;
	[smem:$0x79A] =	sst s0;
	s0 =	sadd.s32 $0x4A00, s26  }
0x184: {  	[smem:$0x79C] =	sst s16;
	s16 =	sor.u32 s6, s0;
	s0 =	sor.u32 s5, s0  }
0x185: {  	[smem:$0x7A7] =	sst s0  }
0x186: {  	[tilespmem:v57+s7+$0x0] =	vst.idx.msk $0xffff, v46;
	s0 =	sld [smem:$0x7D6]  }
0x187: {  	v46 =	vld [tilespmem:s13+$0x0];
	[tilespmem:v61+s7+$0x0] =	vst.idx.msk $0xffff, v52  }
0x188: {  	v56 =	vor.u32 v29, v35;
	v52 =	vld [tilespmem:s21+$0x100];
	[tilespmem:v63+s7+$0x0] =	vst.idx.msk $0xffff, v47;
	[smem:$0x7A5] =	sst s16;
	s16 =	sadd.s32 $0x4A80, s26  }
0x189: {  	v47 =	vld [tilespmem:s0+$0x0];
	s0 =	sor.u32 s6, s16;
	s16 =	sor.u32 s5, s16  }
0x18a: {  	[smem:$0x7AE] =	sst s16  }
0x18b: {  	s16 =	sld [smem:$0x7D7];
	_ =	sdelay $0x1  }
0x18c: {  	v57 =	vor.u32 v23, v34;
	v51 =	vld [tilespmem:s30+$0x100];
	[tilespmem:v56+s7+$0x0] =	vst.idx.msk $0xffff, v50;
	[smem:$0x7AB] =	sst s0;
	s0 =	sadd.s32 $0x4B00, s26  }
0x18d: {  	v50 =	vld [tilespmem:s16+$0x0];
	s16 =	sor.u32 s6, s0  }
0x18e: {  	v58 =	vor.u32 v8, v33;
	[smem:$0x7B5] =	sst s16  }
0x18f: {  	s3 =	sadd.s32 $0x3280, s26;
	v59 =	vor.u32 v19, v38;
	s16 =	sld [smem:$0x7C2]  }
0x190: {  	[smem:$0x7B2] =	sst s2;
	s8 =	sor.u32 s6, s3;
	s13 =	sadd.s32 $0x4900, s26  }
0x191: {  	s2 =	sor.u32 s5, s3;
	s3 =	sor.u32 s6, s13;
	[tilespmem:v57+s7+$0x0] =	vst.idx.msk $0xffff, v46;
	s26 =	sadd.s32 $0x4B80, s26  }
0x192: {  	v46 =	vld [tilespmem:s16+$0x0];
	s16 =	sor.u32 s6, s26;
	s6 =	sor.u32 s5, s26;
	s26 =	sld [smem:$0x7C3]  }
0x193: {  	[tilespmem:v58+s7+$0x0] =	vst.idx.msk $0xffff, v44  }
0x194: {  	[tilespmem:v59+s7+$0x0] =	vst.idx.msk $0xffff, v51  }
0x195: {  	v44 =	vld [tilespmem:s26+$0x0];
	s26 =	sld [smem:$0x78E];
	_ =	sdelay $0x1  }
0x196: {  	s13 =	sor.u32 s5, s13  }
0x197: {  	s0 =	sor.u32 s5, s0;
	s5 =	smov.u32 s26;
	s26 =	sld [smem:$0x78F]  }
0x198: {  	_ = 	snop  }
0x199: {  	[smem:$0x7CC] =	sst s5  }
0x19a: {  	s5 =	smov.u32 s26;
	s26 =	sld [smem:$0x790];
	_ =	sdelay $0x1  }
0x19b: {  	[smem:$0x7CE] =	sst s5  }
0x19c: {  	s5 =	smov.u32 s26;
	s26 =	sld [smem:$0x791];
	_ =	sdelay $0x2  }
0x19d: {  	[smem:$0x7D1] =	sst s5;
	s5 =	smov.u32 s26  }
0x19e: {  	s26 =	smov.u32 s25;
	[smem:$0x7CF] =	sst s5  }
0x19f: {  	s25 =	smov.u32 s28;
	[smem:$0x7D6] =	sst s26  }
0x1a0: {  	v60 =	vor.u32 v3, v37;
	[smem:$0x7D7] =	sst s25  }
0x1a1: {  	v61 =	vor.u32 v14, v36;
	s26 =	smov.u32 s24;
	s25 =	sld [smem:$0x7E6]  }
0x1a2: {  	[smem:$0x7D3] =	sst s26  }
0x1a3: {  	s24 =	smov.u32 s12;
	s26 =	sld [smem:$0x7D8]  }
0x1a4: {  	v63 =	vor.u32 v24, v34;
	[smem:$0x7D8] =	sst s24  }
0x1a5: {  	[tilespmem:v60+s7+$0x0] =	vst.idx.msk $0xffff, v52;
	s24 =	smov.u32 s15;
	s15 =	sld [smem:$0x7C4]  }
0x1a6: {  	v52 =	vld [tilespmem:s21+$0x180];
	[tilespmem:v61+s7+$0x0] =	vst.idx.msk $0xffff, v47;
	s5 =	smov.u32 s25;
	s25 =	sld [smem:$0x7E8]  }
0x1a7: {  	v47 =	vld [tilespmem:s26+$0x0];
	s26 =	smov.u32 s18;
	s18 =	sld [smem:$0x7D9]  }
0x1a8: {  	v62 =	vor.u32 v30, v35;
	[smem:$0x7D9] =	sst s24  }
0x1a9: {  	v56 =	vor.u32 v9, v33;
	v51 =	vld [tilespmem:s30+$0x180];
	[tilespmem:v63+s7+$0x0] =	vst.idx.msk $0xffff, v46;
	[smem:$0x7E6] =	sst s26  }
0x1aa: {  	v57 =	vor.u32 v20, v38;
	v46 =	vld [tilespmem:s15+$0x0];
	s15 =	sld [smem:$0x7C5]  }
0x1ab: {  	s26 =	smov.u32 s9;
	s9 =	smov.u32 s22;
	s22 =	sld [smem:$0x7EE]  }
0x1ac: {  	[smem:$0x7E8] =	sst s26  }
0x1ad: {  	[tilespmem:v62+s7+$0x0] =	vst.idx.msk $0xffff, v50;
	s26 =	smov.u32 s8;
	s8 =	sld [smem:$0x7EA]  }
0x1ae: {  	v50 =	vld [tilespmem:s18+$0x0];
	[tilespmem:v56+s7+$0x0] =	vst.idx.msk $0xffff, v44;
	s18 =	sld [smem:$0x7E9]  }
0x1af: {  	[smem:$0x7E9] =	sst s26;
	[tilespmem:v57+s7+$0x0] =	vst.idx.msk $0xffff, v51  }
0x1b0: {  	s12 =	smov.u32 s8;
	v44 =	vld [tilespmem:s15+$0x0];
	s15 =	smov.u32 s1;
	s1 =	sld [smem:$0x7D2]  }
0x1b1: {  	[smem:$0x7BE] =	sst s12  }
0x1b2: {  	s12 =	sld [smem:$0x7ED]  }
0x1b3: {  	[smem:$0x7ED] =	sst s15  }
0x1b4: {  	s24 =	smov.u32 s25;
	s25 =	smov.u32 s18;
	s15 =	sld [smem:$0x792]  }
0x1b5: {  	s18 =	smov.u32 s2;
	[smem:$0x7BD] =	sst s25  }
0x1b6: {  	[smem:$0x7EA] =	sst s18  }
0x1b7: {  	s25 =	sld [smem:$0x7EB]  }
0x1b8: {  	s2 =	smov.u32 s29;
	[smem:$0x7EB] =	sst s9  }
0x1b9: {  	[smem:$0x7EE] =	sst s2  }
0x1ba: {  	s2 =	smov.u32 s11;
	s11 =	sld [smem:$0x7C6]  }
0x1bb: {  	s9 =	sadd.s32 $0x1, s1;
	s18 =	smov.u32 s12;
	s12 =	sld [smem:$0x7DB]  }
0x1bc: {  	[smem:$0x7D2] =	sst s9;
	s26 =	smov.u32 s25  }
0x1bd: {  	v58 =	vor.u32 v4, v37;
	s25 =	smov.u32 s22;
	s22 =	smov.u32 s15;
	s15 =	sld [smem:$0x793]  }
0x1be: {  	[smem:$0x7BF] =	sst s26  }
0x1bf: {  	v59 =	vor.u32 v15, v36;
	[smem:$0x7C0] =	sst s25  }
0x1c0: {  	s26 =	sld [smem:$0x7D0]  }
0x1c1: {  	[smem:$0x7DB] =	sst s22  }
0x1c2: {  	v61 =	vor.u32 v25, v34;
	[tilespmem:v58+s7+$0x0] =	vst.idx.msk $0xffff, v52;
	s25 =	sld [smem:$0x7F0]  }
0x1c3: {  	v52 =	vld [tilespmem:s21+$0x200];
	v56 =	vor.u32 v5, v37;
	[smem:$0x7F0] =	sst s2  }
0x1c4: {  	[tilespmem:v59+s7+$0x0] =	vst.idx.msk $0xffff, v47;
	s2 =	smov.u32 s10;
	s10 =	sld [smem:$0x7C7]  }
0x1c5: {  	v47 =	vld [tilespmem:s12+$0x0];
	s12 =	sld [smem:$0x7DC];
	s22 =	smov.u32 s15  }
0x1c6: {  	[smem:$0x7DC] =	sst s22  }
0x1c7: {  	v60 =	vor.u32 v31, v35;
	[tilespmem:v61+s7+$0x0] =	vst.idx.msk $0xffff, v46;
	s8 =	sadd.s32 $0x2, s26;
	s26 =	smov.u32 s25;
	s25 =	sld [smem:$0x7F1]  }
0x1c8: {  	v46 =	vld [tilespmem:s11+$0x0];
	[tilespmem:v56+s7+$0x0] =	vst.idx.msk $0xffff, v52;
	[smem:$0x7F1] =	sst s2  }
0x1c9: {  	s9 =	sand.u32 $0x3, s9;
	v52 =	vld [tilespmem:s21+$0x280];
	s21 =	sld [smem:$0x799]  }
0x1ca: {  	s2 =	sshll.u32 s9, $0x5;
	s9 =	sld [smem:$0x79A]  }
0x1cb: {  	v62 =	vor.u32 v10, v33;
	s22 =	smov.u32 s23;
	s23 =	smov.u32 s3;
	s3 =	sld [smem:$0x7A0]  }
0x1cc: {  	v63 =	vor.u32 v18, v38;
	v51 =	vld [tilespmem:s30+$0x200];
	[tilespmem:v60+s7+$0x0] =	vst.idx.msk $0xffff, v50;
	[smem:$0x7C1] =	sst s26  }
0x1cd: {  	v50 =	vld [tilespmem:s12+$0x0];
	s12 =	sld [smem:$0x7F2]  }
0x1ce: {  	[smem:$0x7F2] =	sst s22  }
0x1cf: {  	[smem:$0x7D0] =	sst s8  }
0x1d0: {  	s11 =	smov.u32 s31;
	[tilespmem:v62+s7+$0x0] =	vst.idx.msk $0xffff, v44;
	s26 =	smov.u32 s25;
	s25 =	sld [smem:$0x7F3]  }
0x1d1: {  	[tilespmem:v63+s7+$0x0] =	vst.idx.msk $0xffff, v51;
	[smem:$0x7F3] =	sst s11  }
0x1d2: {  	v57 =	vor.u32 v16, v36;
	v44 =	vld [tilespmem:s10+$0x0];
	s10 =	sld [smem:$0x7DD]  }
0x1d3: {  	s11 =	sld [smem:$0x796]  }
0x1d4: {  	[smem:$0x7C2] =	sst s26  }
0x1d5: {  	s15 =	smov.u32 s12;
	s12 =	sld [smem:$0x794]  }
0x1d6: {  	[smem:$0x7C3] =	sst s15  }
0x1d7: {  	[tilespmem:v57+s7+$0x0] =	vst.idx.msk $0xffff, v47;
	s26 =	smov.u32 s25;
	s25 =	smov.u32 s14;
	s14 =	sld [smem:$0x798]  }
0x1d8: {  	v47 =	vld [tilespmem:s10+$0x0];
	s10 =	sld [smem:$0x79B]  }
0x1d9: {  	[smem:$0x7C4] =	sst s26  }
0x1da: {  	[smem:$0x7C6] =	sst s25  }
0x1db: {  	s26 =	smov.u32 s4;
	s4 =	sld [smem:$0x795]  }
0x1dc: {  	s15 =	smov.u32 s12;
	s25 =	smov.u32 s13;
	s13 =	sld [smem:$0x797]  }
0x1dd: {  	v58 =	vor.u32 v32, v35;
	s12 =	smov.u32 s11;
	[smem:$0x7C5] =	sst s15  }
0x1de: {  	s22 =	sand.u32 $0x7, s8;
	[smem:$0x7DD] =	sst s12  }
0x1df: {  	s1 =	sshll.u32 s22, $0x4;
	s22 =	smov.u32 s21;
	s15 =	sld [smem:$0x7C8]  }
0x1e0: {  	[smem:$0x7C8] =	sst s22  }
0x1e1: {  	s12 =	sld [smem:$0x79C]  }
0x1e2: {  	v59 =	vor.u32 v26, v34;
	v51 =	vld [tilespmem:s30+$0x280];
	[tilespmem:v58+s7+$0x0] =	vst.idx.msk $0xffff, v50;
	s31 =	smov.u32 s14;
	s14 =	sld [smem:$0x79E]  }
0x1e3: {  	v62 =	vor.u32 v6, v37;
	v50 =	vld [tilespmem:s13+$0x0];
	s13 =	sld [smem:$0x79D]  }
0x1e4: {  	s8 =	smov.u32 s4;
	s4 =	sld [smem:$0x7DF]  }
0x1e5: {  	v60 =	vor.u32 v11, v33;
	[smem:$0x7C7] =	sst s8  }
0x1e6: {  	v61 =	vor.u32 v21, v38;
	s11 =	smov.u32 s10;
	s8 =	sld [smem:$0x7C9]  }
0x1e7: {  	s2 =	sadd.s32 s2, s19;
	[tilespmem:v59+s7+$0x0] =	vst.idx.msk $0xffff, v46;
	[smem:$0x7C9] =	sst s11  }
0x1e8: {  	s2 =	sor.u32 $0x300, s2;
	s1 =	sadd.s32 s19, s1;
	v46 =	vld [tilespmem:s15+$0x0];
	[tilespmem:v62+s7+$0x0] =	vst.idx.msk $0xffff, v52;
	s11 =	sld [smem:$0x7A1]  }
0x1e9: {  	s1 =	sadd.s32 $0x10, s1;
	v52 =	vld [tilespmem:s2+$0x0];
	s2 =	sld [smem:$0x79F]  }
0x1ea: {  	v63 =	vor.u32 v28, v36;
	[tilespmem:v60+s7+$0x0] =	vst.idx.msk $0xffff, v44;
	s15 =	smov.u32 s14;
	s14 =	smov.u32 s3;
	s3 =	sld [smem:$0x7A7]  }
0x1eb: {  	v57 =	vor.u32 v27, v34;
	[tilespmem:v61+s7+$0x0] =	vst.idx.msk $0xffff, v51;
	s21 =	smov.u32 s12;
	s10 =	smov.u32 s13;
	s13 =	sld [smem:$0x7A2]  }
0x1ec: {  	v44 =	vld [tilespmem:s8+$0x0];
	s8 =	smov.u32 s16;
	s12 =	smov.u32 s11;
	s16 =	sld [smem:$0x7E0]  }
0x1ed: {  	s1 =	sor.u32 $0x300, s1;
	[smem:$0x7DF] =	sst s12  }
0x1ee: {  	v56 =	vor.u32 v0, v35;
	s22 =	smov.u32 s9;
	s9 =	smov.u32 s2;
	s2 =	sld [smem:$0x7A3]  }
0x1ef: {  	v58 =	vor.u32 v12, v33;
	v51 =	vld [tilespmem:s1+$0x0];
	[tilespmem:v63+s7+$0x0] =	vst.idx.msk $0xffff, v47;
	s12 =	rddreg [dreg:$0x1d]  }
0x1f0: {  	v59 =	vor.u32 v22, v38;
	v47 =	vld [tilespmem:s4+$0x0];
	s1 =	sor.u32 s13, s19;
	[tilespmem:v57+s7+$0x0] =	vst.idx.msk $0xffff, v46;
	s13 =	sld [smem:$0x7A4]  }
0x1f1: {  	s4 =	smov.u32 s6;
	s11 =	sor.u32 s20, s19;
	v46 =	vld [tilespmem:s12+$0x0];
	s12 =	sld [smem:$0x7A6]  }
0x1f2: {  	s6 =	smov.u32 s2;
	s2 =	sor.u32 $0x380, s11;
	s11 =	sld [smem:$0x7A5]  }
0x1f3: {  	v60 =	vor.u32 v7, v37;
	[tilespmem:v56+s7+$0x0] =	vst.idx.msk $0xffff, v50;
	[smem:$0x7E0] =	sst s6  }
0x1f4: {  	v50 =	vld [tilespmem:s16+$0x0];
	[tilespmem:v58+s7+$0x0] =	vst.idx.msk $0xffff, v44;
	s16 =	smov.u32 s13;
	s6 =	rddreg [dreg:$0x1b]  }
0x1f5: {  	v61 =	vor.u32 v17, v36;
	[dreg:$0x1d] =	wrdreg s16;
	[tilespmem:v59+s7+$0x0] =	vst.idx.msk $0xffff, v51  }
0x1f6: {  	v44 =	vld [tilespmem:s6+$0x0];
	s6 =	sld [smem:$0x7E1]  }
0x1f7: {  	s1 =	sor.u32 $0x380, s1;
	s13 =	smov.u32 s11;
	s11 =	sld [smem:$0x7A8]  }
0x1f8: {  	[tilespmem:v60+s7+$0x0] =	vst.idx.msk $0xffff, v52;
	s16 =	smov.u32 s12;
	v51 =	vld [tilespmem:s1+$0x0];
	s1 =	sld [smem:$0x7A9]  }
0x1f9: {  	v52 =	vld [tilespmem:s2+$0x0];
	s2 =	simm.s32 $0xC000;
	[dreg:$0x1b] =	wrdreg s16  }
0x1fa: {  	v62 =	vor.u32 v2, v35;
	[tilespmem:v61+s2+$0x0] =	vst.idx.msk $0xffff, v47;
	s16 =	sld [smem:$0x7E3];
	s12 =	smov.u32 s11  }
0x1fb: {  	v63 =	vor.u32 v29, v34;
	v47 =	vld [tilespmem:s6+$0x0];
	s6 =	smov.u32 s1;
	[smem:$0x7E1] =	sst s12  }
0x1fc: {  	[smem:$0x7E3] =	sst s6  }
0x1fd: {  	s12 =	sld [smem:$0x7AA]  }
0x1fe: {  	v56 =	vor.u32 v13, v33;
	s6 =	sld [smem:$0x7AB]  }
0x1ff: {  	v57 =	vor.u32 v23, v38;
	s7 =	smov.u32 s3;
	s3 =	sld [smem:$0x7AE];
	[tilespmem:v62+s2+$0x0] =	vst.idx.msk $0xffff, v50  }
0x200: {  	v50 =	vld [tilespmem:s16+$0x0];
	[tilespmem:v63+s2+$0x0] =	vst.idx.msk $0xffff, v46;
	s11 =	rddreg [dreg:$0x19]  }
0x201: {  	v46 =	vld [tilespmem:s11+$0x0];
	s16 =	smov.u32 s12;
	s11 =	smov.u32 s6;
	s6 =	sld [smem:$0x7AF]  }
0x202: {  	[dreg:$0x19] =	wrdreg s16  }
0x203: {  	v58 =	vor.u32 v8, v37;
	[tilespmem:v56+s2+$0x0] =	vst.idx.msk $0xffff, v44;
	s16 =	sld [smem:$0x7AD]  }
0x204: {  	[tilespmem:v57+s2+$0x0] =	vst.idx.msk $0xffff, v51;
	s12 =	sld [smem:$0x7AC]  }
0x205: {  	v59 =	vor.u32 v19, v36;
	v61 =	vld [tilespmem:s6+$0x0];
	s6 =	sld [smem:$0x7B1]  }
0x206: {  	s30 =	smov.u32 s16;
	s16 =	sld [smem:$0x7B0];
	_ =	sdelay $0x1  }
0x207: {  	[tilespmem:v58+s2+$0x0] =	vst.idx.msk $0xffff, v52;
	v53 =	vld [tilespmem:s12+$0x0];
	s12 =	smov.u32 s3;
	s3 =	sld [smem:$0x7E4]  }
0x208: {  	v62 =	vld [tilespmem:s16+$0x0];
	s16 =	smov.u32 s6;
	s6 =	sld [smem:$0x7B2]  }
0x209: {  	v48 =	vor.u32 v3, v35;
	[tilespmem:v59+s2+$0x0] =	vst.idx.msk $0xffff, v47;
	[smem:$0x7E4] =	sst s16  }
0x20a: {  	v56 =	vld [tilespmem:s3+$0x0];
	s3 =	sld [smem:$0x7E5]  }
0x20b: {  	s16 =	smov.u32 s6;
	s6 =	sld [smem:$0x7B4]  }
0x20c: {  	v49 =	vor.u32 v30, v34;
	[smem:$0x7E5] =	sst s16  }
0x20d: {  	v43 =	vor.u32 v14, v33;
	s16 =	sld [smem:$0x7B5]  }
0x20e: {  	v51 =	vor.u32 v24, v38;
	[tilespmem:v48+s2+$0x0] =	vst.idx.msk $0xffff, v50  }
0x20f: {  	s17 =	sadd.s32 $0x2, s17;
	v45 =	vld [tilespmem:s3+$0x0];
	s3 =	sld [smem:$0x7B3]  }
0x210: {  	v60 =	vor.u32 v9, v37;
	s29 =	smov.u32 s6;
	s6 =	smov.u32 s16;
	s16 =	sld [smem:$0x7B7]  }
0x211: {  	p3 =	slt.u32 s17, $0x2E;
	v63 =	vor.u32 v20, v36;
	s1 =	sld [smem:$0x7B8];
	[tilespmem:v49+s2+$0x0] =	vst.idx.msk $0xffff, v46  }
.Ltmp5:
0x212: {  	[tilespmem:v43+s2+$0x0] =	vst.idx.msk $0xffff, v53;
	v41 =	vld [tilespmem:s3+$0x0];
	s3 =	sld [smem:$0x7B6];
	(pc) =	sbr.rel @p3 .LBB2_4-.Ltmp5, $4  }
0x213: {  	[tilespmem:v51+s2+$0x0] =	vst.idx.msk $0xffff, v61;
	s28 =	smov.u32 s16;
	s16 =	sld [smem:$0x7B9]  }
0x214: {  	v44 =	vor.u32 v31, v34;
	v48 =	vor.u32 v25, v38;
	v49 =	vld [tilespmem:s1+$0x0]  }
0x215: {  	v50 =	vor.u32 v10, v37;
	v47 =	vor.u32 v4, v35;
	[tilespmem:v60+s2+$0x0] =	vst.idx.msk $0xffff, v62;
	v42 =	vld [tilespmem:s3+$0x0]  }
0x216: {  	s20 =	sadd.s32 $0x20, s20;
	s19 =	sadd.s32 $0x100, s19;
	v46 =	vor.u32 v18, v36;
	v43 =	vor.u32 v15, v33;
	s3 =	smov.u32 s0;
	v51 =	vld [tilespmem:s16+$0x0];
	[tilespmem:v63+s2+$0x0] =	vst.idx.msk $0xffff, v56  }
0x217: {  	_ =	sdelay $0x3  }
0x218: {  	[tilespmem:v50+s2+$0x0] =	vst.idx.msk $0xffff, v51  }
0x219: {  	s0 =	sld [smem:$0x7CC];
	_ =	sdelay $0x2  }
0x21a: {  	v63 =	vor.u32 v11, v37;
	[tilespmem:v48+s2+$0x0] =	vst.idx.msk $0xffff, v49;
	v50 =	vld [tilespmem:s0+$0x0]  }
0x21b: {  	s20 =	sld [smem:$0x7CD];
	_ =	sdelay $0x2  }
0x21c: {  	v54 =	vor.u32 v26, v38;
	v49 =	vld [tilespmem:s20+$0x0]  }
0x21d: {  	[tilespmem:v63+s2+$0x0] =	vst.idx.msk $0xffff, v50  }
0x21e: {  	s1 =	sld [smem:$0x7CE];
	_ =	sdelay $0x2  }
0x21f: {  	v55 =	vor.u32 v12, v37;
	[tilespmem:v54+s2+$0x0] =	vst.idx.msk $0xffff, v49;
	v48 =	vld [tilespmem:s1+$0x0]  }
0x220: {  	s16 =	sld [smem:$0x7CF];
	_ =	sdelay $0x2  }
0x221: {  	v56 =	vor.u32 v27, v38;
	v49 =	vld [tilespmem:s16+$0x0]  }
0x222: {  	[tilespmem:v55+s2+$0x0] =	vst.idx.msk $0xffff, v48  }
0x223: {  	s17 =	sld [smem:$0x7D1];
	_ =	sdelay $0x2  }
0x224: {  	v57 =	vor.u32 v13, v37;
	[tilespmem:v56+s2+$0x0] =	vst.idx.msk $0xffff, v49;
	v48 =	vld [tilespmem:s17+$0x0]  }
0x225: {  	s19 =	sld [smem:$0x7D3];
	_ =	sdelay $0x2  }
0x226: {  	v58 =	vor.u32 v29, v38;
	v49 =	vld [tilespmem:s19+$0x0]  }
0x227: {  	[tilespmem:v57+s2+$0x0] =	vst.idx.msk $0xffff, v48  }
0x228: {  	s20 =	sld [smem:$0x7D6];
	_ =	sdelay $0x2  }
0x229: {  	v59 =	vor.u32 v14, v37;
	[tilespmem:v58+s2+$0x0] =	vst.idx.msk $0xffff, v49;
	v48 =	vld [tilespmem:s20+$0x0]  }
0x22a: {  	s1 =	sld [smem:$0x7D7];
	_ =	sdelay $0x2  }
0x22b: {  	v60 =	vor.u32 v30, v38;
	v49 =	vld [tilespmem:s1+$0x0]  }
0x22c: {  	[tilespmem:v59+s2+$0x0] =	vst.idx.msk $0xffff, v48  }
0x22d: {  	s16 =	sld [smem:$0x7D8];
	_ =	sdelay $0x2  }
0x22e: {  	v61 =	vor.u32 v15, v37;
	[tilespmem:v60+s2+$0x0] =	vst.idx.msk $0xffff, v49;
	v48 =	vld [tilespmem:s16+$0x0]  }
0x22f: {  	s17 =	sld [smem:$0x7D9];
	_ =	sdelay $0x2  }
0x230: {  	v62 =	vor.u32 v31, v38;
	v49 =	vld [tilespmem:s17+$0x0]  }
0x231: {  	[tilespmem:v61+s2+$0x0] =	vst.idx.msk $0xffff, v48  }
0x232: {  	s19 =	sld [smem:$0x7DB];
	_ =	sdelay $0x2  }
0x233: {  	v63 =	vor.u32 v16, v37;
	[tilespmem:v62+s2+$0x0] =	vst.idx.msk $0xffff, v49;
	v48 =	vld [tilespmem:s19+$0x0]  }
0x234: {  	s20 =	sld [smem:$0x7DC];
	_ =	sdelay $0x2  }
0x235: {  	v54 =	vor.u32 v32, v38;
	v49 =	vld [tilespmem:s20+$0x0]  }
0x236: {  	[tilespmem:v63+s2+$0x0] =	vst.idx.msk $0xffff, v48  }
0x237: {  	s1 =	sld [smem:$0x7DD];
	_ =	sdelay $0x2  }
0x238: {  	v55 =	vor.u32 v28, v37;
	[tilespmem:v54+s2+$0x0] =	vst.idx.msk $0xffff, v49;
	v48 =	vld [tilespmem:s1+$0x0]  }
0x239: {  	v56 =	vor.u32 v0, v38;
	v49 =	vld [tilespmem:s31+$0x0];
	_ =	sdelay $0x3  }
0x23a: {  	[tilespmem:v55+s2+$0x0] =	vst.idx.msk $0xffff, v48  }
0x23b: {  	s16 =	sld [smem:$0x7DF];
	[tilespmem:v56+s2+$0x0] =	vst.idx.msk $0xffff, v49  }
0x23c: {  	s17 =	sld [smem:$0x7E0];
	_ =	sdelay $0x1  }
0x23d: {  	v57 =	vor.u32 v17, v37;
	v48 =	vld [tilespmem:s16+$0x0]  }
0x23e: {  	v58 =	vor.u32 v2, v38;
	v49 =	vld [tilespmem:s17+$0x0];
	_ =	sdelay $0x3  }
0x23f: {  	[tilespmem:v57+s2+$0x0] =	vst.idx.msk $0xffff, v48  }
0x240: {  	s19 =	sld [smem:$0x7E1];
	[tilespmem:v58+s2+$0x0] =	vst.idx.msk $0xffff, v49  }
0x241: {  	s20 =	sld [smem:$0x7E3];
	_ =	sdelay $0x1  }
0x242: {  	v59 =	vor.u32 v19, v37;
	v48 =	vld [tilespmem:s19+$0x0]  }
0x243: {  	v60 =	vor.u32 v3, v38;
	v49 =	vld [tilespmem:s20+$0x0];
	_ =	sdelay $0x3  }
0x244: {  	[tilespmem:v59+s2+$0x0] =	vst.idx.msk $0xffff, v48  }
0x245: {  	s31 =	sld [smem:$0x7E4];
	[tilespmem:v60+s2+$0x0] =	vst.idx.msk $0xffff, v49  }
0x246: {  	s1 =	sld [smem:$0x7E5];
	_ =	sdelay $0x1  }
0x247: {  	v61 =	vor.u32 v20, v37;
	v48 =	vld [tilespmem:s31+$0x0]  }
0x248: {  	v62 =	vor.u32 v4, v38;
	v49 =	vld [tilespmem:s1+$0x0]  }
0x249: {  	v52 =	vld [tilespmem:s5+$0x0];
	_ =	sdelay $0x1  }
0x24a: {  	[tilespmem:v47+s2+$0x0] =	vst.idx.msk $0xffff, v45  }
0x24b: {  	[tilespmem:v61+s2+$0x0] =	vst.idx.msk $0xffff, v48  }
0x24c: {  	s5 =	sld [smem:$0x7E6];
	[tilespmem:v62+s2+$0x0] =	vst.idx.msk $0xffff, v49  }
0x24d: {  	v45 =	vld [tilespmem:s24+$0x0];
	s16 =	sld [smem:$0x7E8];
	[tilespmem:v46+s2+$0x0] =	vst.idx.msk $0xffff, v52  }
0x24e: {  	s17 =	sld [smem:$0x7BD]  }
0x24f: {  	v53 =	vor.u32 v18, v37;
	v63 =	vld [tilespmem:s5+$0x0]  }
0x250: {  	v49 =	vld [tilespmem:s16+$0x0]  }
0x251: {  	v54 =	vor.u32 v21, v36;
	v46 =	vld [tilespmem:s17+$0x0]  }
0x252: {  	[tilespmem:v39+s2+$0x0] =	vst.idx.msk $0xffff, v45  }
0x253: {  	s19 =	sld [smem:$0x7BE]  }
0x254: {  	[tilespmem:v53+s2+$0x0] =	vst.idx.msk $0xffff, v63  }
0x255: {  	s20 =	sld [smem:$0x7E9];
	[tilespmem:v40+s2+$0x0] =	vst.idx.msk $0xffff, v49  }
0x256: {  	v55 =	vor.u32 v6, v35;
	v39 =	vld [tilespmem:s19+$0x0];
	s24 =	sld [smem:$0x7EA];
	[tilespmem:v54+s2+$0x0] =	vst.idx.msk $0xffff, v46  }
0x257: {  	s31 =	sld [smem:$0x7BF]  }
0x258: {  	v56 =	vor.u32 v21, v37;
	v47 =	vld [tilespmem:s20+$0x0]  }
0x259: {  	v57 =	vor.u32 v6, v38;
	v40 =	vld [tilespmem:s24+$0x0]  }
0x25a: {  	v58 =	vor.u32 v22, v36;
	v46 =	vld [tilespmem:s31+$0x0]  }
0x25b: {  	[tilespmem:v55+s2+$0x0] =	vst.idx.msk $0xffff, v39  }
0x25c: {  	v59 =	vor.u32 v7, v35;
	v39 =	vld [tilespmem:s18+$0x0]  }
0x25d: {  	[tilespmem:v56+s2+$0x0] =	vst.idx.msk $0xffff, v47  }
0x25e: {  	s1 =	sld [smem:$0x7EB];
	[tilespmem:v57+s2+$0x0] =	vst.idx.msk $0xffff, v40  }
0x25f: {  	s5 =	sld [smem:$0x7ED];
	[tilespmem:v58+s2+$0x0] =	vst.idx.msk $0xffff, v46  }
0x260: {  	s16 =	sld [smem:$0x7C0]  }
0x261: {  	v60 =	vor.u32 v22, v37;
	[tilespmem:v59+s2+$0x0] =	vst.idx.msk $0xffff, v39;
	v47 =	vld [tilespmem:s1+$0x0]  }
0x262: {  	v61 =	vor.u32 v7, v38;
	s17 =	sld [smem:$0x7C1];
	v40 =	vld [tilespmem:s5+$0x0]  }
0x263: {  	v62 =	vor.u32 v23, v36;
	v46 =	vld [tilespmem:s16+$0x0];
	_ =	sdelay $0x1  }
0x264: {  	v63 =	vor.u32 v8, v35;
	v39 =	vld [tilespmem:s17+$0x0]  }
0x265: {  	[tilespmem:v60+s2+$0x0] =	vst.idx.msk $0xffff, v47  }
0x266: {  	s18 =	sld [smem:$0x7EE];
	[tilespmem:v61+s2+$0x0] =	vst.idx.msk $0xffff, v40  }
0x267: {  	s19 =	sld [smem:$0x7F0];
	[tilespmem:v62+s2+$0x0] =	vst.idx.msk $0xffff, v46  }
0x268: {  	s20 =	sld [smem:$0x7C2]  }
0x269: {  	v52 =	vor.u32 v23, v37;
	[tilespmem:v63+s2+$0x0] =	vst.idx.msk $0xffff, v39;
	v47 =	vld [tilespmem:s18+$0x0]  }
0x26a: {  	v53 =	vor.u32 v8, v38;
	s24 =	sld [smem:$0x7C3];
	v40 =	vld [tilespmem:s19+$0x0]  }
0x26b: {  	v54 =	vor.u32 v24, v36;
	v46 =	vld [tilespmem:s20+$0x0];
	_ =	sdelay $0x1  }
0x26c: {  	v55 =	vor.u32 v9, v35;
	v39 =	vld [tilespmem:s24+$0x0]  }
0x26d: {  	[tilespmem:v52+s2+$0x0] =	vst.idx.msk $0xffff, v47  }
0x26e: {  	s31 =	sld [smem:$0x7F1];
	[tilespmem:v53+s2+$0x0] =	vst.idx.msk $0xffff, v40  }
0x26f: {  	s1 =	sld [smem:$0x7F2];
	[tilespmem:v54+s2+$0x0] =	vst.idx.msk $0xffff, v46  }
0x270: {  	s5 =	sld [smem:$0x7C4]  }
0x271: {  	v56 =	vor.u32 v24, v37;
	[tilespmem:v55+s2+$0x0] =	vst.idx.msk $0xffff, v39;
	v47 =	vld [tilespmem:s31+$0x0]  }
0x272: {  	v57 =	vor.u32 v9, v38;
	s16 =	sld [smem:$0x7C5];
	v40 =	vld [tilespmem:s1+$0x0]  }
0x273: {  	v58 =	vor.u32 v25, v36;
	v46 =	vld [tilespmem:s5+$0x0];
	_ =	sdelay $0x1  }
0x274: {  	v59 =	vor.u32 v10, v35;
	v39 =	vld [tilespmem:s16+$0x0]  }
0x275: {  	[tilespmem:v56+s2+$0x0] =	vst.idx.msk $0xffff, v47  }
0x276: {  	s17 =	sld [smem:$0x7F3];
	[tilespmem:v57+s2+$0x0] =	vst.idx.msk $0xffff, v40  }
0x277: {  	[tilespmem:v58+s2+$0x0] =	vst.idx.msk $0xffff, v46  }
0x278: {  	s18 =	sld [smem:$0x7C6]  }
0x279: {  	v61 =	vor.u32 v10, v38;
	v40 =	vld [tilespmem:s26+$0x0];
	[tilespmem:v59+s2+$0x0] =	vst.idx.msk $0xffff, v39  }
0x27a: {  	v60 =	vor.u32 v25, v37;
	v47 =	vld [tilespmem:s17+$0x0];
	s19 =	sld [smem:$0x7C7]  }
0x27b: {  	v62 =	vor.u32 v26, v36;
	v46 =	vld [tilespmem:s18+$0x0];
	_ =	sdelay $0x1  }
0x27c: {  	v63 =	vor.u32 v11, v35;
	v39 =	vld [tilespmem:s19+$0x0]  }
0x27d: {  	[tilespmem:v61+s2+$0x0] =	vst.idx.msk $0xffff, v40  }
0x27e: {  	[tilespmem:v60+s2+$0x0] =	vst.idx.msk $0xffff, v47  }
0x27f: {  	[tilespmem:v62+s2+$0x0] =	vst.idx.msk $0xffff, v46  }
0x280: {  	s20 =	sld [smem:$0x7C8]  }
0x281: {  	v53 =	vor.u32 v11, v38;
	v40 =	vld [tilespmem:s25+$0x0];
	[tilespmem:v63+s2+$0x0] =	vst.idx.msk $0xffff, v39  }
0x282: {  	v52 =	vor.u32 v26, v37;
	v47 =	vld [tilespmem:s23+$0x0];
	s23 =	sld [smem:$0x7C9]  }
0x283: {  	v54 =	vor.u32 v27, v36;
	v46 =	vld [tilespmem:s20+$0x0];
	_ =	sdelay $0x1  }
0x284: {  	v55 =	vor.u32 v12, v35;
	v39 =	vld [tilespmem:s23+$0x0]  }
0x285: {  	[tilespmem:v53+s2+$0x0] =	vst.idx.msk $0xffff, v40  }
0x286: {  	[tilespmem:v52+s2+$0x0] =	vst.idx.msk $0xffff, v47  }
0x287: {  	v56 =	vor.u32 v27, v37;
	v47 =	vld [tilespmem:s22+$0x0];
	[tilespmem:v54+s2+$0x0] =	vst.idx.msk $0xffff, v46  }
0x288: {  	v57 =	vor.u32 v12, v38;
	v40 =	vld [tilespmem:s21+$0x0];
	s24 =	rddreg [dreg:$0x1d]  }
0x289: {  	v58 =	vor.u32 v29, v36;
	[tilespmem:v55+s2+$0x0] =	vst.idx.msk $0xffff, v39;
	v46 =	vld [tilespmem:s24+$0x0]  }
0x28a: {  	s25 =	rddreg [dreg:$0x1b]  }
0x28b: {  	v59 =	vor.u32 v13, v35;
	v39 =	vld [tilespmem:s25+$0x0]  }
0x28c: {  	[tilespmem:v56+s2+$0x0] =	vst.idx.msk $0xffff, v47  }
0x28d: {  	[tilespmem:v57+s2+$0x0] =	vst.idx.msk $0xffff, v40  }
0x28e: {  	v60 =	vor.u32 v29, v37;
	v47 =	vld [tilespmem:s13+$0x0];
	[tilespmem:v58+s2+$0x0] =	vst.idx.msk $0xffff, v46  }
0x28f: {  	v61 =	vor.u32 v13, v38;
	v40 =	vld [tilespmem:s7+$0x0];
	s26 =	rddreg [dreg:$0x19]  }
0x290: {  	v62 =	vor.u32 v30, v36;
	[tilespmem:v59+s2+$0x0] =	vst.idx.msk $0xffff, v39;
	v46 =	vld [tilespmem:s26+$0x0]  }
0x291: {  	v63 =	vor.u32 v14, v35;
	v39 =	vld [tilespmem:s30+$0x0];
	_ =	sdelay $0x1  }
0x292: {  	[tilespmem:v60+s2+$0x0] =	vst.idx.msk $0xffff, v47  }
0x293: {  	v52 =	vor.u32 v30, v37;
	[tilespmem:v61+s2+$0x0] =	vst.idx.msk $0xffff, v40;
	v47 =	vld [tilespmem:s11+$0x0]  }
0x294: {  	v53 =	vor.u32 v14, v38;
	v40 =	vld [tilespmem:s12+$0x0];
	[tilespmem:v62+s2+$0x0] =	vst.idx.msk $0xffff, v46  }
0x295: {  	v54 =	vor.u32 v31, v36;
	[tilespmem:v63+s2+$0x0] =	vst.idx.msk $0xffff, v39;
	v46 =	vld [tilespmem:s29+$0x0]  }
0x296: {  	v55 =	vor.u32 v15, v35;
	[tilespmem:v44+s2+$0x0] =	vst.idx.msk $0xffff, v41;
	v39 =	vld [tilespmem:s28+$0x0]  }
0x297: {  	v34 =	vor.u32 v32, v34;
	[tilespmem:v43+s2+$0x0] =	vst.idx.msk $0xffff, v42;
	v44 =	vld [tilespmem:s10+$0x0]  }
0x298: {  	v33 =	vor.u32 v16, v33;
	v42 =	vld [tilespmem:s9+$0x0];
	[tilespmem:v52+s2+$0x0] =	vst.idx.msk $0xffff, v47  }
0x299: {  	v56 =	vor.u32 v31, v37;
	[tilespmem:v53+s2+$0x0] =	vst.idx.msk $0xffff, v40;
	v47 =	vld [tilespmem:s6+$0x0]  }
0x29a: {  	v57 =	vor.u32 v15, v38;
	v40 =	vld [tilespmem:s3+$0x0];
	[tilespmem:v54+s2+$0x0] =	vst.idx.msk $0xffff, v46  }
0x29b: {  	v59 =	vor.u32 v32, v36;
	[tilespmem:v55+s2+$0x0] =	vst.idx.msk $0xffff, v39;
	v58 =	vld [tilespmem:s15+$0x0]  }
0x29c: {  	v60 =	vor.u32 v16, v35;
	[tilespmem:v34+s2+$0x0] =	vst.idx.msk $0xffff, v44;
	v39 =	vld [tilespmem:s14+$0x0]  }
0x29d: {  	[tilespmem:v33+s2+$0x0] =	vst.idx.msk $0xffff, v42  }
0x29e: {  	[tilespmem:v56+s2+$0x0] =	vst.idx.msk $0xffff, v47  }
0x29f: {  	[tilespmem:v57+s2+$0x0] =	vst.idx.msk $0xffff, v40  }
0x2a0: {  	[tilespmem:v59+s2+$0x0] =	vst.idx.msk $0xffff, v58  }
0x2a1: {  	v62 =	vor.u32 v32, v37;
	v61 =	vld [tilespmem:s8+$0x0];
	[tilespmem:v60+s2+$0x0] =	vst.idx.msk $0xffff, v39  }
0x2a2: {  	v63 =	vor.u32 v16, v38;
	v40 =	vld [tilespmem:s4+$0x0];
	s31 =	sld [smem:$0x7BA];
	_ =	sdelay $0x2  }
0x2a3: {  	s0 =	smul.u32 $0xC00, s31  }
0x2a4: {  	s1 =	rddreg [dreg:$0x2];
	[tilespmem:v62+s2+$0x0] =	vst.idx.msk $0xffff, v61  }
0x2a5: {  	s6 =	simm.s32 $0x0;
	[tilespmem:v63+s2+$0x0] =	vst.idx.msk $0xffff, v40;
	s0 =	sadd.s32 s1, s0  }
0x2a6: {  	[hbm4b:s0+s6] =	stream.linear.scatter [tilespmem:s2], [sflag:$0x3], $0x6000, $0x38;
	[tilespmem:$0x18000] =	vst v63  }
0x2a7: {  	s0 =	sld [smem:$0x7BB];
	_ =	sdelay $0x2  }
0x2a8: {  	p3 =	sgt.u32 s0, $0x4F5  }
.Ltmp6:
0x2a9: {  	_ = 	snop;
	(pc) =	sbr.rel @p3 .LBB2_7-.Ltmp6, $1  }
0x2aa: {  	_ =	sdelay $0x3  }
0x2ab: {  	s0 =	smul.u32 $0x1800, s0  }
.Ltmp7:
0x2ac: {  	_ = 	snop;
	(pc) =	sbr.rel .LBB2_8-.Ltmp7, $4  }
0x2ad: {  	s1 =	rddreg [dreg:$0x0];
	s0 =	sshrl.u32 s0, $0x3  }
0x2ae: {  	s0 =	sadd.s32 s1, s0  }
0x2af: {  	s31 =	simm.s32 $0x1800;
	s2 =	simm.s32 $0x7A1400;
	s0 =	sadd.s32 $0x6000, s0  }
0x2b0: {  	[tilespmem:s6], [sflag:$0x1] =	stream.strided.gather [hbm4b:s0+s31], $0x6000, s2, s31, $0x38;
	[tilespmem:$0x18000] =	vst v63  }
.LBB2_7:
.Ltmp8:
0x2b1: {  	(pc) =	sbr.rel @p2 .LBB2_11-.Ltmp8, $2  }
0x2b2: {  	_ = 	snop  }
0x2b3: {  	s4 =	sld [smem:$0x7BC];
	_ =	sdelay $0x2  }
.LBB2_8:
0x2b4: {  	s0 =	simm.s32 $0x2  }
0x2b5: {  	_ =	swait.ge [sflag:s0], $0x6000  }
0x2b6: {  	[sflag:s0] =	ssyncset.done $0x0  }
0x2b7: {  	s2 =	simm.s32 $0x0;
	[sflag:s0] =	ssyncadd.s32 $0xFFFFA000;
	s0 =	simm.s32 @!p1 $0x4  }
0x2b8: {  	v33 =	vmov s2;
	s1 =	sand.u32 $0x1C00, s2;
	_ =	swait.ge @!p1 [sflag:s0], $0x6000  }
0x2b9: {  	s5 =	sand.u32 $0x60, s2;
	v33 =	vshll.u32 v33, $0x5;
	s3 =	sor.u32 $0x6000, s1;
	[sflag:s0] =	ssyncset.done @!p1 $0x0  }
0x2ba: {  	v39 =	vor.u32 v1, v33;
	s19 =	sor.u32 s5, s3;
	[sflag:s0] =	ssyncadd.s32 @!p1 $0xFFFFA000  }
0x2bb: {  	v33 =	vor.u32 v0, v39;
	v34 =	vld [tilespmem:s19+$0x0];
	_ =	sdelay $0x3  }
0x2bc: {  	s6 =	simm.s32 $0x12000  }
0x2bd: {  	[tilespmem:v33+s6+$0x0] =	vst.idx.msk $0xffff, v34  }
0x2be: {  	v43 =	vor.u32 v2, v39;
	v34 =	vld [tilespmem:s19+$0x80];
	_ =	sdelay $0x4  }
0x2bf: {  	[tilespmem:v43+s6+$0x0] =	vst.idx.msk $0xffff, v34  }
0x2c0: {  	v44 =	vor.u32 v3, v39;
	v34 =	vld [tilespmem:s19+$0x100];
	_ =	sdelay $0x4  }
0x2c1: {  	[tilespmem:v44+s6+$0x0] =	vst.idx.msk $0xffff, v34  }
0x2c2: {  	v45 =	vor.u32 v4, v39;
	v34 =	vld [tilespmem:s19+$0x180];
	_ =	sdelay $0x4  }
0x2c3: {  	[tilespmem:v45+s6+$0x0] =	vst.idx.msk $0xffff, v34  }
0x2c4: {  	v46 =	vor.u32 v5, v39;
	v34 =	vld [tilespmem:s19+$0x200];
	_ =	sdelay $0x4  }
0x2c5: {  	[tilespmem:v46+s6+$0x0] =	vst.idx.msk $0xffff, v34  }
0x2c6: {  	v47 =	vor.u32 v6, v39;
	v33 =	vld [tilespmem:s19+$0x280];
	_ =	sdelay $0x1  }
0x2c7: {  	s20 =	sand.u32 $0x3, s2  }
0x2c8: {  	s0 =	sshll.u32 s20, $0x5  }
0x2c9: {  	s0 =	sadd.s32 $0x0, s0  }
0x2ca: {  	s0 =	sor.u32 $0x300, s0;
	[tilespmem:v47+s6+$0x0] =	vst.idx.msk $0xffff, v33  }
0x2cb: {  	v48 =	vor.u32 v7, v39;
	v33 =	vld [tilespmem:s0+$0x6000];
	_ =	sdelay $0x3  }
0x2cc: {  	s21 =	sor.u32 s2, s2  }
0x2cd: {  	s0 =	sor.u32 $0x380, s21;
	[tilespmem:v48+s6+$0x0] =	vst.idx.msk $0xffff, v33  }
0x2ce: {  	v49 =	vor.u32 v8, v39;
	v33 =	vld [tilespmem:s0+$0x6000];
	_ =	sdelay $0x3  }
0x2cf: {  	s4 =	sadd.s32 $0x7800, s1  }
0x2d0: {  	s22 =	sor.u32 s5, s4;
	[tilespmem:v49+s6+$0x0] =	vst.idx.msk $0xffff, v33  }
0x2d1: {  	v50 =	vor.u32 v9, v39;
	v33 =	vld [tilespmem:s22+$0x0];
	_ =	sdelay $0x3  }
0x2d2: {  	s11 =	simm.s32 $0x10;
	s10 =	sadd.s32 $0x7880, s1  }
0x2d3: {  	v51 =	vor.u32 s11, v0;
	s7 =	sand.u32 $0x70, s11;
	s23 =	sor.u32 s5, s10;
	[tilespmem:v50+s6+$0x0] =	vst.idx.msk $0xffff, v33  }
0x2d4: {  	v36 =	vand.u32 $0x1F, v51;
	v40 =	vshll.u32 v51, $0x5;
	s14 =	sor.u32 s7, s3;
	v52 =	vor.u32 v10, v39;
	v35 =	vld [tilespmem:s23+$0x0]  }
0x2d5: {  	v36 =	vor.u32 v36, v40;
	v53 =	vld [tilespmem:s14+$0x0];
	_ =	sdelay $0x2  }
0x2d6: {  	s8 =	sadd.s32 $0x7900, s1  }
0x2d7: {  	s24 =	sor.u32 s5, s8;
	[tilespmem:v52+s6+$0x0] =	vst.idx.msk $0xffff, v35  }
0x2d8: {  	s25 =	simm.s32 $0x100;
	s9 =	simm.s32 $0x20;
	v37 =	vor.u32 v11, v39;
	[tilespmem:v36+s6+$0x0] =	vst.idx.msk $0xffff, v53;
	v35 =	vld [tilespmem:s24+$0x0]  }
0x2d9: {  	v54 =	vmov s9;
	s12 =	sand.u32 $0x1C00, s25;
	v57 =	vor.u32 v17, v40;
	v56 =	vld [tilespmem:s14+$0x80]  }
0x2da: {  	s17 =	sand.u32 $0x60, s9;
	v55 =	vshll.u32 v54, $0x5;
	s0 =	sor.u32 $0x6000, s12  }
0x2db: {  	s15 =	sor.u32 s17, s0;
	v33 =	vor.u32 v1, v55  }
0x2dc: {  	s3 =	sadd.s32 $0x7980, s1;
	v41 =	vld [tilespmem:s15+$0x0];
	v38 =	vor.u32 v0, v33  }
0x2dd: {  	s13 =	sor.u32 s5, s3;
	[tilespmem:v37+s6+$0x0] =	vst.idx.msk $0xffff, v35  }
0x2de: {  	v58 =	vor.u32 v12, v39;
	[tilespmem:v57+s6+$0x0] =	vst.idx.msk $0xffff, v56;
	v35 =	vld [tilespmem:s13+$0x0]  }
0x2df: {  	v59 =	vor.u32 v19, v40;
	v34 =	vld [tilespmem:s14+$0x100];
	_ =	sdelay $0x1  }
0x2e0: {  	[tilespmem:v38+s6+$0x0] =	vst.idx.msk $0xffff, v41  }
0x2e1: {  	v60 =	vor.u32 v2, v33;
	v41 =	vld [tilespmem:s15+$0x80];
	s13 =	sadd.s32 $0x7A00, s1  }
0x2e2: {  	s16 =	sor.u32 s5, s13;
	[tilespmem:v58+s6+$0x0] =	vst.idx.msk $0xffff, v35  }
0x2e3: {  	v61 =	vor.u32 v13, v39;
	[tilespmem:v59+s6+$0x0] =	vst.idx.msk $0xffff, v34;
	v35 =	vld [tilespmem:s16+$0x0]  }
0x2e4: {  	v62 =	vor.u32 v20, v40;
	v34 =	vld [tilespmem:s14+$0x180];
	_ =	sdelay $0x1  }
0x2e5: {  	[tilespmem:v60+s6+$0x0] =	vst.idx.msk $0xffff, v41  }
0x2e6: {  	s19 =	sadd.s32 $0x7A80, s1;
	v63 =	vor.u32 v3, v33;
	v41 =	vld [tilespmem:s15+$0x100]  }
0x2e7: {  	s26 =	sor.u32 s5, s19;
	[tilespmem:v61+s6+$0x0] =	vst.idx.msk $0xffff, v35  }
0x2e8: {  	v44 =	vor.u32 v14, v39;
	[tilespmem:v62+s6+$0x0] =	vst.idx.msk $0xffff, v34;
	v35 =	vld [tilespmem:s26+$0x0]  }
0x2e9: {  	v45 =	vor.u32 v18, v40;
	v34 =	vld [tilespmem:s14+$0x200];
	_ =	sdelay $0x1  }
0x2ea: {  	[tilespmem:v63+s6+$0x0] =	vst.idx.msk $0xffff, v41  }
0x2eb: {  	v46 =	vor.u32 v4, v33;
	s24 =	sadd.s32 $0x7B00, s1;
	v41 =	vld [tilespmem:s15+$0x180]  }
0x2ec: {  	s20 =	sor.u32 s5, s24;
	[tilespmem:v44+s6+$0x0] =	vst.idx.msk $0xffff, v35  }
0x2ed: {  	v47 =	vor.u32 v15, v39;
	[tilespmem:v45+s6+$0x0] =	vst.idx.msk $0xffff, v34;
	v35 =	vld [tilespmem:s20+$0x0]  }
0x2ee: {  	v48 =	vor.u32 v21, v40;
	v34 =	vld [tilespmem:s14+$0x280]  }
0x2ef: {  	s21 =	sand.u32 $0x7, s2  }
0x2f0: {  	s14 =	sshll.u32 s21, $0x4;
	[tilespmem:v46+s6+$0x0] =	vst.idx.msk $0xffff, v41  }
0x2f1: {  	s22 =	sadd.s32 $0x7B80, s1;
	s14 =	sadd.s32 $0x0, s14;
	v49 =	vor.u32 v5, v33;
	v41 =	vld [tilespmem:s15+$0x200]  }
0x2f2: {  	s14 =	sadd.s32 $0x10, s14;
	s23 =	sor.u32 s5, s22;
	[tilespmem:v47+s6+$0x0] =	vst.idx.msk $0xffff, v35  }
0x2f3: {  	s14 =	sor.u32 $0x300, s14;
	[tilespmem:v48+s6+$0x0] =	vst.idx.msk $0xffff, v34;
	v50 =	vor.u32 v16, v39;
	v35 =	vld [tilespmem:s23+$0x0]  }
0x2f4: {  	v51 =	vor.u32 v22, v40;
	v34 =	vld [tilespmem:s14+$0x6000];
	_ =	sdelay $0x1  }
0x2f5: {  	[tilespmem:v49+s6+$0x0] =	vst.idx.msk $0xffff, v41  }
0x2f6: {  	s30 =	sadd.s32 $0x9000, s1;
	v52 =	vor.u32 v6, v33;
	v38 =	vld [tilespmem:s15+$0x280]  }
0x2f7: {  	s25 =	simm.s32 $0x1;
	s2 =	sor.u32 s11, s2;
	s26 =	sor.u32 s5, s30;
	[tilespmem:v50+s6+$0x0] =	vst.idx.msk $0xffff, v35  }
0x2f8: {  	v53 =	vor.u32 v28, v39;
	s2 =	sor.u32 $0x380, s2;
	s14 =	sand.u32 $0x3, s25;
	[tilespmem:v51+s6+$0x0] =	vst.idx.msk $0xffff, v34;
	v35 =	vld [tilespmem:s26+$0x0]  }
0x2f9: {  	v54 =	vor.u32 v23, v40;
	v34 =	vld [tilespmem:s2+$0x6000];
	s16 =	sshll.u32 s14, $0x5  }
0x2fa: {  	s11 =	sadd.s32 $0x100, s16  }
0x2fb: {  	s20 =	sor.u32 $0x300, s11;
	[tilespmem:v52+s6+$0x0] =	vst.idx.msk $0xffff, v38  }
0x2fc: {  	s25 =	sadd.s32 $0x9080, s1;
	v55 =	vor.u32 v7, v33;
	v38 =	vld [tilespmem:s20+$0x6000]  }
0x2fd: {  	s21 =	sor.u32 s5, s25;
	[tilespmem:v53+s6+$0x0] =	vst.idx.msk $0xffff, v35  }
0x2fe: {  	v56 =	vor.u32 v17, v39;
	[tilespmem:v54+s6+$0x0] =	vst.idx.msk $0xffff, v34;
	s23 =	sor.u32 s7, s4;
	v35 =	vld [tilespmem:s21+$0x0]  }
0x2ff: {  	s18 =	simm.s32 $0x100;
	v57 =	vor.u32 v24, v40;
	v34 =	vld [tilespmem:s23+$0x0]  }
0x300: {  	s26 =	sor.u32 s9, s18  }
0x301: {  	[tilespmem:v55+s6+$0x0] =	vst.idx.msk $0xffff, v38;
	s4 =	sor.u32 $0x380, s26  }
0x302: {  	v58 =	vor.u32 v8, v33;
	s14 =	sadd.s32 $0x9100, s1;
	v38 =	vld [tilespmem:s4+$0x6000]  }
0x303: {  	s9 =	sor.u32 s5, s14;
	[tilespmem:v56+s6+$0x0] =	vst.idx.msk $0xffff, v35  }
0x304: {  	v59 =	vor.u32 v19, v39;
	s15 =	sadd.s32 $0x7800, s12;
	[tilespmem:v57+s6+$0x0] =	vst.idx.msk $0xffff, v34;
	v35 =	vld [tilespmem:s9+$0x0]  }
0x305: {  	s11 =	sor.u32 s7, s10;
	[smem:$0x748] =	sst s15  }
0x306: {  	v60 =	vor.u32 v25, v40;
	v34 =	vld [tilespmem:s11+$0x0]  }
0x307: {  	s16 =	sor.u32 s17, s15;
	[tilespmem:v58+s6+$0x0] =	vst.idx.msk $0xffff, v38  }
0x308: {  	v61 =	vor.u32 v9, v33;
	s21 =	sadd.s32 $0x9180, s1;
	v38 =	vld [tilespmem:s16+$0x0]  }
0x309: {  	s23 =	sadd.s32 $0x7880, s12;
	s18 =	sor.u32 s5, s21;
	[tilespmem:v59+s6+$0x0] =	vst.idx.msk $0xffff, v35  }
0x30a: {  	v62 =	vor.u32 v20, v39;
	v35 =	vld [tilespmem:s18+$0x0];
	[smem:$0x749] =	sst s23  }
0x30b: {  	s20 =	sor.u32 s7, s8;
	[tilespmem:v60+s6+$0x0] =	vst.idx.msk $0xffff, v34  }
0x30c: {  	v63 =	vor.u32 v26, v40;
	s26 =	simm.s32 $0x30;
	v36 =	vld [tilespmem:s20+$0x0]  }
0x30d: {  	s4 =	sor.u32 s17, s23;
	s8 =	sand.u32 $0x70, s26;
	[tilespmem:v61+s6+$0x0] =	vst.idx.msk $0xffff, v38  }
0x30e: {  	v48 =	vor.u32 v10, v33;
	v47 =	vor.u32 s26, v0;
	v42 =	vld [tilespmem:s4+$0x0];
	s20 =	sadd.s32 $0x9200, s1;
	s4 =	sor.u32 s8, s0  }
0x30f: {  	v43 =	vand.u32 $0x1F, v47;
	s11 =	sadd.s32 $0x7900, s12;
	v34 =	vshll.u32 v47, $0x5;
	s9 =	sor.u32 s5, s20;
	v44 =	vld [tilespmem:s4+$0x0];
	[tilespmem:v62+s6+$0x0] =	vst.idx.msk $0xffff, v35  }
0x310: {  	v43 =	vor.u32 v43, v34;
	v37 =	vld [tilespmem:s9+$0x0];
	[smem:$0x74A] =	sst s11  }
0x311: {  	v49 =	vor.u32 v18, v39;
	s10 =	sor.u32 s7, s3;
	[tilespmem:v63+s6+$0x0] =	vst.idx.msk $0xffff, v36  }
0x312: {  	v50 =	vor.u32 v27, v40;
	v36 =	vld [tilespmem:s10+$0x0]  }
0x313: {  	s15 =	sor.u32 s17, s11;
	[tilespmem:v48+s6+$0x0] =	vst.idx.msk $0xffff, v42  }
0x314: {  	s29 =	simm.s32 $0x40;
	v51 =	vor.u32 v11, v33;
	s16 =	simm.s32 $0x200;
	v41 =	vld [tilespmem:s15+$0x0]  }
0x315: {  	v52 =	vmov s29;
	s23 =	sand.u32 $0x1C00, s16;
	s0 =	sadd.s32 $0x9280, s1;
	[tilespmem:v43+s6+$0x0] =	vst.idx.msk $0xffff, v44  }
0x316: {  	s2 =	sand.u32 $0x60, s29;
	s26 =	sor.u32 $0x6000, s23;
	v45 =	vor.u32 v17, v34;
	s18 =	sor.u32 s5, s0;
	v43 =	vshll.u32 v52, $0x5;
	v44 =	vld [tilespmem:s4+$0x80];
	[tilespmem:v49+s6+$0x0] =	vst.idx.msk $0xffff, v37  }
0x317: {  	v53 =	vor.u32 v21, v39;
	s10 =	sadd.s32 $0x7980, s12;
	v35 =	vor.u32 v1, v43;
	v37 =	vld [tilespmem:s18+$0x0];
	s18 =	sor.u32 s2, s26;
	[tilespmem:v50+s6+$0x0] =	vst.idx.msk $0xffff, v36  }
0x318: {  	s9 =	sor.u32 s7, s13;
	s11 =	simm.s32 $0x50;
	v46 =	vor.u32 v0, v35;
	v47 =	vld [tilespmem:s18+$0x0];
	[smem:$0x74B] =	sst s10  }
0x319: {  	v55 =	vor.u32 v29, v40;
	v54 =	vor.u32 s11, v0;
	s31 =	sand.u32 $0x70, s11;
	s13 =	sor.u32 s17, s10;
	v38 =	vld [tilespmem:s9+$0x0];
	[tilespmem:v51+s6+$0x0] =	vst.idx.msk $0xffff, v41  }
0x31a: {  	v48 =	vand.u32 $0x1F, v54;
	v49 =	vor.u32 v12, v33;
	v36 =	vshll.u32 v54, $0x5;
	v42 =	vld [tilespmem:s13+$0x0];
	s13 =	sor.u32 s31, s26  }
0x31b: {  	v57 =	vor.u32 v48, v36;
	[tilespmem:v45+s6+$0x0] =	vst.idx.msk $0xffff, v44;
	s26 =	sadd.s32 $0x9300, s1;
	v56 =	vld [tilespmem:s13+$0x0]  }
0x31c: {  	v50 =	vor.u32 v19, v34;
	v58 =	vld [tilespmem:s4+$0x100];
	[tilespmem:v53+s6+$0x0] =	vst.idx.msk $0xffff, v37;
	s15 =	sor.u32 s5, s26  }
0x31d: {  	v59 =	vor.u32 v22, v39;
	v37 =	vld [tilespmem:s15+$0x0];
	[tilespmem:v46+s6+$0x0] =	vst.idx.msk $0xffff, v47  }
0x31e: {  	s16 =	sor.u32 s7, s19;
	s19 =	sadd.s32 $0x7A00, s12;
	v60 =	vor.u32 v2, v35;
	v47 =	vld [tilespmem:s18+$0x80];
	[tilespmem:v55+s6+$0x0] =	vst.idx.msk $0xffff, v38  }
0x31f: {  	v61 =	vor.u32 v30, v40;
	s9 =	sor.u32 s17, s19;
	v38 =	vld [tilespmem:s16+$0x0];
	[tilespmem:v49+s6+$0x0] =	vst.idx.msk $0xffff, v42  }
0x320: {  	v62 =	vor.u32 v13, v33;
	v42 =	vld [tilespmem:s9+$0x0];
	[tilespmem:v57+s6+$0x0] =	vst.idx.msk $0xffff, v56  }
0x321: {  	v63 =	vor.u32 v17, v36;
	s15 =	sadd.s32 $0x9380, s1;
	[tilespmem:v50+s6+$0x0] =	vst.idx.msk $0xffff, v58;
	v45 =	vld [tilespmem:s13+$0x80]  }
0x322: {  	v53 =	vor.u32 v20, v34;
	s10 =	sor.u32 s5, s15;
	v52 =	vld [tilespmem:s4+$0x180];
	[tilespmem:v59+s6+$0x0] =	vst.idx.msk $0xffff, v37  }
0x323: {  	v54 =	vor.u32 v23, v39;
	v37 =	vld [tilespmem:s10+$0x0];
	[tilespmem:v60+s6+$0x0] =	vst.idx.msk $0xffff, v47  }
0x324: {  	v55 =	vor.u32 v3, v35;
	s16 =	sor.u32 s7, s24;
	s24 =	sadd.s32 $0x7A80, s12;
	v47 =	vld [tilespmem:s18+$0x100];
	[tilespmem:v61+s6+$0x0] =	vst.idx.msk $0xffff, v38  }
0x325: {  	v56 =	vor.u32 v31, v40;
	s9 =	sor.u32 s17, s24;
	v38 =	vld [tilespmem:s16+$0x0];
	[tilespmem:v62+s6+$0x0] =	vst.idx.msk $0xffff, v42  }
0x326: {  	v57 =	vor.u32 v14, v33;
	v42 =	vld [tilespmem:s9+$0x0];
	[tilespmem:v63+s6+$0x0] =	vst.idx.msk $0xffff, v45  }
0x327: {  	v58 =	vor.u32 v19, v36;
	[tilespmem:v53+s6+$0x0] =	vst.idx.msk $0xffff, v52;
	s16 =	sadd.s32 $0xA800, s1;
	v45 =	vld [tilespmem:s13+$0x100]  }
0x328: {  	v59 =	vor.u32 v18, v34;
	v49 =	vld [tilespmem:s4+$0x200];
	s10 =	sor.u32 s5, s16;
	[tilespmem:v54+s6+$0x0] =	vst.idx.msk $0xffff, v37  }
0x329: {  	v60 =	vor.u32 v24, v39;
	v37 =	vld [tilespmem:s10+$0x0];
	[tilespmem:v55+s6+$0x0] =	vst.idx.msk $0xffff, v47  }
0x32a: {  	v61 =	vor.u32 v4, v35;
	s9 =	sor.u32 s7, s22;
	s22 =	sadd.s32 $0x7B00, s12;
	v47 =	vld [tilespmem:s18+$0x180];
	[tilespmem:v56+s6+$0x0] =	vst.idx.msk $0xffff, v38  }
0x32b: {  	v62 =	vor.u32 v32, v40;
	s10 =	sor.u32 s17, s22;
	v38 =	vld [tilespmem:s9+$0x0];
	[tilespmem:v57+s6+$0x0] =	vst.idx.msk $0xffff, v42  }
0x32c: {  	v63 =	vor.u32 v15, v33;
	v42 =	vld [tilespmem:s10+$0x0];
	[tilespmem:v58+s6+$0x0] =	vst.idx.msk $0xffff, v45  }
0x32d: {  	v52 =	vor.u32 v20, v36;
	[tilespmem:v59+s6+$0x0] =	vst.idx.msk $0xffff, v49;
	s10 =	sadd.s32 $0xA880, s1;
	v45 =	vld [tilespmem:s13+$0x180]  }
0x32e: {  	v53 =	vor.u32 v21, v34;
	s9 =	simm.s32 $0x2;
	v49 =	vld [tilespmem:s4+$0x280];
	[tilespmem:v60+s6+$0x0] =	vst.idx.msk $0xffff, v37;
	s3 =	sor.u32 s5, s10  }
0x32f: {  	v54 =	vor.u32 v25, v39;
	v37 =	vld [tilespmem:s3+$0x0];
	s3 =	sand.u32 $0x7, s9;
	[tilespmem:v61+s6+$0x0] =	vst.idx.msk $0xffff, v47  }
0x330: {  	v55 =	vor.u32 v5, v35;
	s9 =	sor.u32 s7, s30;
	s30 =	sadd.s32 $0x7B80, s12;
	s3 =	sshll.u32 s3, $0x4;
	v47 =	vld [tilespmem:s18+$0x200];
	[tilespmem:v62+s6+$0x0] =	vst.idx.msk $0xffff, v38  }
0x331: {  	v56 =	vor.u32 v0, v40;
	s3 =	sadd.s32 $0x100, s3;
	v38 =	vld [tilespmem:s9+$0x0];
	[tilespmem:v63+s6+$0x0] =	vst.idx.msk $0xffff, v42;
	s9 =	sor.u32 s17, s30  }
0x332: {  	v57 =	vor.u32 v16, v33;
	s3 =	sadd.s32 $0x10, s3;
	v42 =	vld [tilespmem:s9+$0x0];
	[tilespmem:v52+s6+$0x0] =	vst.idx.msk $0xffff, v45  }
0x333: {  	v58 =	vor.u32 v18, v36;
	[tilespmem:v53+s6+$0x0] =	vst.idx.msk $0xffff, v49;
	s3 =	sor.u32 $0x300, s3;
	s9 =	sadd.s32 $0xA900, s1;
	v45 =	vld [tilespmem:s13+$0x200]  }
0x334: {  	s28 =	simm.s32 $0x30;
	v59 =	vor.u32 v22, v34;
	s4 =	simm.s32 $0x100;
	v49 =	vld [tilespmem:s3+$0x6000];
	[tilespmem:v54+s6+$0x0] =	vst.idx.msk $0xffff, v37;
	s3 =	sor.u32 s5, s9  }
0x335: {  	s4 =	sor.u32 s28, s4;
	v60 =	vor.u32 v26, v39;
	s28 =	sadd.s32 $0x9000, s12;
	v37 =	vld [tilespmem:s3+$0x0];
	s3 =	simm.s32 $0x200;
	[tilespmem:v55+s6+$0x0] =	vst.idx.msk $0xffff, v47  }
0x336: {  	v61 =	vor.u32 v6, v35;
	s4 =	sor.u32 $0x380, s4;
	s11 =	sor.u32 s11, s3;
	v46 =	vld [tilespmem:s18+$0x280];
	s18 =	sor.u32 s7, s25;
	[tilespmem:v56+s6+$0x0] =	vst.idx.msk $0xffff, v38  }
0x337: {  	v62 =	vor.u32 v2, v40;
	s29 =	sor.u32 s29, s3;
	s25 =	sor.u32 s17, s28;
	v38 =	vld [tilespmem:s18+$0x0];
	[tilespmem:v57+s6+$0x0] =	vst.idx.msk $0xffff, v42;
	s18 =	simm.s32 $0x2  }
0x338: {  	v63 =	vor.u32 v28, v33;
	s3 =	sor.u32 s7, s14;
	s14 =	sadd.s32 $0xA980, s1;
	v42 =	vld [tilespmem:s25+$0x0];
	[tilespmem:v58+s6+$0x0] =	vst.idx.msk $0xffff, v45;
	s18 =	sand.u32 $0x3, s18  }
0x339: {  	s25 =	sor.u32 s7, s21;
	[tilespmem:v59+s6+$0x0] =	vst.idx.msk $0xffff, v49;
	s21 =	simm.s32 $0x4;
	v45 =	vld [tilespmem:s13+$0x280];
	s13 =	sshll.u32 s18, $0x5  }
0x33a: {  	v49 =	vld [tilespmem:s4+$0x6000];
	s4 =	sand.u32 $0x7, s21;
	[tilespmem:v60+s6+$0x0] =	vst.idx.msk $0xffff, v37;
	s21 =	sor.u32 s5, s14;
	s18 =	sadd.s32 $0x200, s13  }
0x33b: {  	v52 =	vor.u32 v21, v36;
	v37 =	vld [tilespmem:s21+$0x0];
	[tilespmem:v61+s6+$0x0] =	vst.idx.msk $0xffff, v46;
	s18 =	sor.u32 $0x300, s18  }
0x33c: {  	s15 =	sor.u32 s7, s15;
	s21 =	sadd.s32 $0x9080, s12;
	v46 =	vld [tilespmem:s18+$0x6000];
	[tilespmem:v62+s6+$0x0] =	vst.idx.msk $0xffff, v38  }
0x33d: {  	s13 =	sor.u32 s7, s20;
	s20 =	sor.u32 s7, s0;
	s0 =	sor.u32 s17, s21;
	v38 =	vld [tilespmem:s3+$0x0];
	[tilespmem:v63+s6+$0x0] =	vst.idx.msk $0xffff, v42  }
0x33e: {  	s16 =	sor.u32 s7, s16;
	v54 =	vor.u32 v27, v39;
	v42 =	vld [tilespmem:s0+$0x0];
	[smem:$0x74D] =	sst s15  }
0x33f: {  	v53 =	vor.u32 v23, v34;
	s4 =	sshll.u32 s4, $0x4;
	[smem:$0x753] =	sst s16  }
0x340: {  	s4 =	sadd.s32 $0x200, s4;
	[tilespmem:v52+s6+$0x0] =	vst.idx.msk $0xffff, v45  }
0x341: {  	s18 =	sor.u32 s7, s26;
	s4 =	sadd.s32 $0x10, s4;
	s26 =	sld [smem:$0x748]  }
0x342: {  	v55 =	vor.u32 v7, v35;
	s4 =	sor.u32 $0x300, s4;
	s15 =	sadd.s32 $0xAA00, s1  }
0x343: {  	v56 =	vor.u32 v3, v40;
	s3 =	sor.u32 s5, s15;
	v45 =	vld [tilespmem:s4+$0x6000];
	[tilespmem:v54+s6+$0x0] =	vst.idx.msk $0xffff, v37  }
0x344: {  	s10 =	sor.u32 s7, s10;
	[tilespmem:v53+s6+$0x0] =	vst.idx.msk $0xffff, v49;
	v37 =	vld [tilespmem:s3+$0x0];
	s0 =	sor.u32 s8, s26  }
0x345: {  	v57 =	vor.u32 v17, v33;
	s16 =	sor.u32 s7, s9;
	v49 =	vld [tilespmem:s0+$0x0];
	[smem:$0x757] =	sst s10  }
0x346: {  	s4 =	sadd.s32 $0xAB00, s1;
	[smem:$0x75B] =	sst s16  }
0x347: {  	s26 =	sadd.s32 $0xAA80, s1;
	s0 =	sadd.s32 $0xAB80, s1;
	s1 =	sor.u32 $0x380, s29;
	[tilespmem:v55+s6+$0x0] =	vst.idx.msk $0xffff, v46  }
0x348: {  	v58 =	vor.u32 v22, v36;
	s3 =	sor.u32 s7, s14;
	s9 =	sor.u32 s5, s26;
	[tilespmem:v56+s6+$0x0] =	vst.idx.msk $0xffff, v38;
	v46 =	vld [tilespmem:s1+$0x6000]  }
0x349: {  	s10 =	sor.u32 s5, s4;
	s29 =	sadd.s32 $0x9100, s12;
	v38 =	vld [tilespmem:s25+$0x0];
	[smem:$0x75E] =	sst s3  }
0x34a: {  	s16 =	sor.u32 s5, s0;
	s5 =	sor.u32 s17, s29;
	s25 =	sor.u32 s7, s15;
	[tilespmem:v57+s6+$0x0] =	vst.idx.msk $0xffff, v42  }
0x34b: {  	v59 =	vor.u32 v24, v34;
	s3 =	sor.u32 s7, s26;
	v42 =	vld [tilespmem:s5+$0x0];
	[smem:$0x768] =	sst s25  }
0x34c: {  	[smem:$0x776] =	sst s3  }
0x34d: {  	v60 =	vor.u32 v29, v39;
	s4 =	sor.u32 s7, s4;
	[tilespmem:v58+s6+$0x0] =	vst.idx.msk $0xffff, v45  }
0x34e: {  	s0 =	sor.u32 s7, s0;
	[smem:$0x784] =	sst s4  }
0x34f: {  	v61 =	vor.u32 v8, v35;
	[smem:$0x78B] =	sst s0  }
0x350: {  	s11 =	sor.u32 $0x380, s11;
	s5 =	sld [smem:$0x749];
	[tilespmem:v59+s6+$0x0] =	vst.idx.msk $0xffff, v49  }
0x351: {  	v62 =	vor.u32 v4, v40;
	v45 =	vld [tilespmem:s11+$0x6000];
	s11 =	sld [smem:$0x74A]  }
0x352: {  	s14 =	sld [smem:$0x74B];
	[tilespmem:v60+s6+$0x0] =	vst.idx.msk $0xffff, v37  }
0x353: {  	s15 =	sadd.s32 $0x7800, s23;
	s25 =	sor.u32 s8, s22;
	s7 =	sor.u32 s8, s5;
	v37 =	vld [tilespmem:s9+$0x0]  }
0x354: {  	v63 =	vor.u32 v19, v33;
	s22 =	sor.u32 s8, s30;
	[tilespmem:v61+s6+$0x0] =	vst.idx.msk $0xffff, v46;
	v49 =	vld [tilespmem:s7+$0x0];
	s7 =	sor.u32 s8, s19;
	s19 =	sor.u32 s2, s15  }
0x355: {  	v46 =	vld [tilespmem:s19+$0x0];
	[smem:$0x75A] =	sst s22  }
0x356: {  	v52 =	vor.u32 v23, v36;
	s3 =	sor.u32 s8, s28;
	[tilespmem:v62+s6+$0x0] =	vst.idx.msk $0xffff, v38  }
0x357: {  	s5 =	sor.u32 s8, s21;
	v38 =	vld [tilespmem:s13+$0x0];
	[smem:$0x75C] =	sst s3  }
0x358: {  	v53 =	vor.u32 v25, v34;
	s26 =	sor.u32 s8, s24;
	s24 =	sadd.s32 $0x9180, s12;
	[smem:$0x763] =	sst s5  }
0x359: {  	s0 =	sor.u32 s8, s11;
	s11 =	sor.u32 s17, s24;
	s13 =	sor.u32 s8, s29;
	[tilespmem:v63+s6+$0x0] =	vst.idx.msk $0xffff, v42  }
0x35a: {  	v54 =	vor.u32 v30, v39;
	v42 =	vld [tilespmem:s11+$0x0];
	[smem:$0x771] =	sst s13  }
0x35b: {  	s4 =	sor.u32 s8, s14;
	s14 =	sor.u32 s31, s15;
	s19 =	sor.u32 s8, s24;
	[tilespmem:v52+s6+$0x0] =	vst.idx.msk $0xffff, v45  }
0x35c: {  	v55 =	vor.u32 v9, v35;
	s15 =	sadd.s32 $0x9200, s12;
	v45 =	vld [tilespmem:s14+$0x0];
	[smem:$0x77F] =	sst s19  }
0x35d: {  	s22 =	sor.u32 s8, s15;
	[tilespmem:v53+s6+$0x0] =	vst.idx.msk $0xffff, v49  }
0x35e: {  	v56 =	vor.u32 v5, v40;
	s21 =	sadd.s32 $0x9280, s12;
	v49 =	vld [tilespmem:s0+$0x0];
	[smem:$0x789] =	sst s22  }
0x35f: {  	s3 =	sor.u32 s8, s21;
	[tilespmem:v54+s6+$0x0] =	vst.idx.msk $0xffff, v37  }
0x360: {  	s24 =	sadd.s32 $0x7880, s23;
	s5 =	sadd.s32 $0x9300, s12;
	v43 =	vld [tilespmem:s10+$0x0];
	[smem:$0x78A] =	sst s3  }
0x361: {  	v57 =	vor.u32 v20, v33;
	s13 =	sor.u32 s17, s15;
	s11 =	sor.u32 s2, s24;
	s15 =	sor.u32 s8, s5;
	[tilespmem:v55+s6+$0x0] =	vst.idx.msk $0xffff, v46  }
0x362: {  	v58 =	vor.u32 v24, v36;
	v46 =	vld [tilespmem:s11+$0x0];
	[smem:$0x76E] =	sst s15  }
0x363: {  	v59 =	vor.u32 v26, v34;
	s19 =	sadd.s32 $0x9380, s12;
	[tilespmem:v56+s6+$0x0] =	vst.idx.msk $0xffff, v38  }
0x364: {  	v38 =	vld [tilespmem:s20+$0x0];
	s20 =	sor.u32 s8, s19  }
0x365: {  	v60 =	vor.u32 v10, v35;
	[smem:$0x76D] =	sst s20  }
0x366: {  	s9 =	sor.u32 s17, s5;
	v63 =	vor.u32 v31, v39;
	s24 =	sor.u32 s31, s24;
	s22 =	simm.s32 $0x300;
	[tilespmem:v57+s6+$0x0] =	vst.idx.msk $0xffff, v42  }
0x367: {  	v61 =	vor.u32 v6, v40;
	s29 =	sand.u32 $0x1C00, s22;
	s22 =	simm.s32 $0x70;
	s3 =	sadd.s32 $0xA800, s12;
	[tilespmem:v58+s6+$0x0] =	vst.idx.msk $0xffff, v45;
	v42 =	vld [tilespmem:s13+$0x0]  }
0x368: {  	v62 =	vor.u32 v18, v33;
	s14 =	sor.u32 $0x6000, s29;
	s30 =	sand.u32 $0x70, s22;
	s11 =	sor.u32 s8, s3;
	[tilespmem:v59+s6+$0x0] =	vst.idx.msk $0xffff, v49;
	v45 =	vld [tilespmem:s24+$0x0]  }
0x369: {  	s5 =	sadd.s32 $0x7900, s23;
	v49 =	vld [tilespmem:s4+$0x0];
	s24 =	sor.u32 s30, s14;
	[smem:$0x74C] =	sst s11  }
0x36a: {  	v52 =	vor.u32 v25, v36;
	v56 =	vor.u32 s22, v0;
	s13 =	sor.u32 s2, s5;
	v57 =	vld [tilespmem:s24+$0x0];
	[tilespmem:v60+s6+$0x0] =	vst.idx.msk $0xffff, v46  }
0x36b: {  	s1 =	sor.u32 s17, s21;
	v51 =	vand.u32 $0x1F, v56;
	v37 =	vshll.u32 v56, $0x5;
	[tilespmem:v63+s6+$0x0] =	vst.idx.msk $0xffff, v43;
	v46 =	vld [tilespmem:s13+$0x0]  }
0x36c: {  	s21 =	sor.u32 s17, s19;
	s0 =	sadd.s32 $0xAA80, s12;
	s10 =	sadd.s32 $0xA880, s12;
	v51 =	vor.u32 v51, v37;
	[tilespmem:v61+s6+$0x0] =	vst.idx.msk $0xffff, v38;
	v41 =	vld [tilespmem:s16+$0x0]  }
0x36d: {  	s15 =	sor.u32 s17, s3;
	s19 =	simm.s32 $0x60;
	s16 =	sor.u32 s8, s10;
	v53 =	vld [tilespmem:s18+$0x0];
	[tilespmem:v62+s6+$0x0] =	vst.idx.msk $0xffff, v42  }
0x36e: {  	s20 =	sadd.s32 $0xA900, s12;
	s28 =	sand.u32 $0x60, s19;
	v58 =	vor.u32 v27, v34;
	v42 =	vld [tilespmem:s1+$0x0];
	[dreg:$0x18] =	wrdreg s16  }
0x36f: {  	s4 =	sor.u32 s28, s14;
	s14 =	sor.u32 s17, s20;
	s20 =	sor.u32 s8, s20;
	[tilespmem:v52+s6+$0x0] =	vst.idx.msk $0xffff, v45  }
0x370: {  	s3 =	sadd.s32 $0xA980, s12;
	s18 =	sadd.s32 $0xAA00, s12;
	[dreg:$0x14] =	wrdreg s20  }
0x371: {  	s11 =	sadd.s32 $0xAB00, s12;
	s1 =	sadd.s32 $0xAB80, s12;
	s12 =	sor.u32 s17, s18;
	[tilespmem:v51+s6+$0x0] =	vst.idx.msk $0xffff, v57  }
0x372: {  	v54 =	vor.u32 v11, v35;
	v63 =	vld [tilespmem:s4+$0x0];
	[smem:$0x779] =	sst s12  }
0x373: {  	s20 =	sor.u32 s17, s0;
	[tilespmem:v58+s6+$0x0] =	vst.idx.msk $0xffff, v49  }
0x374: {  	s12 =	sor.u32 s17, s11;
	v50 =	vld [tilespmem:s24+$0x80];
	[smem:$0x787] =	sst s20  }
0x375: {  	s16 =	sor.u32 s17, s3;
	s3 =	sor.u32 s8, s3;
	[smem:$0x78D] =	sst s12  }
0x376: {  	v60 =	vor.u32 v7, v40;
	s13 =	sor.u32 s17, s10;
	s10 =	sadd.s32 $0x7980, s23;
	v47 =	vld [tilespmem:s7+$0x0];
	[dreg:$0xd] =	wrdreg s3  }
0x377: {  	s12 =	sor.u32 s17, s1;
	s17 =	sor.u32 s2, s10;
	s20 =	sor.u32 s8, s18;
	[tilespmem:v54+s6+$0x0] =	vst.idx.msk $0xffff, v46  }
0x378: {  	s0 =	sor.u32 s8, s0;
	v58 =	vld [tilespmem:s17+$0x0];
	[dreg:$0x7] =	wrdreg s20  }
0x379: {  	v59 =	vmov s19;
	v61 =	vor.u32 v21, v33;
	s3 =	sor.u32 s8, s11;
	[dreg:$0x6] =	wrdreg s0  }
0x37a: {  	v38 =	vshll.u32 v59, $0x5;
	[dreg:$0x5] =	wrdreg s3  }
0x37b: {  	v38 =	vor.u32 v1, v38;
	s7 =	sor.u32 s8, s1;
	[tilespmem:v60+s6+$0x0] =	vst.idx.msk $0xffff, v53  }
0x37c: {  	v62 =	vor.u32 v0, v38;
	[dreg:$0x4] =	wrdreg s7  }
0x37d: {  	s8 =	sld [smem:$0x74D]  }
0x37e: {  	v56 =	vor.u32 v17, v37;
	[tilespmem:v61+s6+$0x0] =	vst.idx.msk $0xffff, v42  }
0x37f: {  	s17 =	sor.u32 s31, s10;
	v44 =	vld [tilespmem:s9+$0x0]  }
0x380: {  	v57 =	vor.u32 v29, v34;
	s11 =	sadd.s32 $0x7A00, s23;
	v43 =	vld [tilespmem:s8+$0x0];
	[smem:$0x74E] =	sst s17  }
0x381: {  	s0 =	sor.u32 s31, s11;
	[tilespmem:v62+s6+$0x0] =	vst.idx.msk $0xffff, v63  }
0x382: {  	v59 =	vor.u32 v12, v35;
	s18 =	sadd.s32 $0x7A80, s23;
	[smem:$0x74F] =	sst s0  }
0x383: {  	s1 =	sor.u32 s31, s18;
	[tilespmem:v56+s6+$0x0] =	vst.idx.msk $0xffff, v50  }
0x384: {  	v60 =	vor.u32 v8, v40;
	s8 =	sadd.s32 $0x7B00, s23;
	v63 =	vld [tilespmem:s4+$0x80];
	[smem:$0x750] =	sst s1  }
0x385: {  	s0 =	sor.u32 s31, s8;
	v50 =	vld [tilespmem:s24+$0x100];
	[tilespmem:v57+s6+$0x0] =	vst.idx.msk $0xffff, v47  }
0x386: {  	s9 =	sadd.s32 $0x7B80, s23;
	v46 =	vld [tilespmem:s26+$0x0];
	[smem:$0x751] =	sst s0  }
0x387: {  	s20 =	sor.u32 s2, s11;
	s1 =	sor.u32 s31, s9;
	[tilespmem:v59+s6+$0x0] =	vst.idx.msk $0xffff, v58  }
0x388: {  	v49 =	vld [tilespmem:s20+$0x0];
	[smem:$0x752] =	sst s1  }
0x389: {  	v61 =	vor.u32 v22, v33;
	[tilespmem:v60+s6+$0x0] =	vst.idx.msk $0xffff, v43  }
0x38a: {  	s7 =	sor.u32 s31, s5;
	s5 =	sor.u32 s2, s18;
	s18 =	sld [smem:$0x753]  }
0x38b: {  	s11 =	sadd.s32 $0x9000, s23;
	v62 =	vor.u32 v2, v38  }
0x38c: {  	s0 =	sor.u32 s31, s11  }
0x38d: {  	s17 =	sadd.s32 $0x9080, s23;
	v56 =	vor.u32 v19, v37;
	v42 =	vld [tilespmem:s18+$0x0];
	[smem:$0x754] =	sst s0  }
0x38e: {  	s1 =	sor.u32 s31, s17;
	[tilespmem:v61+s6+$0x0] =	vst.idx.msk $0xffff, v44  }
0x38f: {  	v57 =	vor.u32 v30, v34;
	s20 =	sadd.s32 $0x9100, s23;
	v44 =	vld [tilespmem:s21+$0x0];
	[smem:$0x755] =	sst s1  }
0x390: {  	s26 =	sor.u32 s2, s9;
	s3 =	sor.u32 s31, s20;
	[tilespmem:v62+s6+$0x0] =	vst.idx.msk $0xffff, v63  }
0x391: {  	s9 =	sor.u32 s2, s11;
	s11 =	sadd.s32 $0x9180, s23;
	[dreg:$0x1e] =	wrdreg s3  }
0x392: {  	v58 =	vor.u32 v13, v35;
	s1 =	sor.u32 s31, s11;
	[tilespmem:v56+s6+$0x0] =	vst.idx.msk $0xffff, v50  }
0x393: {  	s18 =	sadd.s32 $0x9200, s23;
	v53 =	vld [tilespmem:s4+$0x100];
	[dreg:$0x1c] =	wrdreg s1  }
0x394: {  	s10 =	sor.u32 s2, s8;
	s8 =	sor.u32 s2, s20;
	s20 =	sor.u32 s2, s18;
	[tilespmem:v57+s6+$0x0] =	vst.idx.msk $0xffff, v46  }
0x395: {  	v59 =	vor.u32 v9, v40;
	s3 =	sor.u32 s31, s18;
	v50 =	vld [tilespmem:s24+$0x180];
	[smem:$0x756] =	sst s20  }
0x396: {  	s21 =	sadd.s32 $0x9280, s23;
	v46 =	vld [tilespmem:s25+$0x0];
	[dreg:$0x1a] =	wrdreg s3  }
0x397: {  	s25 =	sor.u32 s2, s21;
	[tilespmem:v58+s6+$0x0] =	vst.idx.msk $0xffff, v49  }
0x398: {  	s1 =	sor.u32 s31, s21;
	[smem:$0x78C] =	sst s25  }
0x399: {  	v49 =	vld [tilespmem:s5+$0x0];
	[dreg:$0x17] =	wrdreg s1  }
0x39a: {  	v60 =	vor.u32 v23, v33;
	[tilespmem:v59+s6+$0x0] =	vst.idx.msk $0xffff, v42  }
0x39b: {  	s21 =	sld [smem:$0x757]  }
0x39c: {  	s0 =	sor.u32 s2, s17;
	s17 =	sor.u32 s2, s11;
	s11 =	sadd.s32 $0x9300, s23  }
0x39d: {  	s3 =	sor.u32 s31, s11  }
0x39e: {  	s18 =	sadd.s32 $0x9380, s23;
	v42 =	vld [tilespmem:s21+$0x0];
	[dreg:$0x16] =	wrdreg s3  }
0x39f: {  	v61 =	vor.u32 v3, v38;
	s20 =	sor.u32 s2, s11;
	s11 =	sor.u32 s2, s18;
	[tilespmem:v60+s6+$0x0] =	vst.idx.msk $0xffff, v44  }
0x3a0: {  	v62 =	vor.u32 v20, v37;
	s25 =	sadd.s32 $0xA800, s23;
	s1 =	sor.u32 s31, s18;
	[smem:$0x758] =	sst s11  }
0x3a1: {  	v63 =	vor.u32 v31, v34;
	s18 =	sor.u32 s2, s25;
	v44 =	vld [tilespmem:s15+$0x0];
	[dreg:$0x15] =	wrdreg s1  }
0x3a2: {  	s21 =	sor.u32 s31, s25;
	[smem:$0x759] =	sst s18  }
0x3a3: {  	[dreg:$0x12] =	wrdreg s21  }
0x3a4: {  	[tilespmem:v61+s6+$0x0] =	vst.idx.msk $0xffff, v53  }
0x3a5: {  	[tilespmem:v62+s6+$0x0] =	vst.idx.msk $0xffff, v50  }
0x3a6: {  	[tilespmem:v63+s6+$0x0] =	vst.idx.msk $0xffff, v46  }
0x3a7: {  	s25 =	sld [smem:$0x75A]  }
0x3a8: {  	v56 =	vor.u32 v14, v35  }
0x3a9: {  	s1 =	sadd.s32 $0xA880, s23;
	v53 =	vld [tilespmem:s4+$0x180]  }
0x3aa: {  	s5 =	sadd.s32 $0xA980, s23;
	v46 =	vld [tilespmem:s25+$0x0];
	s25 =	sor.u32 s2, s1  }
0x3ab: {  	v57 =	vor.u32 v10, v40;
	s3 =	sadd.s32 $0xA900, s23;
	v50 =	vld [tilespmem:s24+$0x200];
	s1 =	sor.u32 s31, s1;
	[dreg:$0x1f] =	wrdreg s25  }
0x3ac: {  	s11 =	sadd.s32 $0xAA00, s23;
	s15 =	sadd.s32 $0xAA80, s23;
	[dreg:$0x13] =	wrdreg s1  }
0x3ad: {  	s18 =	sadd.s32 $0xAB00, s23;
	s21 =	sadd.s32 $0xAB80, s23;
	s23 =	sor.u32 s2, s3;
	[tilespmem:v56+s6+$0x0] =	vst.idx.msk $0xffff, v49  }
0x3ae: {  	v58 =	vor.u32 v24, v33;
	s25 =	sor.u32 s31, s3;
	v49 =	vld [tilespmem:s10+$0x0];
	[dreg:$0x11] =	wrdreg s23  }
0x3af: {  	[dreg:$0xf] =	wrdreg s25  }
0x3b0: {  	[tilespmem:v57+s6+$0x0] =	vst.idx.msk $0xffff, v42  }
0x3b1: {  	s3 =	sor.u32 s2, s5;
	s10 =	sld [smem:$0x75B]  }
0x3b2: {  	[dreg:$0xe] =	wrdreg s3  }
0x3b3: {  	s23 =	sor.u32 s2, s11;
	[tilespmem:v58+s6+$0x0] =	vst.idx.msk $0xffff, v44  }
0x3b4: {  	v59 =	vor.u32 v4, v38;
	s25 =	sor.u32 s2, s15;
	v42 =	vld [tilespmem:s10+$0x0];
	[dreg:$0xb] =	wrdreg s23  }
0x3b5: {  	[dreg:$0x9] =	wrdreg s25  }
0x3b6: {  	s25 =	sor.u32 s2, s18;
	s23 =	sor.u32 s2, s21;
	s2 =	sor.u32 s31, s5  }
0x3b7: {  	v60 =	vor.u32 v18, v37;
	s3 =	sor.u32 s31, s11;
	v44 =	vld [tilespmem:s13+$0x0];
	[dreg:$0x10] =	wrdreg s2  }
0x3b8: {  	v61 =	vor.u32 v32, v34;
	[dreg:$0xc] =	wrdreg s3  }
0x3b9: {  	s5 =	sor.u32 s31, s15;
	[tilespmem:v59+s6+$0x0] =	vst.idx.msk $0xffff, v53  }
0x3ba: {  	s10 =	sor.u32 s31, s18;
	[dreg:$0xa] =	wrdreg s5  }
0x3bb: {  	v62 =	vor.u32 v15, v35;
	[dreg:$0x8] =	wrdreg s10  }
0x3bc: {  	[tilespmem:v60+s6+$0x0] =	vst.idx.msk $0xffff, v50  }
0x3bd: {  	v63 =	vor.u32 v11, v40;
	s11 =	simm.s32 $0x300;
	[tilespmem:v61+s6+$0x0] =	vst.idx.msk $0xffff, v46  }
0x3be: {  	s13 =	sor.u32 s22, s11;
	s22 =	sld [smem:$0x75C]  }
0x3bf: {  	v56 =	vor.u32 v25, v33;
	v53 =	vld [tilespmem:s4+$0x200]  }
0x3c0: {  	v50 =	vld [tilespmem:s24+$0x280];
	[tilespmem:v62+s6+$0x0] =	vst.idx.msk $0xffff, v49;
	s24 =	simm.s32 $0x6  }
0x3c1: {  	s15 =	sadd.s32 $0x7800, s29;
	v46 =	vld [tilespmem:s22+$0x0];
	[smem:$0x75D] =	sst s24  }
0x3c2: {  	v57 =	vor.u32 v5, v38;
	s18 =	sor.u32 s31, s21;
	s21 =	simm.s32 $0x6;
	s1 =	sor.u32 s28, s15;
	[tilespmem:v63+s6+$0x0] =	vst.idx.msk $0xffff, v42  }
0x3c3: {  	s10 =	sor.u32 s19, s11;
	s5 =	sand.u32 $0x7, s21;
	s19 =	sld [smem:$0x75E]  }
0x3c4: {  	s3 =	sor.u32 s30, s15;
	s15 =	sadd.s32 $0x7880, s29;
	s5 =	sshll.u32 s5, $0x4;
	v49 =	vld [tilespmem:s26+$0x0];
	[tilespmem:v56+s6+$0x0] =	vst.idx.msk $0xffff, v44  }
0x3c5: {  	v58 =	vor.u32 v21, v37;
	s21 =	sadd.s32 $0x300, s5;
	s5 =	sor.u32 s30, s15;
	v44 =	vld [tilespmem:s14+$0x0]  }
0x3c6: {  	v59 =	vor.u32 v0, v34;
	s22 =	sadd.s32 $0x7900, s29;
	v42 =	vld [tilespmem:s19+$0x0];
	[smem:$0x75F] =	sst s5  }
0x3c7: {  	s26 =	sor.u32 s28, s22;
	[tilespmem:v57+s6+$0x0] =	vst.idx.msk $0xffff, v53  }
0x3c8: {  	s14 =	sor.u32 s30, s22;
	[smem:$0x760] =	sst s26  }
0x3c9: {  	v48 =	vld [tilespmem:s4+$0x280];
	[smem:$0x761] =	sst s14  }
0x3ca: {  	[tilespmem:v58+s6+$0x0] =	vst.idx.msk $0xffff, v50  }
0x3cb: {  	v60 =	vor.u32 v16, v35;
	[tilespmem:v59+s6+$0x0] =	vst.idx.msk $0xffff, v46  }
0x3cc: {  	s24 =	sadd.s32 $0x10, s21;
	s19 =	sadd.s32 $0x7980, s29;
	s26 =	sld [smem:$0x763]  }
0x3cd: {  	s2 =	sor.u32 s28, s15;
	s15 =	sor.u32 $0x300, s24;
	s21 =	sor.u32 s28, s19  }
0x3ce: {  	s5 =	sor.u32 s30, s19;
	v50 =	vld [tilespmem:s15+$0x6000];
	[smem:$0x762] =	sst s21  }
0x3cf: {  	v61 =	vor.u32 v12, v40;
	s22 =	sadd.s32 $0x7A00, s29;
	v46 =	vld [tilespmem:s26+$0x0];
	[smem:$0x764] =	sst s5  }
0x3d0: {  	s15 =	sor.u32 s28, s22;
	[tilespmem:v60+s6+$0x0] =	vst.idx.msk $0xffff, v49  }
0x3d1: {  	s19 =	simm.s32 $0x3;
	[smem:$0x765] =	sst s15  }
0x3d2: {  	v62 =	vor.u32 v26, v33;
	s4 =	sor.u32 s30, s22;
	[smem:$0x766] =	sst s19  }
0x3d3: {  	v49 =	vld [tilespmem:s9+$0x0];
	[smem:$0x767] =	sst s4  }
0x3d4: {  	[tilespmem:v61+s6+$0x0] =	vst.idx.msk $0xffff, v42  }
0x3d5: {  	v63 =	vor.u32 v6, v38;
	s24 =	simm.s32 $0x3;
	s26 =	sld [smem:$0x768]  }
0x3d6: {  	s21 =	sand.u32 $0x3, s24;
	s24 =	sadd.s32 $0x7A80, s29  }
0x3d7: {  	s11 =	sor.u32 s28, s24;
	[tilespmem:v62+s6+$0x0] =	vst.idx.msk $0xffff, v44  }
0x3d8: {  	v56 =	vor.u32 v22, v37;
	s5 =	sor.u32 s30, s24;
	v42 =	vld [tilespmem:s26+$0x0];
	[smem:$0x769] =	sst s11  }
0x3d9: {  	s14 =	sadd.s32 $0x7B00, s29;
	s22 =	sshll.u32 s21, $0x5;
	v44 =	vld [tilespmem:s16+$0x0];
	[smem:$0x76A] =	sst s5  }
0x3da: {  	s15 =	sor.u32 s28, s14;
	s4 =	sadd.s32 $0x300, s22;
	[tilespmem:v63+s6+$0x0] =	vst.idx.msk $0xffff, v48  }
0x3db: {  	v57 =	vor.u32 v2, v34;
	s4 =	sor.u32 $0x300, s4;
	s16 =	sor.u32 s30, s14;
	[smem:$0x76B] =	sst s15  }
0x3dc: {  	s21 =	sadd.s32 $0x7B80, s29;
	v48 =	vld [tilespmem:s4+$0x6000];
	[smem:$0x76C] =	sst s16  }
0x3dd: {  	s19 =	sor.u32 $0x380, s13;
	s22 =	sor.u32 s28, s21;
	s9 =	sld [smem:$0x76D];
	[tilespmem:v56+s6+$0x0] =	vst.idx.msk $0xffff, v50  }
0x3de: {  	s24 =	sor.u32 s30, s21;
	v50 =	vld [tilespmem:s19+$0x6000];
	[smem:$0x76F] =	sst s22  }
0x3df: {  	[smem:$0x770] =	sst s24  }
0x3e0: {  	s13 =	sld [smem:$0x76E];
	[tilespmem:v57+s6+$0x0] =	vst.idx.msk $0xffff, v46  }
0x3e1: {  	v58 =	vor.u32 v28, v35;
	s11 =	sld [smem:$0x771]  }
0x3e2: {  	s26 =	sadd.s32 $0x9000, s29  }
0x3e3: {  	s14 =	sor.u32 s28, s26  }
0x3e4: {  	v59 =	vor.u32 v13, v40;
	s4 =	sor.u32 s30, s26;
	v46 =	vld [tilespmem:s11+$0x0];
	[smem:$0x772] =	sst s14  }
0x3e5: {  	s15 =	sadd.s32 $0x9080, s29;
	[smem:$0x773] =	sst s4  }
0x3e6: {  	s16 =	sor.u32 s28, s15;
	[tilespmem:v58+s6+$0x0] =	vst.idx.msk $0xffff, v49  }
0x3e7: {  	s19 =	sor.u32 s30, s15;
	v49 =	vld [tilespmem:s0+$0x0];
	[smem:$0x774] =	sst s16  }
0x3e8: {  	[smem:$0x775] =	sst s19  }
0x3e9: {  	[tilespmem:v59+s6+$0x0] =	vst.idx.msk $0xffff, v42  }
0x3ea: {  	v60 =	vor.u32 v27, v33;
	s22 =	sld [smem:$0x776]  }
0x3eb: {  	s21 =	sadd.s32 $0x9100, s29  }
0x3ec: {  	s24 =	sor.u32 s28, s21  }
0x3ed: {  	v61 =	vor.u32 v7, v38;
	s0 =	sor.u32 s30, s21;
	v42 =	vld [tilespmem:s22+$0x0];
	[smem:$0x777] =	sst s24  }
0x3ee: {  	[smem:$0x778] =	sst s0  }
0x3ef: {  	[tilespmem:v60+s6+$0x0] =	vst.idx.msk $0xffff, v44  }
0x3f0: {  	v62 =	vor.u32 v23, v37;
	s5 =	sld [smem:$0x779]  }
0x3f1: {  	s26 =	sadd.s32 $0x9180, s29  }
0x3f2: {  	s14 =	sor.u32 s28, s26;
	[tilespmem:v61+s6+$0x0] =	vst.idx.msk $0xffff, v48  }
0x3f3: {  	v63 =	vor.u32 v3, v34;
	s11 =	sor.u32 $0x380, s10;
	s0 =	sor.u32 s30, s26;
	v44 =	vld [tilespmem:s5+$0x0];
	[smem:$0x77A] =	sst s14  }
0x3f4: {  	s15 =	sadd.s32 $0x9200, s29;
	v48 =	vld [tilespmem:s11+$0x6000];
	[smem:$0x77B] =	sst s0  }
0x3f5: {  	s16 =	sor.u32 s28, s15;
	[tilespmem:v62+s6+$0x0] =	vst.idx.msk $0xffff, v50  }
0x3f6: {  	s21 =	sor.u32 s30, s15;
	[smem:$0x77C] =	sst s16  }
0x3f7: {  	v50 =	vld [tilespmem:s3+$0x0];
	[smem:$0x77D] =	sst s21  }
0x3f8: {  	v56 =	vor.u32 v17, v35;
	[tilespmem:v63+s6+$0x0] =	vst.idx.msk $0xffff, v46  }
0x3f9: {  	s19 =	sadd.s32 $0x9280, s29;
	s26 =	sld [smem:$0x77F]  }
0x3fa: {  	s22 =	sor.u32 s28, s19  }
0x3fb: {  	v57 =	vor.u32 v14, v40;
	s0 =	sor.u32 s30, s19;
	[smem:$0x77E] =	sst s22  }
0x3fc: {  	s24 =	sadd.s32 $0x9300, s29;
	v46 =	vld [tilespmem:s26+$0x0];
	[smem:$0x780] =	sst s0  }
0x3fd: {  	s4 =	sor.u32 s28, s24;
	[tilespmem:v56+s6+$0x0] =	vst.idx.msk $0xffff, v49  }
0x3fe: {  	s3 =	sor.u32 s30, s24;
	[smem:$0x781] =	sst s4  }
0x3ff: {  	v52 =	vld [tilespmem:s8+$0x0];
	[smem:$0x782] =	sst s3  }
0x400: {  	[tilespmem:v57+s6+$0x0] =	vst.idx.msk $0xffff, v42  }
0x401: {  	v58 =	vor.u32 v29, v33;
	s5 =	sadd.s32 $0x9380, s29;
	s14 =	sld [smem:$0x784]  }
0x402: {  	v59 =	vor.u32 v8, v38;
	s11 =	sor.u32 s28, s5  }
0x403: {  	v51 =	vor.u32 v24, v37;
	s10 =	sadd.s32 $0xA800, s29;
	s0 =	sor.u32 s30, s5;
	[smem:$0x783] =	sst s11  }
0x404: {  	s15 =	sor.u32 s30, s10;
	v42 =	vld [tilespmem:s14+$0x0];
	[smem:$0x785] =	sst s0  }
0x405: {  	[smem:$0x786] =	sst s15  }
0x406: {  	v60 =	vor.u32 v4, v34;
	[tilespmem:v58+s6+$0x0] =	vst.idx.msk $0xffff, v44  }
0x407: {  	v61 =	vor.u32 v19, v35;
	s16 =	sld [smem:$0x787];
	[tilespmem:v59+s6+$0x0] =	vst.idx.msk $0xffff, v48  }
0x408: {  	s19 =	sadd.s32 $0xA880, s29;
	v62 =	vor.u32 v15, v40;
	s21 =	sadd.s32 $0xA900, s29;
	[tilespmem:v51+s6+$0x0] =	vst.idx.msk $0xffff, v50;
	v51 =	vld [tilespmem:s7+$0x0]  }
0x409: {  	s31 =	sor.u32 s28, s10;
	s24 =	sor.u32 s28, s21;
	s14 =	sor.u32 s28, s19;
	v55 =	vld [tilespmem:s1+$0x0]  }
0x40a: {  	v63 =	vor.u32 v30, v33;
	s22 =	sor.u32 s30, s19;
	s5 =	sadd.s32 $0xAA80, s29;
	v45 =	vld [tilespmem:s16+$0x0];
	[smem:$0x788] =	sst s14  }
0x40b: {  	s26 =	sadd.s32 $0xAB80, s29;
	s8 =	sadd.s32 $0xAB00, s29;
	s3 =	simm.s32 $0x12000;
	[tilespmem:v60+s6+$0x0] =	vst.idx.msk $0xffff, v46  }
0x40c: {  	v56 =	vor.u32 v9, v38;
	s4 =	sadd.s32 $0xA980, s29;
	s10 =	sor.u32 s28, s8;
	s15 =	sld [smem:$0x789];
	[tilespmem:v61+s3+$0x0] =	vst.idx.msk $0xffff, v52  }
0x40d: {  	s11 =	sor.u32 s28, s5;
	s1 =	sadd.s32 $0xAA00, s29;
	v50 =	vld [tilespmem:s17+$0x0];
	s17 =	sld [smem:$0x78A];
	[tilespmem:v62+s3+$0x0] =	vst.idx.msk $0xffff, v42  }
0x40e: {  	v57 =	vor.u32 v32, v39;
	s19 =	sor.u32 s28, s4;
	s14 =	sor.u32 s28, s1;
	s16 =	sld [smem:$0x78B]  }
0x40f: {  	s6 =	sor.u32 s28, s26;
	s28 =	smov.u32 s20;
	s20 =	sld [smem:$0x78C];
	[tilespmem:v63+s3+$0x0] =	vst.idx.msk $0xffff, v45  }
0x410: {  	v49 =	vld [tilespmem:s15+$0x0];
	s15 =	sor.u32 s30, s1;
	s1 =	sor.u32 s30, s26;
	s26 =	sld [smem:$0x78D]  }
0x411: {  	v47 =	vor.u32 v6, v34;
	v53 =	vor.u32 v26, v36;
	s21 =	sor.u32 s30, s21;
	[tilespmem:v56+s3+$0x0] =	vst.idx.msk $0xffff, v55;
	v46 =	vld [tilespmem:s16+$0x0]  }
0x412: {  	v39 =	vor.u32 v10, v38;
	s5 =	sor.u32 s30, s5;
	v44 =	vor.u32 v16, v40;
	v40 =	vor.u32 v20, v35;
	s29 =	simm.s32 $0x400;
	s16 =	sor.u32 s30, s4;
	v52 =	vld [tilespmem:s2+$0x0]  }
0x413: {  	v48 =	vor.u32 v5, v34;
	v45 =	vor.u32 v31, v33;
	[tilespmem:v57+s3+$0x0] =	vst.idx.msk $0xffff, v41;
	s4 =	sor.u32 s30, s8;
	s30 =	simm.s32 $0x80;
	v43 =	vld [tilespmem:s26+$0x0];
	s26 =	simm.s32 $0x6  }
.LBB2_9:
0x414: {  	[smem:$0x720] =	sst s31  }
0x415: {  	[smem:$0x723] =	sst s24  }
0x416: {  	[smem:$0x726] =	sst s19  }
0x417: {  	[smem:$0x72E] =	sst s14  }
0x418: {  	[smem:$0x730] =	sst s21  }
0x419: {  	[smem:$0x72D] =	sst s22  }
0x41a: {  	[smem:$0x733] =	sst s23  }
0x41b: {  	[smem:$0x744] =	sst s25  }
0x41c: {  	[smem:$0x738] =	sst s15  }
0x41d: {  	[smem:$0x742] =	sst s18  }
0x41e: {  	[smem:$0x734] =	sst s6  }
0x41f: {  	[smem:$0x73D] =	sst s5  }
0x420: {  	[smem:$0x737] =	sst s16  }
0x421: {  	[smem:$0x73A] =	sst s11  }
0x422: {  	[smem:$0x745] =	sst s10  }
0x423: {  	[smem:$0x73F] =	sst s4  }
0x424: {  	[smem:$0x743] =	sst s1  }
0x425: {  	s0 =	sld [smem:$0x75F]  }
0x426: {  	s10 =	sadd.s32 $0x10, s30;
	s15 =	sld [smem:$0x756]  }
0x427: {  	s2 =	sand.u32 $0x1C00, s29;
	s25 =	sld [smem:$0x74E];
	s7 =	sand.u32 $0x70, s10  }
0x428: {  	v63 =	vor.u32 s10, v0;
	s1 =	sor.u32 s10, s29;
	s19 =	sadd.s32 $0x7900, s2;
	s10 =	sld [smem:$0x760]  }
0x429: {  	s16 =	simm.s32 $0x12000;
	[smem:$0x728] =	sst s1;
	s4 =	sor.u32 s7, s19  }
0x42a: {  	s14 =	sor.u32 $0x6000, s2;
	s18 =	sadd.s32 $0x7880, s2;
	[smem:$0x73E] =	sst s4  }
0x42b: {  	v42 =	vld [tilespmem:s0+$0x0];
	[tilespmem:v48+s3+$0x0] =	vst.idx.msk $0xffff, v49;
	s0 =	sand.u32 $0x60, s30;
	s3 =	sor.u32 s7, s18;
	s4 =	sld [smem:$0x74F]  }
0x42c: {  	s11 =	sor.u32 s7, s14;
	s23 =	sor.u32 s0, s18;
	[smem:$0x75F] =	sst s3  }
0x42d: {  	[tilespmem:v40+s16+$0x0] =	vst.idx.msk $0xffff, v50;
	v50 =	vld [tilespmem:s17+$0x0];
	s17 =	sadd.s32 $0x7800, s2;
	s24 =	sor.u32 s0, s19;
	[smem:$0x747] =	sst s23  }
0x42e: {  	v41 =	vmov s30;
	v56 =	vld [tilespmem:s15+$0x0];
	s6 =	sor.u32 s0, s14;
	[tilespmem:v44+s16+$0x0] =	vst.idx.msk $0xffff, v46;
	s8 =	sor.u32 s0, s17;
	[smem:$0x71B] =	sst s24  }
0x42f: {  	v55 =	vor.u32 v25, v37;
	v41 =	vshll.u32 v41, $0x5;
	v49 =	vor.u32 v18, v35;
	[tilespmem:v45+s16+$0x0] =	vst.idx.msk $0xffff, v43;
	s18 =	sadd.s32 $0x7A80, s2;
	v48 =	vld [tilespmem:s11+$0x0];
	s1 =	sor.u32 s7, s17;
	[smem:$0x73C] =	sst s8  }
0x430: {  	v40 =	vor.u32 v1, v41;
	v54 =	vand.u32 $0x1F, v63;
	v41 =	vshll.u32 v63, $0x5;
	v43 =	vld [tilespmem:s6+$0x0];
	[tilespmem:v53+s16+$0x0] =	vst.idx.msk $0xffff, v51;
	s15 =	sor.u32 s0, s18;
	s17 =	sadd.s32 $0x7B00, s2;
	[smem:$0x732] =	sst s1  }
0x431: {  	v54 =	vor.u32 v54, v41;
	s3 =	sadd.s32 $0x9100, s2;
	[tilespmem:v39+s16+$0x0] =	vst.idx.msk $0xffff, v52;
	v51 =	vld [tilespmem:s25+$0x0];
	[smem:$0x71E] =	sst s15;
	s21 =	sor.u32 s0, s17  }
0x432: {  	v63 =	vor.u32 v11, v38;
	s8 =	sadd.s32 $0x7A00, s2;
	v62 =	vld [tilespmem:s10+$0x0];
	s25 =	sor.u32 s0, s3;
	[smem:$0x71F] =	sst s21  }
0x433: {  	v61 =	vor.u32 v27, v36;
	s14 =	sor.u32 s0, s8;
	[smem:$0x736] =	sst s25;
	[tilespmem:v47+s16+$0x0] =	vst.idx.msk $0xffff, v50  }
0x434: {  	[smem:$0x71D] =	sst s14;
	[tilespmem:v49+s16+$0x0] =	vst.idx.msk $0xffff, v56;
	v49 =	vor.u32 v7, v34;
	v47 =	vld [tilespmem:s13+$0x0]  }
0x435: {  	s1 =	sadd.s32 $0x7980, s2;
	s3 =	sor.u32 s7, s3;
	s14 =	sld [smem:$0x762];
	v50 =	vld [tilespmem:s20+$0x0];
	[tilespmem:v55+s16+$0x0] =	vst.idx.msk $0xffff, v42;
	v55 =	vor.u32 v21, v35  }
0x436: {  	v46 =	vor.u32 v0, v40;
	s15 =	sadd.s32 $0x9000, s2;
	s5 =	sor.u32 s0, s1;
	[smem:$0x72A] =	sst s3;
	v42 =	vld [tilespmem:s12+$0x0];
	[tilespmem:v54+s16+$0x0] =	vst.idx.msk $0xffff, v48  }
0x437: {  	s23 =	sor.u32 s0, s15;
	[smem:$0x71C] =	sst s5;
	[tilespmem:v63+s16+$0x0] =	vst.idx.msk $0xffff, v62;
	v48 =	vld [tilespmem:s11+$0x80]  }
0x438: {  	v60 =	vor.u32 v10, v40;
	v59 =	vor.u32 v17, v41;
	s19 =	sadd.s32 $0x9180, s2;
	[smem:$0x725] =	sst s23;
	[tilespmem:v61+s16+$0x0] =	vst.idx.msk $0xffff, v51;
	v62 =	vld [tilespmem:s14+$0x0]  }
0x439: {  	v39 =	vmov v60;
	s13 =	sadd.s32 $0x7B80, s2;
	s12 =	sor.u32 s0, s19;
	s19 =	sor.u32 s7, s19;
	v61 =	vor.u32 v29, v36;
	v60 =	vld [tilespmem:s4+$0x0];
	[tilespmem:v49+s16+$0x0] =	vst.idx.msk $0xffff, v47  }
0x43a: {  	v57 =	vor.u32 v8, v34;
	s22 =	sor.u32 s0, s13;
	s10 =	sor.u32 s7, s13;
	[smem:$0x735] =	sst s19;
	[tilespmem:v55+s16+$0x0] =	vst.idx.msk $0xffff, v50;
	v47 =	vld [tilespmem:s9+$0x0]  }
0x43b: {  	v63 =	vor.u32 v12, v38;
	s13 =	sor.u32 s7, s15;
	[smem:$0x721] =	sst s22;
	s22 =	sadd.s32 $0x9080, s2;
	[tilespmem:v46+s16+$0x0] =	vst.idx.msk $0xffff, v43  }
0x43c: {  	s24 =	sor.u32 s0, s22;
	s15 =	sor.u32 s7, s22;
	s22 =	sld [smem:$0x750];
	v43 =	vld [tilespmem:s28+$0x0]  }
0x43d: {  	s23 =	sor.u32 s7, s8;
	s8 =	sadd.s32 $0x9300, s2;
	s19 =	sld [smem:$0x74C];
	v50 =	vld [tilespmem:s6+$0x80];
	[tilespmem:v59+s16+$0x0] =	vst.idx.msk $0xffff, v48  }
0x43e: {  	[smem:$0x741] =	sst s12;
	s12 =	sor.u32 s0, s8;
	s8 =	sor.u32 s7, s8;
	v48 =	vld [tilespmem:s11+$0x100];
	[tilespmem:v61+s16+$0x0] =	vst.idx.msk $0xffff, v60  }
0x43f: {  	v58 =	vor.u32 v22, v35;
	[smem:$0x729] =	sst s8;
	s9 =	sadd.s32 $0xA980, s2;
	v45 =	vld [tilespmem:s22+$0x0];
	[tilespmem:v57+s16+$0x0] =	vst.idx.msk $0xffff, v47  }
0x440: {  	s31 =	sadd.s32 $0x9200, s2;
	v56 =	vor.u32 v2, v40;
	[tilespmem:v63+s16+$0x0] =	vst.idx.msk $0xffff, v62;
	s22 =	sld [smem:$0x765];
	v62 =	vld [tilespmem:s19+$0x0];
	s19 =	sor.u32 s0, s9  }
0x441: {  	[smem:$0x727] =	sst s19;
	s19 =	sor.u32 s7, s31  }
0x442: {  	[smem:$0x740] =	sst s19  }
0x443: {  	s21 =	sor.u32 s0, s31;
	s25 =	sadd.s32 $0xA880, s2;
	s19 =	sld [smem:$0x758]  }
0x444: {  	s3 =	sadd.s32 $0xAA00, s2;
	[smem:$0x72B] =	sst s24;
	s24 =	sadd.s32 $0x9280, s2;
	v52 =	vld [tilespmem:s22+$0x0];
	[tilespmem:v58+s16+$0x0] =	vst.idx.msk $0xffff, v43  }
0x445: {  	[smem:$0x724] =	sst s15;
	s15 =	sor.u32 s0, s25;
	s4 =	sor.u32 s0, s24;
	[tilespmem:v56+s16+$0x0] =	vst.idx.msk $0xffff, v50  }
0x446: {  	[smem:$0x722] =	sst s15;
	s31 =	sadd.s32 $0xAA80, s2;
	v57 =	vld [tilespmem:s19+$0x0];
	s19 =	sor.u32 s0, s3  }
0x447: {  	[smem:$0x72F] =	sst s19;
	s19 =	sor.u32 s7, s24;
	s24 =	sor.u32 s0, s31  }
0x448: {  	v59 =	vor.u32 v19, v41;
	s3 =	sor.u32 s7, s3;
	[smem:$0x73B] =	sst s24;
	s24 =	sadd.s32 $0xAB00, s2  }
0x449: {  	s28 =	sadd.s32 $0xA800, s2;
	v61 =	vor.u32 v13, v38;
	[smem:$0x739] =	sst s3;
	s8 =	sor.u32 s0, s24  }
0x44a: {  	v60 =	vor.u32 v30, v36;
	[smem:$0x746] =	sst s8;
	s8 =	sor.u32 s7, s28  }
0x44b: {  	v58 =	vor.u32 v23, v35;
	[smem:$0x72C] =	sst s8  }
0x44c: {  	v55 =	vor.u32 v3, v40;
	v50 =	vld [tilespmem:s6+$0x100];
	s8 =	sld [smem:$0x769]  }
0x44d: {  	s5 =	sor.u32 s7, s17;
	s17 =	sor.u32 s0, s28;
	[tilespmem:v59+s16+$0x0] =	vst.idx.msk $0xffff, v48;
	s28 =	sld [smem:$0x751]  }
0x44e: {  	s20 =	sor.u32 s7, s1;
	s1 =	sadd.s32 $0x9380, s2;
	v48 =	vld [tilespmem:s11+$0x180];
	[tilespmem:v61+s16+$0x0] =	vst.idx.msk $0xffff, v52;
	s3 =	sld [smem:$0x71B]  }
0x44f: {  	s15 =	sadd.s32 $0xA900, s2;
	[tilespmem:v60+s16+$0x0] =	vst.idx.msk $0xffff, v45;
	v52 =	vld [tilespmem:s8+$0x0];
	s8 =	sor.u32 s7, s24;
	s24 =	sld [smem:$0x759]  }
0x450: {  	v63 =	vor.u32 v9, v34;
	s22 =	sor.u32 s0, s15;
	v45 =	vld [tilespmem:s28+$0x0];
	s28 =	sadd.s32 $0xAB80, s2;
	s2 =	sor.u32 s7, s25;
	[tilespmem:v58+s16+$0x0] =	vst.idx.msk $0xffff, v57  }
0x451: {  	s25 =	sor.u32 s7, s15;
	s15 =	sor.u32 s7, s9;
	s9 =	rddreg [dreg:$0x18];
	[tilespmem:v55+s16+$0x0] =	vst.idx.msk $0xffff, v50  }
0x452: {  	v47 =	vld [tilespmem:s24+$0x0];
	s24 =	smov.u32 s3;
	s3 =	sld [smem:$0x71C]  }
0x453: {  	[smem:$0x731] =	sst s25  }
0x454: {  	[smem:$0x760] =	sst s24  }
0x455: {  	[tilespmem:v63+s16+$0x0] =	vst.idx.msk $0xffff, v62;
	s24 =	smov.u32 s3;
	s3 =	sld [smem:$0x71D]  }
0x456: {  	v43 =	vld [tilespmem:s9+$0x0];
	s9 =	smov.u32 s20;
	s20 =	sld [smem:$0x767]  }
0x457: {  	[smem:$0x762] =	sst s24  }
0x458: {  	s24 =	smov.u32 s3;
	s3 =	sld [smem:$0x71E]  }
0x459: {  	s25 =	sor.u32 s7, s31;
	s31 =	smov.u32 s17;
	s17 =	sld [smem:$0x76F]  }
0x45a: {  	[smem:$0x765] =	sst s24  }
0x45b: {  	v59 =	vor.u32 v20, v41;
	s24 =	smov.u32 s3;
	s3 =	sld [smem:$0x764]  }
0x45c: {  	[smem:$0x764] =	sst s9  }
0x45d: {  	v60 =	vor.u32 v31, v36;
	s9 =	smov.u32 s23;
	s23 =	sld [smem:$0x71F]  }
0x45e: {  	[smem:$0x769] =	sst s24;
	s24 =	smov.u32 s3  }
0x45f: {  	v62 =	vor.u32 v10, v34;
	[smem:$0x74E] =	sst s24  }
0x460: {  	[tilespmem:v59+s16+$0x0] =	vst.idx.msk $0xffff, v48;
	s24 =	sld [smem:$0x752]  }
0x461: {  	v57 =	vor.u32 v18, v41;
	v48 =	vld [tilespmem:s11+$0x200];
	[smem:$0x767] =	sst s9  }
0x462: {  	v61 =	vor.u32 v14, v38;
	[tilespmem:v60+s16+$0x0] =	vst.idx.msk $0xffff, v45;
	s9 =	rddreg [dreg:$0x14]  }
0x463: {  	v45 =	vld [tilespmem:s24+$0x0];
	s24 =	smov.u32 s20;
	s20 =	sld [smem:$0x76B]  }
0x464: {  	v63 =	vor.u32 v24, v35;
	v50 =	vld [tilespmem:s6+$0x180];
	[tilespmem:v62+s16+$0x0] =	vst.idx.msk $0xffff, v43;
	[smem:$0x74F] =	sst s24  }
0x465: {  	v44 =	vor.u32 v4, v40;
	s24 =	smov.u32 s23;
	v43 =	vld [tilespmem:s9+$0x0];
	s9 =	rddreg [dreg:$0x1f]  }
0x466: {  	[tilespmem:v57+s16+$0x0] =	vst.idx.msk $0xffff, v48;
	[smem:$0x76B] =	sst s24  }
0x467: {  	v58 =	vor.u32 v32, v36;
	[tilespmem:v61+s16+$0x0] =	vst.idx.msk $0xffff, v52;
	v48 =	vld [tilespmem:s11+$0x280];
	s11 =	sld [smem:$0x754]  }
0x468: {  	s24 =	smov.u32 s21;
	v53 =	vld [tilespmem:s20+$0x0];
	s20 =	sld [smem:$0x77C]  }
0x469: {  	[smem:$0x77C] =	sst s24;
	[tilespmem:v63+s16+$0x0] =	vst.idx.msk $0xffff, v47  }
0x46a: {  	s24 =	sld [smem:$0x77E];
	[tilespmem:v44+s16+$0x0] =	vst.idx.msk $0xffff, v50  }
0x46b: {  	v44 =	vld [tilespmem:s9+$0x0];
	s9 =	sld [smem:$0x783]  }
0x46c: {  	[tilespmem:v58+s16+$0x0] =	vst.idx.msk $0xffff, v45;
	s23 =	smov.u32 s20;
	s20 =	sld [smem:$0x76A]  }
0x46d: {  	v45 =	vld [tilespmem:s11+$0x0];
	s11 =	rddreg [dreg:$0xd]  }
0x46e: {  	s18 =	sor.u32 s7, s18;
	[smem:$0x756] =	sst s23  }
0x46f: {  	s23 =	smov.u32 s18;
	s18 =	smov.u32 s4;
	s4 =	sld [smem:$0x781]  }
0x470: {  	[smem:$0x76A] =	sst s23  }
0x471: {  	[smem:$0x77E] =	sst s18  }
0x472: {  	s18 =	sld [smem:$0x75D];
	s21 =	smov.u32 s20  }
0x473: {  	[smem:$0x750] =	sst s21  }
0x474: {  	s20 =	smov.u32 s24;
	s24 =	smov.u32 s5;
	s21 =	sld [smem:$0x76C]  }
0x475: {  	s5 =	smov.u32 s12;
	[smem:$0x76C] =	sst s24  }
0x476: {  	s12 =	smov.u32 s9;
	[smem:$0x781] =	sst s5  }
0x477: {  	[smem:$0x758] =	sst s12  }
0x478: {  	s14 =	sor.u32 s0, s1;
	s1 =	sor.u32 s7, s1;
	s12 =	sld [smem:$0x720]  }
0x479: {  	s0 =	sor.u32 s0, s28;
	s7 =	sor.u32 s7, s28;
	s5 =	sld [smem:$0x778]  }
0x47a: {  	s28 =	smov.u32 s4;
	s4 =	sadd.s32 $0x2, s18;
	s18 =	sld [smem:$0x721]  }
0x47b: {  	[smem:$0x75D] =	sst s4  }
0x47c: {  	s24 =	sand.u32 $0x7, s4;
	s4 =	sld [smem:$0x775]  }
0x47d: {  	s23 =	smov.u32 s21;
	s21 =	sld [smem:$0x766]  }
0x47e: {  	v59 =	vor.u32 v15, v38;
	[smem:$0x751] =	sst s23;
	s23 =	smov.u32 s14  }
0x47f: {  	v61 =	vor.u32 v25, v35;
	s14 =	smov.u32 s12;
	s12 =	smov.u32 s10;
	s10 =	sld [smem:$0x722]  }
0x480: {  	v52 =	vor.u32 v5, v40;
	v49 =	vld [tilespmem:s6+$0x200];
	[smem:$0x783] =	sst s23  }
0x481: {  	[smem:$0x759] =	sst s14  }
0x482: {  	s23 =	sld [smem:$0x770]  }
0x483: {  	[tilespmem:v59+s16+$0x0] =	vst.idx.msk $0xffff, v53;
	[smem:$0x770] =	sst s12  }
0x484: {  	v53 =	vld [tilespmem:s17+$0x0];
	[tilespmem:v61+s16+$0x0] =	vst.idx.msk $0xffff, v44;
	s14 =	sld [smem:$0x773]  }
0x485: {  	[tilespmem:v52+s16+$0x0] =	vst.idx.msk $0xffff, v49;
	s12 =	sld [smem:$0x723]  }
0x486: {  	v60 =	vor.u32 v11, v34;
	v49 =	vld [tilespmem:s6+$0x280];
	s6 =	smov.u32 s4;
	s4 =	sld [smem:$0x726]  }
0x487: {  	s9 =	sadd.s32 $0x1, s21;
	s21 =	smov.u32 s18;
	s18 =	rddreg [dreg:$0x11]  }
0x488: {  	[smem:$0x76F] =	sst s21  }
0x489: {  	v59 =	vld [tilespmem:s18+$0x0];
	s18 =	sld [smem:$0x780]  }
0x48a: {  	s21 =	smov.u32 s13;
	[smem:$0x766] =	sst s9  }
0x48b: {  	[tilespmem:v60+s16+$0x0] =	vst.idx.msk $0xffff, v43;
	s3 =	sshll.u32 s24, $0x4;
	[smem:$0x773] =	sst s21  }
0x48c: {  	v43 =	vld [tilespmem:s11+$0x0];
	s11 =	smov.u32 s10;
	s24 =	smov.u32 s23;
	s23 =	sld [smem:$0x788]  }
0x48d: {  	[smem:$0x788] =	sst s11  }
0x48e: {  	s17 =	smov.u32 s14;
	s14 =	rddreg [dreg:$0x17]  }
0x48f: {  	s11 =	sld [smem:$0x772]  }
0x490: {  	s13 =	smov.u32 s12;
	s12 =	sld [smem:$0x725]  }
0x491: {  	[smem:$0x752] =	sst s24  }
0x492: {  	[smem:$0x754] =	sst s17  }
0x493: {  	[dreg:$0x11] =	wrdreg s13  }
0x494: {  	s17 =	smov.u32 s14;
	s14 =	smov.u32 s19;
	s19 =	rddreg [dreg:$0x16]  }
0x495: {  	[smem:$0x780] =	sst s14  }
0x496: {  	v57 =	vor.u32 v16, v38;
	s21 =	smov.u32 s18;
	s18 =	rddreg [dreg:$0x7]  }
0x497: {  	s14 =	rddreg [dreg:$0x15]  }
0x498: {  	[dreg:$0x17] =	wrdreg s21  }
0x499: {  	s24 =	smov.u32 s23;
	s23 =	sld [smem:$0x755]  }
0x49a: {  	v62 =	vor.u32 v21, v41;
	[smem:$0x755] =	sst s6  }
0x49b: {  	v63 =	vor.u32 v0, v36;
	[tilespmem:v57+s16+$0x0] =	vst.idx.msk $0xffff, v53;
	s21 =	sld [smem:$0x782]  }
0x49c: {  	s3 =	sadd.s32 s29, s3;
	v53 =	vld [tilespmem:s11+$0x0];
	s11 =	sld [smem:$0x729]  }
0x49d: {  	s3 =	sadd.s32 $0x10, s3;
	s6 =	smov.u32 s4;
	s4 =	rddreg [dreg:$0x1e]  }
0x49e: {  	s3 =	sor.u32 $0x300, s3;
	s13 =	smov.u32 s12;
	[dreg:$0x1f] =	wrdreg s24  }
0x49f: {  	v60 =	vor.u32 v26, v35;
	[tilespmem:v62+s16+$0x0] =	vst.idx.msk $0xffff, v48;
	s24 =	smov.u32 s22;
	s22 =	sand.u32 $0x3, s9;
	s9 =	sld [smem:$0x724]  }
0x4a0: {  	v61 =	vor.u32 v6, v40;
	v48 =	vld [tilespmem:s3+$0x6000];
	[tilespmem:v63+s16+$0x0] =	vst.idx.msk $0xffff, v45;
	[smem:$0x772] =	sst s13  }
0x4a1: {  	v58 =	vor.u32 v12, v34;
	v45 =	vld [tilespmem:s23+$0x0];
	s23 =	rddreg [dreg:$0xe]  }
0x4a2: {  	v62 =	vor.u32 v22, v41;
	s3 =	sshll.u32 s22, $0x5;
	[dreg:$0xe] =	wrdreg s6  }
0x4a3: {  	s22 =	smov.u32 s21;
	s6 =	smov.u32 s5;
	s5 =	rddreg [dreg:$0x13]  }
0x4a4: {  	[tilespmem:v60+s16+$0x0] =	vst.idx.msk $0xffff, v59;
	[dreg:$0x16] =	wrdreg s22  }
0x4a5: {  	[tilespmem:v61+s16+$0x0] =	vst.idx.msk $0xffff, v49;
	s12 =	smov.u32 s11;
	s10 =	smov.u32 s9;
	s9 =	sld [smem:$0x727]  }
0x4a6: {  	[tilespmem:v58+s16+$0x0] =	vst.idx.msk $0xffff, v43;
	[smem:$0x782] =	sst s12  }
0x4a7: {  	s21 =	smov.u32 s1;
	v43 =	vld [tilespmem:s18+$0x0];
	[tilespmem:v62+s16+$0x0] =	vst.idx.msk $0xffff, v48;
	s16 =	sld [smem:$0x785]  }
0x4a8: {  	[smem:$0x785] =	sst s21  }
0x4a9: {  	s22 =	rddreg [dreg:$0x12]  }
0x4aa: {  	[dreg:$0x1e] =	wrdreg s6  }
0x4ab: {  	s12 =	sld [smem:$0x786]  }
0x4ac: {  	[smem:$0x775] =	sst s10  }
0x4ad: {  	s10 =	sld [smem:$0x728]  }
0x4ae: {  	v46 =	vld [tilespmem:s23+$0x0];
	s6 =	smov.u32 s5;
	s23 =	smov.u32 s22;
	s22 =	sld [smem:$0x72C]  }
0x4af: {  	[dreg:$0x18] =	wrdreg s6  }
0x4b0: {  	s6 =	sld [smem:$0x730]  }
0x4b1: {  	s13 =	smov.u32 s19;
	s3 =	sadd.s32 s3, s29;
	[smem:$0x74C] =	sst s23  }
0x4b2: {  	s19 =	smov.u32 s9;
	s18 =	smov.u32 s16;
	s16 =	sld [smem:$0x774]  }
0x4b3: {  	s9 =	smov.u32 s14;
	s14 =	smov.u32 s12;
	s12 =	sld [smem:$0x72D]  }
0x4b4: {  	s3 =	sor.u32 $0x300, s3;
	[dreg:$0x15] =	wrdreg s18  }
0x4b5: {  	v49 =	vld [tilespmem:s3+$0x6000];
	s3 =	sor.u32 $0x380, s10;
	s10 =	sld [smem:$0x72A]  }
0x4b6: {  	[dreg:$0x12] =	wrdreg s14  }
0x4b7: {  	v57 =	vor.u32 v28, v38;
	s18 =	sld [smem:$0x72B]  }
0x4b8: {  	s23 =	smov.u32 s22;
	s22 =	smov.u32 s2;
	s2 =	rddreg [dreg:$0x1c]  }
0x4b9: {  	v63 =	vor.u32 v2, v36;
	[smem:$0x786] =	sst s23  }
0x4ba: {  	s23 =	sld [smem:$0x72F]  }
0x4bb: {  	v48 =	vld [tilespmem:s3+$0x6000];
	s3 =	simm.s32 $0x12000;
	s14 =	smov.u32 s12;
	s12 =	sld [smem:$0x732]  }
0x4bc: {  	[tilespmem:v57+s3+$0x0] =	vst.idx.msk $0xffff, v53;
	[dreg:$0x13] =	wrdreg s14  }
0x4bd: {  	v53 =	vld [tilespmem:s16+$0x0];
	s16 =	rddreg [dreg:$0xb]  }
0x4be: {  	[tilespmem:v63+s3+$0x0] =	vst.idx.msk $0xffff, v45;
	s21 =	smov.u32 s18;
	s18 =	sld [smem:$0x72E]  }
0x4bf: {  	v58 =	vor.u32 v13, v34;
	v45 =	vld [tilespmem:s4+$0x0];
	s11 =	smov.u32 s10;
	s4 =	rddreg [dreg:$0xf]  }
0x4c0: {  	v59 =	vor.u32 v27, v35;
	[smem:$0x778] =	sst s11  }
0x4c1: {  	v60 =	vor.u32 v7, v40;
	[smem:$0x774] =	sst s21  }
0x4c2: {  	s11 =	rddreg [dreg:$0x6]  }
0x4c3: {  	s10 =	sor.u32 s30, s29;
	s5 =	smov.u32 s4;
	s4 =	sld [smem:$0x77B]  }
0x4c4: {  	[tilespmem:v58+s3+$0x0] =	vst.idx.msk $0xffff, v43;
	s1 =	sor.u32 $0x380, s10;
	s10 =	smov.u32 s6;
	[dreg:$0x14] =	wrdreg s5  }
0x4c5: {  	[tilespmem:v59+s3+$0x0] =	vst.idx.msk $0xffff, v46;
	[dreg:$0xf] =	wrdreg s10  }
0x4c6: {  	[tilespmem:v60+s3+$0x0] =	vst.idx.msk $0xffff, v49;
	v43 =	vld [tilespmem:s11+$0x0];
	s11 =	sld [smem:$0x731]  }
0x4c7: {  	v61 =	vor.u32 v23, v41;
	v46 =	vld [tilespmem:s16+$0x0];
	s16 =	sld [smem:$0x733]  }
0x4c8: {  	s10 =	sld [smem:$0x735]  }
0x4c9: {  	v49 =	vld [tilespmem:s1+$0x6000];
	s1 =	sld [smem:$0x777]  }
0x4ca: {  	v62 =	vor.u32 v3, v36;
	s21 =	smov.u32 s18;
	s18 =	sld [smem:$0x734]  }
0x4cb: {  	[dreg:$0xb] =	wrdreg s21;
	s5 =	smov.u32 s4  }
0x4cc: {  	[tilespmem:v61+s3+$0x0] =	vst.idx.msk $0xffff, v48;
	[dreg:$0x1c] =	wrdreg s5  }
0x4cd: {  	v63 =	vor.u32 v17, v38;
	v48 =	vld [tilespmem:s12+$0x0];
	s12 =	smov.u32 s16;
	s16 =	rddreg [dreg:$0x10]  }
0x4ce: {  	s21 =	smov.u32 s11;
	s11 =	smov.u32 s10;
	s5 =	sld [smem:$0x737]  }
0x4cf: {  	[tilespmem:v62+s3+$0x0] =	vst.idx.msk $0xffff, v45;
	[smem:$0x77B] =	sst s11  }
0x4d0: {  	v45 =	vld [tilespmem:s2+$0x0];
	s2 =	sld [smem:$0x736]  }
0x4d1: {  	v57 =	vor.u32 v14, v34;
	s14 =	smov.u32 s23;
	s23 =	smov.u32 s18;
	s11 =	rddreg [dreg:$0x5]  }
0x4d2: {  	[tilespmem:v63+s3+$0x0] =	vst.idx.msk $0xffff, v53;
	s18 =	smov.u32 s16;
	s16 =	smov.u32 s15;
	s15 =	rddreg [dreg:$0xc]  }
0x4d3: {  	v54 =	vld [tilespmem:s1+$0x0];
	s1 =	sld [smem:$0x73B]  }
0x4d4: {  	[dreg:$0xd] =	wrdreg s18;
	s18 =	smov.u32 s15  }
0x4d5: {  	v58 =	vor.u32 v29, v35;
	[dreg:$0x7] =	wrdreg s18  }
0x4d6: {  	v59 =	vor.u32 v8, v40;
	[tilespmem:v57+s3+$0x0] =	vst.idx.msk $0xffff, v43;
	s10 =	smov.u32 s5;
	s5 =	sld [smem:$0x739]  }
0x4d7: {  	v43 =	vld [tilespmem:s11+$0x0];
	s11 =	sld [smem:$0x73A]  }
0x4d8: {  	[dreg:$0x10] =	wrdreg s10  }
0x4d9: {  	s4 =	smov.u32 s2;
	s2 =	sld [smem:$0x738]  }
0x4da: {  	[tilespmem:v58+s3+$0x0] =	vst.idx.msk $0xffff, v46;
	s10 =	rddreg [dreg:$0x9]  }
0x4db: {  	[tilespmem:v59+s3+$0x0] =	vst.idx.msk $0xffff, v49;
	[smem:$0x777] =	sst s4  }
0x4dc: {  	v47 =	vld [tilespmem:s10+$0x0];
	s10 =	sld [smem:$0x73D]  }
0x4dd: {  	s15 =	smov.u32 s5;
	s5 =	sld [smem:$0x73C]  }
0x4de: {  	s18 =	smov.u32 s11;
	s11 =	smov.u32 s1;
	s1 =	rddreg [dreg:$0x4]  }
0x4df: {  	[dreg:$0x9] =	wrdreg s18  }
0x4e0: {  	s4 =	smov.u32 s2;
	s2 =	rddreg [dreg:$0xa]  }
0x4e1: {  	[dreg:$0xc] =	wrdreg s4  }
0x4e2: {  	s4 =	smov.u32 s2;
	s2 =	rddreg [dreg:$0x8]  }
0x4e3: {  	v50 =	vor.u32 v24, v41;
	s18 =	smov.u32 s10;
	s10 =	sld [smem:$0x761]  }
0x4e4: {  	[dreg:$0x6] =	wrdreg s4  }
0x4e5: {  	[dreg:$0xa] =	wrdreg s18  }
0x4e6: {  	v60 =	vor.u32 v4, v36;
	s18 =	sld [smem:$0x73E]  }
0x4e7: {  	s4 =	smov.u32 s2;
	s2 =	sld [smem:$0x73F]  }
0x4e8: {  	[tilespmem:v50+s3+$0x0] =	vst.idx.msk $0xffff, v48;
	[dreg:$0x5] =	wrdreg s4  }
0x4e9: {  	v62 =	vor.u32 v15, v34;
	v51 =	vld [tilespmem:s10+$0x0];
	s10 =	rddreg [dreg:$0x1a]  }
0x4ea: {  	v56 =	vld [tilespmem:s5+$0x0];
	s5 =	smov.u32 s25;
	s25 =	smov.u32 s18;
	s18 =	sld [smem:$0x77D]  }
0x4eb: {  	[tilespmem:v60+s3+$0x0] =	vst.idx.msk $0xffff, v45;
	s4 =	smov.u32 s2;
	s2 =	sld [smem:$0x740]  }
0x4ec: {  	v61 =	vor.u32 v19, v38;
	v49 =	vld [tilespmem:s10+$0x0];
	s10 =	sld [smem:$0x77A]  }
0x4ed: {  	[smem:$0x761] =	sst s25  }
0x4ee: {  	[tilespmem:v62+s3+$0x0] =	vst.idx.msk $0xffff, v43;
	[dreg:$0x8] =	wrdreg s4  }
0x4ef: {  	v46 =	vld [tilespmem:s1+$0x0];
	s1 =	smov.u32 s7;
	s7 =	sld [smem:$0x746]  }
0x4f0: {  	s25 =	smov.u32 s18;
	s18 =	sld [smem:$0x741]  }
0x4f1: {  	[tilespmem:v61+s3+$0x0] =	vst.idx.msk $0xffff, v54;
	s4 =	smov.u32 s8;
	s8 =	smov.u32 s2;
	s2 =	sld [smem:$0x742]  }
0x4f2: {  	v50 =	vld [tilespmem:s10+$0x0];
	s10 =	sld [smem:$0x743]  }
0x4f3: {  	[dreg:$0x1a] =	wrdreg s25  }
0x4f4: {  	v63 =	vor.u32 v30, v35;
	[smem:$0x77D] =	sst s8  }
0x4f5: {  	v57 =	vor.u32 v9, v40;
	s25 =	smov.u32 s18;
	s8 =	smov.u32 s2;
	s2 =	sld [smem:$0x745]  }
0x4f6: {  	s26 =	sadd.s32 $0x2, s26;
	[smem:$0x77A] =	sst s25  }
0x4f7: {  	p1 =	slt.u32 s26, $0x2E;
	v58 =	vor.u32 v32, v33;
	[dreg:$0x4] =	wrdreg s8  }
.Ltmp9:
0x4f8: {  	s25 =	sld [smem:$0x744];
	(pc) =	sbr.rel @p1 .LBB2_9-.Ltmp9, $4  }
0x4f9: {  	v44 =	vor.u32 v16, v34;
	v34 =	vmov v36;
	[tilespmem:v63+s3+$0x0] =	vst.idx.msk $0xffff, v47;
	s8 =	sld [smem:$0x747]  }
0x4fa: {  	v33 =	vmovc v35;
	v35 =	vmov v38;
	v48 =	vor.u32 v5, v36;
	v36 =	vmov v37;
	[tilespmem:v57+s3+$0x0] =	vst.idx.msk $0xffff, v56  }
0x4fb: {  	s29 =	sadd.s32 $0x100, s29;
	s30 =	sadd.s32 $0x20, s30;
	s6 =	smov.u32 s0;
	v38 =	vmov v40;
	v40 =	vor.u32 v20, v35;
	v53 =	vor.u32 v26, v36;
	v43 =	vld [tilespmem:s25+$0x0]  }
0x4fc: {  	v37 =	vmov v41;
	v45 =	vor.u32 v31, v33;
	v47 =	vor.u32 v6, v34;
	s18 =	smov.u32 s10;
	s10 =	smov.u32 s7;
	s25 =	smov.u32 s2;
	v52 =	vld [tilespmem:s8+$0x0];
	[tilespmem:v58+s3+$0x0] =	vst.idx.msk $0xffff, v42  }
0x4fd: {  	s0 =	sld [smem:$0x75F];
	_ =	sdelay $0x2  }
0x4fe: {  	v42 =	vor.u32 v25, v37;
	v41 =	vld [tilespmem:s0+$0x0];
	_ =	sdelay $0x3  }
0x4ff: {  	[tilespmem:v39+s3+$0x0] =	vst.idx.msk $0xffff, v52  }
0x500: {  	s30 =	sld [smem:$0x760];
	[tilespmem:v42+s3+$0x0] =	vst.idx.msk $0xffff, v41  }
0x501: {  	s2 =	sld [smem:$0x761];
	_ =	sdelay $0x1  }
0x502: {  	v56 =	vor.u32 v11, v38;
	v39 =	vld [tilespmem:s30+$0x0]  }
0x503: {  	v57 =	vor.u32 v26, v37;
	v41 =	vld [tilespmem:s2+$0x0];
	_ =	sdelay $0x2  }
0x504: {  	[tilespmem:v53+s3+$0x0] =	vst.idx.msk $0xffff, v51  }
0x505: {  	s7 =	sld [smem:$0x74E];
	[tilespmem:v56+s3+$0x0] =	vst.idx.msk $0xffff, v39  }
0x506: {  	s8 =	sld [smem:$0x762];
	[tilespmem:v57+s3+$0x0] =	vst.idx.msk $0xffff, v41  }
0x507: {  	s26 =	sld [smem:$0x764]  }
0x508: {  	v58 =	vor.u32 v27, v36;
	v51 =	vld [tilespmem:s7+$0x0]  }
0x509: {  	v59 =	vor.u32 v12, v38;
	v39 =	vld [tilespmem:s8+$0x0]  }
0x50a: {  	v60 =	vor.u32 v27, v37;
	v41 =	vld [tilespmem:s26+$0x0];
	_ =	sdelay $0x2  }
0x50b: {  	[tilespmem:v58+s3+$0x0] =	vst.idx.msk $0xffff, v51  }
0x50c: {  	s29 =	sld [smem:$0x74F];
	[tilespmem:v59+s3+$0x0] =	vst.idx.msk $0xffff, v39  }
0x50d: {  	s30 =	sld [smem:$0x765];
	[tilespmem:v60+s3+$0x0] =	vst.idx.msk $0xffff, v41  }
0x50e: {  	s2 =	sld [smem:$0x767]  }
0x50f: {  	v61 =	vor.u32 v29, v36;
	v51 =	vld [tilespmem:s29+$0x0]  }
0x510: {  	v62 =	vor.u32 v13, v38;
	v39 =	vld [tilespmem:s30+$0x0]  }
0x511: {  	v63 =	vor.u32 v29, v37;
	v41 =	vld [tilespmem:s2+$0x0];
	_ =	sdelay $0x2  }
0x512: {  	[tilespmem:v61+s3+$0x0] =	vst.idx.msk $0xffff, v51  }
0x513: {  	s7 =	sld [smem:$0x750];
	[tilespmem:v62+s3+$0x0] =	vst.idx.msk $0xffff, v39  }
0x514: {  	s8 =	sld [smem:$0x769];
	[tilespmem:v63+s3+$0x0] =	vst.idx.msk $0xffff, v41  }
0x515: {  	s26 =	sld [smem:$0x76A]  }
0x516: {  	v56 =	vor.u32 v30, v36;
	v51 =	vld [tilespmem:s7+$0x0]  }
0x517: {  	v57 =	vor.u32 v14, v38;
	v39 =	vld [tilespmem:s8+$0x0]  }
0x518: {  	v58 =	vor.u32 v30, v37;
	v41 =	vld [tilespmem:s26+$0x0];
	_ =	sdelay $0x2  }
0x519: {  	[tilespmem:v56+s3+$0x0] =	vst.idx.msk $0xffff, v51  }
0x51a: {  	s29 =	sld [smem:$0x751];
	[tilespmem:v57+s3+$0x0] =	vst.idx.msk $0xffff, v39  }
0x51b: {  	s30 =	sld [smem:$0x76B];
	[tilespmem:v58+s3+$0x0] =	vst.idx.msk $0xffff, v41  }
0x51c: {  	s2 =	sld [smem:$0x76C]  }
0x51d: {  	v59 =	vor.u32 v31, v36;
	v51 =	vld [tilespmem:s29+$0x0]  }
0x51e: {  	v60 =	vor.u32 v15, v38;
	v39 =	vld [tilespmem:s30+$0x0]  }
0x51f: {  	v61 =	vor.u32 v31, v37;
	v41 =	vld [tilespmem:s2+$0x0];
	_ =	sdelay $0x2  }
0x520: {  	[tilespmem:v59+s3+$0x0] =	vst.idx.msk $0xffff, v51  }
0x521: {  	s7 =	sld [smem:$0x752];
	[tilespmem:v60+s3+$0x0] =	vst.idx.msk $0xffff, v39  }
0x522: {  	s8 =	sld [smem:$0x76F];
	[tilespmem:v61+s3+$0x0] =	vst.idx.msk $0xffff, v41  }
0x523: {  	s26 =	sld [smem:$0x770]  }
0x524: {  	v62 =	vor.u32 v32, v36;
	v51 =	vld [tilespmem:s7+$0x0]  }
0x525: {  	v63 =	vor.u32 v16, v38;
	v39 =	vld [tilespmem:s8+$0x0]  }
0x526: {  	v56 =	vor.u32 v32, v37;
	v41 =	vld [tilespmem:s26+$0x0];
	_ =	sdelay $0x2  }
0x527: {  	[tilespmem:v62+s3+$0x0] =	vst.idx.msk $0xffff, v51  }
0x528: {  	s29 =	sld [smem:$0x754];
	[tilespmem:v63+s3+$0x0] =	vst.idx.msk $0xffff, v39  }
0x529: {  	s30 =	sld [smem:$0x772];
	[tilespmem:v56+s3+$0x0] =	vst.idx.msk $0xffff, v41  }
0x52a: {  	s2 =	sld [smem:$0x773]  }
0x52b: {  	v57 =	vor.u32 v0, v36;
	v51 =	vld [tilespmem:s29+$0x0]  }
0x52c: {  	v58 =	vor.u32 v28, v38;
	v39 =	vld [tilespmem:s30+$0x0]  }
0x52d: {  	v59 =	vor.u32 v0, v37;
	v41 =	vld [tilespmem:s2+$0x0];
	_ =	sdelay $0x2  }
0x52e: {  	[tilespmem:v57+s3+$0x0] =	vst.idx.msk $0xffff, v51  }
0x52f: {  	s7 =	sld [smem:$0x755];
	[tilespmem:v58+s3+$0x0] =	vst.idx.msk $0xffff, v39  }
0x530: {  	s8 =	sld [smem:$0x774];
	[tilespmem:v59+s3+$0x0] =	vst.idx.msk $0xffff, v41  }
0x531: {  	s26 =	sld [smem:$0x775]  }
0x532: {  	v60 =	vor.u32 v2, v36;
	v51 =	vld [tilespmem:s7+$0x0]  }
0x533: {  	v61 =	vor.u32 v17, v38;
	v39 =	vld [tilespmem:s8+$0x0]  }
0x534: {  	v62 =	vor.u32 v2, v37;
	v41 =	vld [tilespmem:s26+$0x0];
	_ =	sdelay $0x2  }
0x535: {  	[tilespmem:v60+s3+$0x0] =	vst.idx.msk $0xffff, v51  }
0x536: {  	s29 =	rddreg [dreg:$0x1e];
	[tilespmem:v61+s3+$0x0] =	vst.idx.msk $0xffff, v39  }
0x537: {  	s30 =	sld [smem:$0x777];
	[tilespmem:v62+s3+$0x0] =	vst.idx.msk $0xffff, v41  }
0x538: {  	s2 =	sld [smem:$0x778]  }
0x539: {  	v63 =	vor.u32 v3, v36;
	v51 =	vld [tilespmem:s29+$0x0]  }
0x53a: {  	v56 =	vor.u32 v19, v38;
	v39 =	vld [tilespmem:s30+$0x0]  }
0x53b: {  	v57 =	vor.u32 v3, v37;
	v41 =	vld [tilespmem:s2+$0x0];
	_ =	sdelay $0x2  }
0x53c: {  	[tilespmem:v63+s3+$0x0] =	vst.idx.msk $0xffff, v51  }
0x53d: {  	s7 =	rddreg [dreg:$0x1c];
	[tilespmem:v56+s3+$0x0] =	vst.idx.msk $0xffff, v39  }
0x53e: {  	s8 =	sld [smem:$0x77A];
	[tilespmem:v57+s3+$0x0] =	vst.idx.msk $0xffff, v41  }
0x53f: {  	s26 =	sld [smem:$0x77B]  }
0x540: {  	v58 =	vor.u32 v4, v36;
	v51 =	vld [tilespmem:s7+$0x0]  }
0x541: {  	v59 =	vor.u32 v20, v38;
	v39 =	vld [tilespmem:s8+$0x0]  }
0x542: {  	v60 =	vor.u32 v4, v37;
	v41 =	vld [tilespmem:s26+$0x0];
	_ =	sdelay $0x1  }
0x543: {  	[tilespmem:v40+s3+$0x0] =	vst.idx.msk $0xffff, v50  }
0x544: {  	s29 =	sld [smem:$0x756];
	[tilespmem:v58+s3+$0x0] =	vst.idx.msk $0xffff, v51  }
0x545: {  	s30 =	rddreg [dreg:$0x1a];
	[tilespmem:v59+s3+$0x0] =	vst.idx.msk $0xffff, v39  }
0x546: {  	s2 =	sld [smem:$0x77C];
	[tilespmem:v60+s3+$0x0] =	vst.idx.msk $0xffff, v41  }
0x547: {  	v61 =	vor.u32 v18, v35;
	v40 =	vld [tilespmem:s29+$0x0];
	s7 =	sld [smem:$0x77D]  }
0x548: {  	v62 =	vor.u32 v5, v36;
	v51 =	vld [tilespmem:s30+$0x0]  }
0x549: {  	v63 =	vor.u32 v18, v38;
	v39 =	vld [tilespmem:s2+$0x0]  }
0x54a: {  	v56 =	vor.u32 v5, v37;
	v41 =	vld [tilespmem:s7+$0x0]  }
0x54b: {  	[tilespmem:v48+s3+$0x0] =	vst.idx.msk $0xffff, v49  }
0x54c: {  	[tilespmem:v61+s3+$0x0] =	vst.idx.msk $0xffff, v40  }
0x54d: {  	[tilespmem:v62+s3+$0x0] =	vst.idx.msk $0xffff, v51  }
0x54e: {  	s8 =	rddreg [dreg:$0x17];
	[tilespmem:v63+s3+$0x0] =	vst.idx.msk $0xffff, v39  }
0x54f: {  	v48 =	vld [tilespmem:s17+$0x0];
	s17 =	sld [smem:$0x77E];
	[tilespmem:v56+s3+$0x0] =	vst.idx.msk $0xffff, v41  }
0x550: {  	v57 =	vor.u32 v21, v35;
	v40 =	vld [tilespmem:s20+$0x0];
	s20 =	sld [smem:$0x780]  }
0x551: {  	v59 =	vor.u32 v6, v36;
	v58 =	vld [tilespmem:s8+$0x0]  }
0x552: {  	v60 =	vor.u32 v21, v38;
	v39 =	vld [tilespmem:s17+$0x0]  }
0x553: {  	v61 =	vor.u32 v6, v37;
	v41 =	vld [tilespmem:s20+$0x0]  }
0x554: {  	[tilespmem:v47+s3+$0x0] =	vst.idx.msk $0xffff, v48  }
0x555: {  	v62 =	vor.u32 v7, v34;
	[tilespmem:v57+s3+$0x0] =	vst.idx.msk $0xffff, v40;
	v47 =	vld [tilespmem:s13+$0x0]  }
0x556: {  	v63 =	vor.u32 v22, v35;
	[tilespmem:v59+s3+$0x0] =	vst.idx.msk $0xffff, v58;
	v40 =	vld [tilespmem:s28+$0x0]  }
0x557: {  	s26 =	rddreg [dreg:$0x16];
	[tilespmem:v60+s3+$0x0] =	vst.idx.msk $0xffff, v39  }
0x558: {  	s28 =	sld [smem:$0x781];
	[tilespmem:v61+s3+$0x0] =	vst.idx.msk $0xffff, v41  }
0x559: {  	s29 =	sld [smem:$0x782]  }
0x55a: {  	v56 =	vor.u32 v7, v36;
	v50 =	vld [tilespmem:s26+$0x0];
	[tilespmem:v62+s3+$0x0] =	vst.idx.msk $0xffff, v47  }
0x55b: {  	v57 =	vor.u32 v22, v38;
	v39 =	vld [tilespmem:s28+$0x0];
	[tilespmem:v63+s3+$0x0] =	vst.idx.msk $0xffff, v40  }
0x55c: {  	v58 =	vor.u32 v7, v37;
	s30 =	sld [smem:$0x758];
	v41 =	vld [tilespmem:s29+$0x0]  }
0x55d: {  	v59 =	vor.u32 v8, v34;
	v47 =	vld [tilespmem:s9+$0x0];
	_ =	sdelay $0x1  }
0x55e: {  	v60 =	vor.u32 v23, v35;
	[tilespmem:v56+s3+$0x0] =	vst.idx.msk $0xffff, v50;
	v40 =	vld [tilespmem:s30+$0x0]  }
0x55f: {  	s2 =	rddreg [dreg:$0x15];
	[tilespmem:v57+s3+$0x0] =	vst.idx.msk $0xffff, v39  }
0x560: {  	s7 =	sld [smem:$0x783];
	[tilespmem:v58+s3+$0x0] =	vst.idx.msk $0xffff, v41  }
0x561: {  	v61 =	vor.u32 v8, v36;
	v50 =	vld [tilespmem:s2+$0x0];
	s8 =	sld [smem:$0x785];
	[tilespmem:v59+s3+$0x0] =	vst.idx.msk $0xffff, v47  }
0x562: {  	s9 =	sld [smem:$0x74C]  }
0x563: {  	v62 =	vor.u32 v23, v38;
	v39 =	vld [tilespmem:s7+$0x0];
	[tilespmem:v60+s3+$0x0] =	vst.idx.msk $0xffff, v40  }
0x564: {  	v63 =	vor.u32 v8, v37;
	s13 =	sld [smem:$0x759];
	v41 =	vld [tilespmem:s8+$0x0]  }
0x565: {  	v56 =	vor.u32 v9, v34;
	v47 =	vld [tilespmem:s9+$0x0]  }
0x566: {  	[tilespmem:v61+s3+$0x0] =	vst.idx.msk $0xffff, v50  }
0x567: {  	v57 =	vor.u32 v24, v35;
	s17 =	rddreg [dreg:$0x12];
	v40 =	vld [tilespmem:s13+$0x0]  }
0x568: {  	v58 =	vor.u32 v9, v36;
	v50 =	vld [tilespmem:s17+$0x0];
	[tilespmem:v62+s3+$0x0] =	vst.idx.msk $0xffff, v39  }
0x569: {  	v59 =	vor.u32 v24, v38;
	v39 =	vld [tilespmem:s31+$0x0];
	[tilespmem:v63+s3+$0x0] =	vst.idx.msk $0xffff, v41  }
0x56a: {  	s20 =	sld [smem:$0x786];
	[tilespmem:v56+s3+$0x0] =	vst.idx.msk $0xffff, v47  }
0x56b: {  	s26 =	rddreg [dreg:$0x18]  }
0x56c: {  	v61 =	vor.u32 v10, v34;
	[tilespmem:v57+s3+$0x0] =	vst.idx.msk $0xffff, v40;
	v47 =	vld [tilespmem:s26+$0x0]  }
0x56d: {  	v60 =	vor.u32 v9, v37;
	s28 =	rddreg [dreg:$0x1f];
	[tilespmem:v58+s3+$0x0] =	vst.idx.msk $0xffff, v50;
	v41 =	vld [tilespmem:s20+$0x0]  }
0x56e: {  	s29 =	rddreg [dreg:$0x13];
	[tilespmem:v59+s3+$0x0] =	vst.idx.msk $0xffff, v39  }
0x56f: {  	v62 =	vor.u32 v25, v35;
	v40 =	vld [tilespmem:s28+$0x0];
	s30 =	sld [smem:$0x788]  }
0x570: {  	v63 =	vor.u32 v10, v36;
	v50 =	vld [tilespmem:s29+$0x0]  }
0x571: {  	[tilespmem:v61+s3+$0x0] =	vst.idx.msk $0xffff, v47  }
0x572: {  	v56 =	vor.u32 v25, v38;
	v39 =	vld [tilespmem:s30+$0x0];
	[tilespmem:v60+s3+$0x0] =	vst.idx.msk $0xffff, v41  }
0x573: {  	v57 =	vor.u32 v10, v37;
	v41 =	vld [tilespmem:s22+$0x0];
	s31 =	rddreg [dreg:$0x14]  }
0x574: {  	v58 =	vor.u32 v11, v34;
	[tilespmem:v62+s3+$0x0] =	vst.idx.msk $0xffff, v40;
	v47 =	vld [tilespmem:s31+$0x0]  }
0x575: {  	s2 =	rddreg [dreg:$0x11];
	[tilespmem:v63+s3+$0x0] =	vst.idx.msk $0xffff, v50  }
0x576: {  	v59 =	vor.u32 v26, v35;
	v40 =	vld [tilespmem:s2+$0x0];
	s7 =	rddreg [dreg:$0xf]  }
0x577: {  	v60 =	vor.u32 v11, v36;
	v50 =	vld [tilespmem:s7+$0x0];
	[tilespmem:v56+s3+$0x0] =	vst.idx.msk $0xffff, v39  }
0x578: {  	[tilespmem:v57+s3+$0x0] =	vst.idx.msk $0xffff, v41  }
0x579: {  	v61 =	vor.u32 v26, v38;
	v39 =	vld [tilespmem:s24+$0x0];
	[tilespmem:v58+s3+$0x0] =	vst.idx.msk $0xffff, v47  }
0x57a: {  	v62 =	vor.u32 v11, v37;
	v41 =	vld [tilespmem:s21+$0x0];
	s8 =	rddreg [dreg:$0xd]  }
0x57b: {  	v63 =	vor.u32 v12, v34;
	[tilespmem:v59+s3+$0x0] =	vst.idx.msk $0xffff, v40;
	v47 =	vld [tilespmem:s8+$0x0]  }
0x57c: {  	s9 =	rddreg [dreg:$0xe];
	[tilespmem:v60+s3+$0x0] =	vst.idx.msk $0xffff, v50  }
0x57d: {  	v56 =	vor.u32 v27, v35;
	v40 =	vld [tilespmem:s9+$0x0];
	s13 =	rddreg [dreg:$0x10]  }
0x57e: {  	v57 =	vor.u32 v12, v36;
	[tilespmem:v61+s3+$0x0] =	vst.idx.msk $0xffff, v39;
	v50 =	vld [tilespmem:s13+$0x0]  }
0x57f: {  	[tilespmem:v62+s3+$0x0] =	vst.idx.msk $0xffff, v41  }
0x580: {  	v58 =	vor.u32 v27, v38;
	v39 =	vld [tilespmem:s19+$0x0];
	[tilespmem:v63+s3+$0x0] =	vst.idx.msk $0xffff, v47  }
0x581: {  	v59 =	vor.u32 v12, v37;
	v41 =	vld [tilespmem:s16+$0x0];
	s17 =	rddreg [dreg:$0x7]  }
0x582: {  	v60 =	vor.u32 v13, v34;
	[tilespmem:v56+s3+$0x0] =	vst.idx.msk $0xffff, v40;
	v47 =	vld [tilespmem:s17+$0x0]  }
0x583: {  	s19 =	rddreg [dreg:$0xb];
	[tilespmem:v57+s3+$0x0] =	vst.idx.msk $0xffff, v50  }
0x584: {  	v61 =	vor.u32 v29, v35;
	v40 =	vld [tilespmem:s19+$0x0];
	s20 =	rddreg [dreg:$0xc]  }
0x585: {  	v62 =	vor.u32 v13, v36;
	[tilespmem:v58+s3+$0x0] =	vst.idx.msk $0xffff, v39;
	v50 =	vld [tilespmem:s20+$0x0]  }
0x586: {  	v63 =	vor.u32 v29, v38;
	v39 =	vld [tilespmem:s14+$0x0];
	[tilespmem:v59+s3+$0x0] =	vst.idx.msk $0xffff, v41  }
0x587: {  	v56 =	vor.u32 v13, v37;
	v41 =	vld [tilespmem:s15+$0x0];
	[tilespmem:v60+s3+$0x0] =	vst.idx.msk $0xffff, v47  }
0x588: {  	s21 =	rddreg [dreg:$0x6]  }
0x589: {  	v57 =	vor.u32 v14, v34;
	[tilespmem:v61+s3+$0x0] =	vst.idx.msk $0xffff, v40;
	v47 =	vld [tilespmem:s21+$0x0]  }
0x58a: {  	s22 =	rddreg [dreg:$0x9];
	[tilespmem:v62+s3+$0x0] =	vst.idx.msk $0xffff, v50  }
0x58b: {  	v58 =	vor.u32 v30, v35;
	v40 =	vld [tilespmem:s22+$0x0];
	s24 =	rddreg [dreg:$0xa];
	[tilespmem:v63+s3+$0x0] =	vst.idx.msk $0xffff, v39  }
0x58c: {  	v59 =	vor.u32 v14, v36;
	[tilespmem:v56+s3+$0x0] =	vst.idx.msk $0xffff, v41;
	v50 =	vld [tilespmem:s24+$0x0]  }
0x58d: {  	v60 =	vor.u32 v30, v38;
	[tilespmem:v44+s3+$0x0] =	vst.idx.msk $0xffff, v46;
	v39 =	vld [tilespmem:s11+$0x0]  }
0x58e: {  	v61 =	vor.u32 v14, v37;
	v41 =	vld [tilespmem:s5+$0x0];
	[tilespmem:v57+s3+$0x0] =	vst.idx.msk $0xffff, v47  }
0x58f: {  	s26 =	rddreg [dreg:$0x5]  }
0x590: {  	v63 =	vor.u32 v15, v34;
	[tilespmem:v58+s3+$0x0] =	vst.idx.msk $0xffff, v40;
	v62 =	vld [tilespmem:s26+$0x0]  }
0x591: {  	[tilespmem:v59+s3+$0x0] =	vst.idx.msk $0xffff, v50  }
0x592: {  	v53 =	vor.u32 v31, v35;
	v40 =	vld [tilespmem:s25+$0x0];
	s28 =	rddreg [dreg:$0x8];
	[tilespmem:v60+s3+$0x0] =	vst.idx.msk $0xffff, v39  }
0x593: {  	v55 =	vor.u32 v15, v36;
	[tilespmem:v61+s3+$0x0] =	vst.idx.msk $0xffff, v41;
	v54 =	vld [tilespmem:s28+$0x0]  }
0x594: {  	v56 =	vor.u32 v31, v38;
	[tilespmem:v45+s3+$0x0] =	vst.idx.msk $0xffff, v43;
	v39 =	vld [tilespmem:s10+$0x0]  }
0x595: {  	v57 =	vor.u32 v15, v37;
	v41 =	vld [tilespmem:s4+$0x0];
	[tilespmem:v63+s3+$0x0] =	vst.idx.msk $0xffff, v62  }
0x596: {  	v33 =	vor.u32 v32, v33;
	v43 =	vld [tilespmem:s12+$0x0];
	s29 =	rddreg [dreg:$0x4]  }
0x597: {  	v58 =	vor.u32 v16, v34;
	[tilespmem:v53+s3+$0x0] =	vst.idx.msk $0xffff, v40;
	v44 =	vld [tilespmem:s29+$0x0]  }
0x598: {  	v59 =	vor.u32 v32, v35;
	v40 =	vld [tilespmem:s23+$0x0];
	[tilespmem:v55+s3+$0x0] =	vst.idx.msk $0xffff, v54  }
0x599: {  	v61 =	vor.u32 v16, v36;
	[tilespmem:v56+s3+$0x0] =	vst.idx.msk $0xffff, v39;
	v60 =	vld [tilespmem:s18+$0x0]  }
0x59a: {  	[tilespmem:v57+s3+$0x0] =	vst.idx.msk $0xffff, v41  }
0x59b: {  	[tilespmem:v33+s3+$0x0] =	vst.idx.msk $0xffff, v43  }
0x59c: {  	v62 =	vor.u32 v32, v38;
	v39 =	vld [tilespmem:s6+$0x0];
	[tilespmem:v58+s3+$0x0] =	vst.idx.msk $0xffff, v44  }
0x59d: {  	v63 =	vor.u32 v16, v37;
	v41 =	vld [tilespmem:s1+$0x0];
	[tilespmem:v59+s3+$0x0] =	vst.idx.msk $0xffff, v40  }
0x59e: {  	[tilespmem:v61+s3+$0x0] =	vst.idx.msk $0xffff, v60  }
0x59f: {  	s30 =	sld [smem:$0x7BB];
	_ =	sdelay $0x1  }
.Ltmp10:
0x5a0: {  	[tilespmem:v62+s3+$0x0] =	vst.idx.msk $0xffff, v39;
	(pc) =	sbr.rel .LBB2_11-.Ltmp10, $4  }
0x5a1: {  	s31 =	rddreg [dreg:$0x2];
	[tilespmem:v63+s3+$0x0] =	vst.idx.msk $0xffff, v41;
	s0 =	smul.u32 $0xC00, s30  }
0x5a2: {  	s4 =	sld [smem:$0x7BC]  }
0x5a3: {  	s6 =	simm.s32 $0x0;
	s0 =	sadd.s32 s31, s0  }
0x5a4: {  	[hbm4b:s0+s6] =	stream.linear.scatter [tilespmem:s3], [sflag:$0x4], $0x6000, $0x38;
	[tilespmem:$0x18000] =	vst v63  }
.LBB2_13:
0x5a5: {  	_ =	sfence.sel $0x180000  }
0x5a6: {  	[bflag:$0x0] =	sbarrier.arrive $0xFFFF  }
0x5a7: {  	_ =	strace $0x90000047  }
0x5a8: {  	s0 =	stileid.u32;
	[bflag:$0x2] =	sbarrier.arrive $0xFFFF  }
0x5a9: {  	p0 =	sne.s32 s0, $0x0;
	s0 =	rddreg [dreg:$0x3]  }
0x5aa: {  	s0 =	sadd.s32 @!p0 $0x100000, s0  }
0x5ab: {  	[sflag:s0] =	ssyncadd.tile.s32 @!p0 $0x1;
	_ =	shalt  }
.Lfunc_end2:
_tile_overlayer_lowered:
.L_overlay_start_2:
0x5ac: {  	(tag) =	ssettag $0x2  }
0x5ad: {  	s0 =	rddreg [dreg:$0x0];
	s2 =	stileid.u32  }
0x5ae: {  	s1 =	rddreg [dreg:$0x1];
	p0 =	sne.s32 s2, $0x0  }
0x5af: {  	s3 =	rddreg [dreg:$0x2];
	[bflag:$0x3] =	sbarrier.arrive $0xFFFF;
	s2 =	simm.s32 @!p0 $0x1C05  }
0x5b0: {  	[timem:s3], [sflag:s2] =	dma.local @!p0 [hbm:s0], s1  }
0x5b1: {  	s0 =	simm.s32 @!p0 $0x5  }
0x5b2: {  	_ =	swait.ge @!p0 [sflag:s0], s1  }
0x5b3: {  	s1 =	ssub.s32 @!p0 $0x0, s1;
	[sflag:s0] =	ssyncset.done @!p0 $0x0  }
0x5b4: {  	[sflag:s0] =	ssyncadd.s32 @!p0 s1  }
0x5b5: {  	[bflag:$0x3] =	sbarrier.arrive $0xFFFF  }
0x5b6: {  	_ =	shalt  }

</sc_bundles>
